<compile_context>
chip_gen: v7x
topology: tpu7x:2x2x1
jax: 0.10.2.dev20260603
libtpu: 0.0.44.dev20260713+nightly
codegen_flags: <defaults>
</compile_context>

<pallas_src>
import functools

import jax
import jax.numpy as jnp
from jax import lax
from jax.experimental import pallas as pl
from jax.experimental.pallas import tpu as pltpu
from jax.experimental.pallas import tpu_sc as plsc

NUM_EPOCHS = 1000000
BATCH = 16384
NT = NUM_EPOCHS + 1
NC = 2
NS = 16
L = 16
NW = NC * NS
BPW = BATCH // NW
GROUPS = BPW // L
CHUNK = 128


def _rsqrt(n2):
    i = plsc.bitcast(n2, jnp.int32)
    i = jnp.int32(0x5F3759DF) - (i >> 1)
    y = plsc.bitcast(i, jnp.float32)
    for _ in range(3):
        y = y * (1.5 - 0.5 * n2 * y * y)
    return y


def _mult(a, b):
    a0, a1, a2, a3 = a
    b0, b1, b2, b3 = b
    return (
        a3 * b0 + a0 * b3 + a1 * b2 - a2 * b1,
        a3 * b1 - a0 * b2 + a1 * b3 + a2 * b0,
        a3 * b2 + a0 * b1 - a1 * b0 + a2 * b3,
        a3 * b3 - a0 * b0 - a1 * b1 - a2 * b2,
    )


def _transform(v, r):
    v0, v1, v2 = v
    r0, r1, r2, r3 = r
    n12 = r0 + r0
    n2 = r1 + r1
    n = r2 + r2
    n11 = r3 * n12
    n10 = r3 * n2
    n9 = r3 * n
    n8 = r0 * n12
    n7 = r0 * n2
    n6 = r0 * n
    n5 = r1 * n2
    n4 = r1 * n
    n3 = r2 * n
    t0 = v0 * (1.0 - n5 - n3) + v1 * (n7 - n9) + v2 * (n6 + n10)
    t1 = v0 * (n7 + n9) + v1 * (1.0 - n8 - n3) + v2 * (n4 - n11)
    t2 = v0 * (n6 - n10) + v1 * (n4 + n11) + v2 * (1.0 - n8 - n5)
    return t0, t1, t2


_MESH = plsc.VectorSubcoreMesh(core_axis_name="c", subcore_axis_name="s")


@functools.partial(
    pl.kernel,
    mesh=_MESH,
    compiler_params=pltpu.CompilerParams(
        needs_layout_passes=False, use_tc_tiling_on_sc=False),
    out_type=[
        jax.ShapeDtypeStruct((BATCH * 4,), jnp.float32),
        jax.ShapeDtypeStruct((BATCH * 3,), jnp.float32),
        jax.ShapeDtypeStruct((NW * L,), jnp.float32),
    ],
    scratch_types=[
        pltpu.VMEM((BPW,), jnp.int32),
        pltpu.VMEM((BPW * 4,), jnp.int32),
        pltpu.VMEM((BPW * 4,), jnp.int32),
        pltpu.VMEM((BPW * 4,), jnp.float32),
        pltpu.VMEM((BPW * 4,), jnp.float32),
        pltpu.VMEM((BPW * 3,), jnp.float32),
        pltpu.VMEM((BPW * 3,), jnp.float32),
        pltpu.VMEM((BPW * 3,), jnp.float32),
        pltpu.VMEM((BPW * 4,), jnp.float32),
        pltpu.VMEM((BPW * 3,), jnp.float32),
        pltpu.VMEM((L,), jnp.float32),
        pltpu.VMEM((L,), jnp.int32),
        pltpu.VMEM((L,), jnp.float32),
        pltpu.VMEM((BPW * 4,), jnp.float32),
        pltpu.VMEM((L,), jnp.float32),
        pltpu.SemaphoreType.DMA,
    ],
)
def _rigid_sc(epoch, acs, gyr, mag, g, speed, quat,
              out_q, out_s, out_p,
              idx_v, ib1_v, ib2_v,
              q1_v, q2_v, s1_v, s2_v,
              acs_v, gyr_v, mag_v, g_v, bidx_v, bnd_v,
              oq_v, p_v, sem):
    wid = lax.axis_index("s") * NC + lax.axis_index("c")
    base = wid * BPW
    iota = lax.iota(jnp.int32, L)

    pltpu.sync_copy(epoch.at[pl.ds(base, BPW)], idx_v)

    def idx_body(grp, _):
        sl = pl.ds(grp * L, L)
        v = idx_v[sl]
        vm = v - 1
        for c in range(4):
            ib1_v[pl.ds(c * BPW + grp * L, L)] = v + (c * NT)
            ib2_v[pl.ds(c * BPW + grp * L, L)] = vm + (c * NT)
        return 0

    lax.fori_loop(0, GROUPS, idx_body, 0)
    bidx_v[...] = jnp.where(
        iota < 3, iota * NT + 1,
        jnp.where(iota < 6, (iota - 3) * NT + (NUM_EPOCHS - 1), 1))

    copies = []
    for m in range(BPW * 4 // CHUNK):
        sl = pl.ds(m * CHUNK, CHUNK)
        copies.append(pltpu.async_copy(quat.at[ib1_v.at[sl]], q1_v.at[sl], sem))
        copies.append(pltpu.async_copy(quat.at[ib2_v.at[sl]], q2_v.at[sl], sem))
    for m in range(BPW * 3 // CHUNK):
        sl = pl.ds(m * CHUNK, CHUNK)
        copies.append(pltpu.async_copy(speed.at[ib1_v.at[sl]], s1_v.at[sl], sem))
        copies.append(pltpu.async_copy(speed.at[ib2_v.at[sl]], s2_v.at[sl], sem))
    copies.append(pltpu.async_copy(speed.at[bidx_v], bnd_v, sem))
    for c in range(3):
        csl = pl.ds(c * BPW, BPW)
        copies.append(pltpu.async_copy(
            acs.at[pl.ds(c * BATCH + base, BPW)], acs_v.at[csl], sem))
        copies.append(pltpu.async_copy(
            mag.at[pl.ds(c * BATCH + base, BPW)], mag_v.at[csl], sem))
    for c in range(4):
        copies.append(pltpu.async_copy(
            gyr.at[pl.ds(c * BATCH + base, BPW)],
            gyr_v.at[pl.ds(c * BPW, BPW)], sem))
    copies.append(pltpu.async_copy(g, g_v, sem))
    for c in copies:
        c.wait()

    g_s = g_v[...]
    zero = jnp.zeros((L,), jnp.float32)

    def body(grp, accs):
        macc, qacc, aacc = accs

        def soa(ref, c):
            return ref[pl.ds(c * BPW + grp * L, L)]

        q1 = tuple(soa(q1_v, c) for c in range(4))
        q2 = tuple(soa(q2_v, c) for c in range(4))
        sp1 = tuple(soa(s1_v, c) for c in range(3))
        sp2 = tuple(soa(s2_v, c) for c in range(3))
        ac = tuple(soa(acs_v, c) for c in range(3))
        gy = tuple(soa(gyr_v, c) for c in range(4))
        mg = tuple(soa(mag_v, c) for c in range(3))

        r1 = _rsqrt(q1[0] * q1[0] + q1[1] * q1[1] + q1[2] * q1[2] + q1[3] * q1[3])
        qt1 = tuple(c * r1 for c in q1)
        r2 = _rsqrt(q2[0] * q2[0] + q2[1] * q2[1] + q2[2] * q2[2] + q2[3] * q2[3])
        qt2 = tuple(c * r2 for c in q2)
        rm = _rsqrt(mg[0] * mg[0] + mg[1] * mg[1] + mg[2] * mg[2])
        ort = tuple(c * rm for c in mg)

        t0, t1, t2 = _transform(ort, qt1)
        d0 = t0 - 1.0
        macc = macc + d0 * d0 + t1 * t1 + t2 * t2

        m = _mult(qt2, gy)
        for c in range(4):
            dq = m[c] - qt1[c]
            qacc = qacc + dq * dq

        a0, a1, a2 = _transform(ac, qt1)
        e0 = a0 - (sp1[0] - sp2[0])
        e1 = a1 - (sp1[1] - sp2[1])
        e2 = (a2 + g_s) - (sp1[2] - sp2[2])
        aacc = aacc + e0 * e0 + e1 * e1 + e2 * e2

        for c in range(4):
            oq_v[pl.ds(c * BPW + grp * L, L)] = qt1[c]
        return macc, qacc, aacc

    macc, qacc, aacc = lax.fori_loop(0, GROUPS, body, (zero, zero, zero))

    bv = bnd_v[...]
    bsum = jnp.sum(jnp.where(iota < 6, bv * bv, 0.0))

    m_s = jnp.sum(macc)
    q_s = jnp.sum(qacc)
    a_s = jnp.sum(aacc)
    p_v[...] = jnp.where(
        iota == 0, m_s,
        jnp.where(iota == 1, q_s,
                  jnp.where(iota == 2, a_s,
                            jnp.where(iota == 3, bsum, 0.0))))

    for c in range(4):
        pltpu.sync_copy(oq_v.at[pl.ds(c * BPW, BPW)],
                        out_q.at[pl.ds(c * BATCH + base, BPW)])
    for c in range(3):
        pltpu.sync_copy(s1_v.at[pl.ds(c * BPW, BPW)],
                        out_s.at[pl.ds(c * BATCH + base, BPW)])
    pltpu.sync_copy(p_v, out_p.at[pl.ds(wid * L, L)])


def kernel(epoch_input, acs_input, gyr_input, mag_input, g, speed, quat):
    g16 = jnp.broadcast_to(jnp.reshape(g, (1,)), (L,))
    outq, outs, outp = _rigid_sc(
        epoch_input.astype(jnp.int32),
        acs_input.T.reshape(-1), gyr_input.T.reshape(-1),
        mag_input.T.reshape(-1), g16,
        speed.T.reshape(-1), quat.T.reshape(-1))
    qt1 = outq.reshape(4, BATCH).T
    speed1 = outs.reshape(3, BATCH).T
    partials = outp.reshape(NW, L)
    mag_loss = jnp.sum(partials[:, 0]) / (BATCH * 3) / 10.0
    quat_loss = jnp.sum(partials[:, 1]) / (BATCH * 4)
    acs_loss = jnp.sum(partials[:, 2]) / (BATCH * 3) * 1e-05
    bnd_loss = partials[0, 3] / 3.0 * 0.01
    total_loss = mag_loss + quat_loss + acs_loss + bnd_loss
    return qt1, speed1, total_loss

# --- scband reference (transcript-rebuilt; emitter-appended) ---
"""Pipeline reference for scband-rigid-model-31250182045943 (READ-ONLY COPY).

The authoritative reference and input builder live on the scoring server;
editing this copy changes nothing except your own understanding.
"""

import jax, jax.numpy as jnp
import numpy as np

NUM_EPOCHS = 1000000
BATCH = 16384
NORTH = jnp.array([1.0, 0.0, 0.0], dtype=jnp.float32)
DOWN = jnp.array([0.0, 0.0, -1.0], dtype=jnp.float32)


def mult(a, b):
    return jnp.stack([
        a[:, 3] * b[:, 0] + a[:, 0] * b[:, 3] + a[:, 1] * b[:, 2] - a[:, 2] * b[:, 1],
        a[:, 3] * b[:, 1] - a[:, 0] * b[:, 2] + a[:, 1] * b[:, 3] + a[:, 2] * b[:, 0],
        a[:, 3] * b[:, 2] + a[:, 0] * b[:, 1] - a[:, 1] * b[:, 0] + a[:, 2] * b[:, 3],
        a[:, 3] * b[:, 3] - a[:, 0] * b[:, 0] - a[:, 1] * b[:, 1] - a[:, 2] * b[:, 2],
    ], axis=1)


def transform(value, rotation):
    num12 = rotation[:, 0] + rotation[:, 0]
    num2 = rotation[:, 1] + rotation[:, 1]
    num = rotation[:, 2] + rotation[:, 2]
    num11 = rotation[:, 3] * num12
    num10 = rotation[:, 3] * num2
    num9 = rotation[:, 3] * num
    num8 = rotation[:, 0] * num12
    num7 = rotation[:, 0] * num2
    num6 = rotation[:, 0] * num
    num5 = rotation[:, 1] * num2
    num4 = rotation[:, 1] * num
    num3 = rotation[:, 2] * num
    num15 = value[:, 0] * (1.0 - num5 - num3) + value[:, 1] * (num7 - num9) + value[:, 2] * (num6 + num10)
    num14 = value[:, 0] * (num7 + num9) + value[:, 1] * (1.0 - num8 - num3) + value[:, 2] * (num4 - num11)
    num13 = value[:, 0] * (num6 - num10) + value[:, 1] * (num4 + num11) + value[:, 2] * (1.0 - num8 - num5)
    return jnp.stack([num15, num14, num13], axis=1)


def _normalize(x):
    n = jnp.linalg.norm(x, axis=-1, keepdims=True)
    return x / n


def setup_inputs(seed: int = 0) -> dict:
    key = jax.random.key(seed)
    k0, k1, k2, k3, k4, k5, k6 = jax.random.split(key, 7)
    # indices in [1, NUM_EPOCHS] so that idx-1 stays a valid non-negative row
    epoch_input = jax.random.randint(k0, (BATCH,), 1, NUM_EPOCHS + 1, dtype=jnp.int64 if jax.config.jax_enable_x64 else jnp.int32)
    acs_input = jax.random.normal(k1, (BATCH, 3), dtype=jnp.float32)
    gyr_input = jax.random.normal(k2, (BATCH, 4), dtype=jnp.float32)
    mag_input = jax.random.normal(k3, (BATCH, 3), dtype=jnp.float32)
    g = jax.random.normal(k4, (1, 1), dtype=jnp.float32) * 0.05
    speed = jax.random.normal(k5, (NUM_EPOCHS + 1, 3), dtype=jnp.float32) * 0.05
    quat = jax.random.normal(k6, (NUM_EPOCHS + 1, 4), dtype=jnp.float32)
    return {"epoch_input": epoch_input, "acs_input": acs_input, "gyr_input": gyr_input, "mag_input": mag_input, "g": g, "speed": speed, "quat": quat}


def reference(epoch_input, acs_input, gyr_input, mag_input, g, speed, quat):
    ort = _normalize(mag_input)
    indices = jnp.reshape(epoch_input, (-1,))
    qt1 = jnp.take(quat, indices, axis=0)
    qt2 = jnp.take(quat, indices - 1, axis=0)
    qt1 = _normalize(qt1)
    qt2 = _normalize(qt2)
    speed1 = jnp.take(speed, indices, axis=0)
    speed2 = jnp.take(speed, indices - 1, axis=0)
    acsi = transform(acs_input, qt1) - jnp.reshape(DOWN, (1, 3)) * jnp.reshape(g, (1, 1))
    acsr = speed1 - speed2
    mag_loss = jnp.mean(jnp.square(transform(ort, qt1) - jnp.reshape(NORTH, (1, 3)))) / 10
    quat_loss = jnp.mean(jnp.square(mult(qt2, gyr_input) - qt1))
    acs_loss = jnp.mean(jnp.square(acsi - acsr)) * 1e-05
    bnd_loss = jnp.mean(jnp.square(speed[1]) + jnp.square(speed[-2])) * 0.01
    total_loss = mag_loss + quat_loss + acs_loss + bnd_loss
    return qt1, speed1, total_loss

if __name__ == "__main__":
    import jax
    _d = setup_inputs()
    print(jax.jit(kernel)(*tuple(_d.values())))

</pallas_src>

<mosaic_0001>
#map = affine_map<(d0, d1) -> (0)>
module attributes {stable_mosaic.version = 14 : i64} {
  func.func @_rigid_sc(%arg0: i32, %arg1: i32, %arg2: memref<16384xi32, #tpu.memory_space<hbm>>, %arg3: memref<49152xf32, #tpu.memory_space<hbm>>, %arg4: memref<65536xf32, #tpu.memory_space<hbm>>, %arg5: memref<49152xf32, #tpu.memory_space<hbm>>, %arg6: memref<16xf32, #tpu.memory_space<hbm>>, %arg7: memref<3000003xf32, #tpu.memory_space<hbm>>, %arg8: memref<4000004xf32, #tpu.memory_space<hbm>>, %arg9: memref<65536xf32, #tpu.memory_space<hbm>>, %arg10: memref<49152xf32, #tpu.memory_space<hbm>>, %arg11: memref<512xf32, #tpu.memory_space<hbm>>, %arg12: memref<512xi32, #tpu.memory_space<vmem>>, %arg13: memref<2048xi32, #tpu.memory_space<vmem>>, %arg14: memref<2048xi32, #tpu.memory_space<vmem>>, %arg15: memref<2048xf32, #tpu.memory_space<vmem>>, %arg16: memref<2048xf32, #tpu.memory_space<vmem>>, %arg17: memref<1536xf32, #tpu.memory_space<vmem>>, %arg18: memref<1536xf32, #tpu.memory_space<vmem>>, %arg19: memref<1536xf32, #tpu.memory_space<vmem>>, %arg20: memref<2048xf32, #tpu.memory_space<vmem>>, %arg21: memref<1536xf32, #tpu.memory_space<vmem>>, %arg22: memref<16xf32, #tpu.memory_space<vmem>>, %arg23: memref<16xi32, #tpu.memory_space<vmem>>, %arg24: memref<16xf32, #tpu.memory_space<vmem>>, %arg25: memref<2048xf32, #tpu.memory_space<vmem>>, %arg26: memref<16xf32, #tpu.memory_space<vmem>>, %arg27: memref<!tpu.dma_semaphore, #tpu.memory_space<semaphore_mem>>) attributes {dimension_semantics = [#tpu.dimension_semantics<core_parallel>, #tpu.dimension_semantics<subcore_parallel>], iteration_bounds = array<i64: 2, 16>, scalar_prefetch = 0 : i64, scratch_operands = 16 : i64, tpu.core_type = #tpu.core_type<sc_vector_subcore>, window_params = [{transform_indices = #map}, {transform_indices = #map}, {transform_indices = #map}, {transform_indices = #map}, {transform_indices = #map}, {transform_indices = #map}, {transform_indices = #map}, {transform_indices = #map}, {transform_indices = #map}, {transform_indices = #map}]} {
    %mul3A = arith.constant 2 : i32
    %mul3A_0 = arith.muli %arg1, %mul3A : i32
    %add3A = arith.addi %mul3A_0, %arg0 : i32
    %mul3A_1 = arith.constant 512 : i32
    %mul3A_2 = arith.muli %add3A, %mul3A_1 : i32
    %iota3A = tpu.iota {dimensions = array<i32: 0>} : vector<16xi32>
    "tpu.region"() ({
      %run_scoped3A = tpu.sem_alloc : memref<!tpu.dma_semaphore, #tpu.memory_space<semaphore_mem>>
      %dma_start3A_916 = tpu.memref_slice %arg2[%mul3A_2] : memref<16384xi32, #tpu.memory_space<hbm>> -> memref<512xi32, #tpu.memory_space<hbm>>
      %dma_start3A_917 = tpu.memref_slice %arg2[%mul3A_2] : memref<16384xi32, #tpu.memory_space<hbm>> -> memref<512xi32, #tpu.memory_space<hbm>>
      tpu.enqueue_dma source(%dma_start3A_917 : memref<512xi32, #tpu.memory_space<hbm>>) target(%arg12 : memref<512xi32, #tpu.memory_space<vmem>>) target_semaphore(%run_scoped3A : memref<!tpu.dma_semaphore, #tpu.memory_space<semaphore_mem>>)
      %dma_wait3A_918 = tpu.memref_slice %arg2[%mul3A_2] : memref<16384xi32, #tpu.memory_space<hbm>> -> memref<512xi32, #tpu.memory_space<hbm>>
      %dma_wait3A_919 = tpu.memref_slice %arg2[%mul3A_2] : memref<16384xi32, #tpu.memory_space<hbm>> -> memref<512xi32, #tpu.memory_space<hbm>>
      tpu.wait_dma2 semaphore(%run_scoped3A : memref<!tpu.dma_semaphore, #tpu.memory_space<semaphore_mem>>) src(%dma_wait3A_919 : memref<512xi32, #tpu.memory_space<hbm>>) dst(%arg12 : memref<512xi32, #tpu.memory_space<vmem>>)
      tpu.yield
    }) : () -> ()
    %scan3A = arith.constant 0 : i32
    %scan3A_3 = arith.constant 0 : i32
    %scan3A_4 = arith.constant 32 : i32
    %scan3A_5 = arith.addi %scan3A_3, %scan3A_4 : i32
    %scan3A_6 = arith.constant 1 : i32
    %scan3A_7 = scf.for %scan3A_916 = %scan3A_3 to %scan3A_5 step %scan3A_6 iter_args(%scan3A_917 = %scan3A) -> (i32)  : i32 {
      %mul3A_918 = arith.constant 16 : i32
      %mul3A_919 = arith.muli %scan3A_916, %mul3A_918 : i32
      %get3A_920 = arith.index_cast %mul3A_919 : i32 to index
      %get3A_921 = tpu.vector_load %arg12[%get3A_920] {strides = array<i32>} : memref<512xi32, #tpu.memory_space<vmem>>, vector<16xi32>,
      %sub3A_922 = arith.constant 1 : i32
      %sub3A_923 = vector.broadcast %sub3A_922 : i32 to vector<16xi32>
      %sub3A_924 = arith.subi %get3A_921, %sub3A_923 : vector<16xi32>
      %add3A_925 = arith.constant 0 : i32
      %add3A_926 = vector.broadcast %add3A_925 : i32 to vector<16xi32>
      %add3A_927 = arith.addi %get3A_921, %add3A_926 : vector<16xi32>
      %mul3A_928 = arith.constant 16 : i32
      %mul3A_929 = arith.muli %scan3A_916, %mul3A_928 : i32
      %add3A_930 = arith.constant 0 : i32
      %add3A_931 = arith.addi %add3A_930, %mul3A_929 : i32
      %swap3A_932 = arith.index_cast %add3A_931 : i32 to index
      %swap3A_933 = tpu.vector_load %arg13[%swap3A_932] {strides = array<i32>} : memref<2048xi32, #tpu.memory_space<vmem>>, vector<16xi32>,
      tpu.vector_store %arg13[%swap3A_932], %add3A_927 {strides = array<i32>} : memref<2048xi32, #tpu.memory_space<vmem>>, vector<16xi32>,
      %add3A_934 = arith.constant 0 : i32
      %add3A_935 = vector.broadcast %add3A_934 : i32 to vector<16xi32>
      %add3A_936 = arith.addi %sub3A_924, %add3A_935 : vector<16xi32>
      %mul3A_937 = arith.constant 16 : i32
      %mul3A_938 = arith.muli %scan3A_916, %mul3A_937 : i32
      %add3A_939 = arith.constant 0 : i32
      %add3A_940 = arith.addi %add3A_939, %mul3A_938 : i32
      %swap3A_941 = arith.index_cast %add3A_940 : i32 to index
      %swap3A_942 = tpu.vector_load %arg14[%swap3A_941] {strides = array<i32>} : memref<2048xi32, #tpu.memory_space<vmem>>, vector<16xi32>,
      tpu.vector_store %arg14[%swap3A_941], %add3A_936 {strides = array<i32>} : memref<2048xi32, #tpu.memory_space<vmem>>, vector<16xi32>,
      %add3A_943 = arith.constant 1000001 : i32
      %add3A_944 = vector.broadcast %add3A_943 : i32 to vector<16xi32>
      %add3A_945 = arith.addi %get3A_921, %add3A_944 : vector<16xi32>
      %mul3A_946 = arith.constant 16 : i32
      %mul3A_947 = arith.muli %scan3A_916, %mul3A_946 : i32
      %add3A_948 = arith.constant 512 : i32
      %add3A_949 = arith.addi %add3A_948, %mul3A_947 : i32
      %swap3A_950 = arith.index_cast %add3A_949 : i32 to index
      %swap3A_951 = tpu.vector_load %arg13[%swap3A_950] {strides = array<i32>} : memref<2048xi32, #tpu.memory_space<vmem>>, vector<16xi32>,
      tpu.vector_store %arg13[%swap3A_950], %add3A_945 {strides = array<i32>} : memref<2048xi32, #tpu.memory_space<vmem>>, vector<16xi32>,
      %add3A_952 = arith.constant 1000001 : i32
      %add3A_953 = vector.broadcast %add3A_952 : i32 to vector<16xi32>
      %add3A_954 = arith.addi %sub3A_924, %add3A_953 : vector<16xi32>
      %mul3A_955 = arith.constant 16 : i32
      %mul3A_956 = arith.muli %scan3A_916, %mul3A_955 : i32
      %add3A_957 = arith.constant 512 : i32
      %add3A_958 = arith.addi %add3A_957, %mul3A_956 : i32
      %swap3A_959 = arith.index_cast %add3A_958 : i32 to index
      %swap3A_960 = tpu.vector_load %arg14[%swap3A_959] {strides = array<i32>} : memref<2048xi32, #tpu.memory_space<vmem>>, vector<16xi32>,
      tpu.vector_store %arg14[%swap3A_959], %add3A_954 {strides = array<i32>} : memref<2048xi32, #tpu.memory_space<vmem>>, vector<16xi32>,
      %add3A_961 = arith.constant 2000002 : i32
      %add3A_962 = vector.broadcast %add3A_961 : i32 to vector<16xi32>
      %add3A_963 = arith.addi %get3A_921, %add3A_962 : vector<16xi32>
      %mul3A_964 = arith.constant 16 : i32
      %mul3A_965 = arith.muli %scan3A_916, %mul3A_964 : i32
      %add3A_966 = arith.constant 1024 : i32
      %add3A_967 = arith.addi %add3A_966, %mul3A_965 : i32
      %swap3A_968 = arith.index_cast %add3A_967 : i32 to index
      %swap3A_969 = tpu.vector_load %arg13[%swap3A_968] {strides = array<i32>} : memref<2048xi32, #tpu.memory_space<vmem>>, vector<16xi32>,
      tpu.vector_store %arg13[%swap3A_968], %add3A_963 {strides = array<i32>} : memref<2048xi32, #tpu.memory_space<vmem>>, vector<16xi32>,
      %add3A_970 = arith.constant 2000002 : i32
      %add3A_971 = vector.broadcast %add3A_970 : i32 to vector<16xi32>
      %add3A_972 = arith.addi %sub3A_924, %add3A_971 : vector<16xi32>
      %mul3A_973 = arith.constant 16 : i32
      %mul3A_974 = arith.muli %scan3A_916, %mul3A_973 : i32
      %add3A_975 = arith.constant 1024 : i32
      %add3A_976 = arith.addi %add3A_975, %mul3A_974 : i32
      %swap3A_977 = arith.index_cast %add3A_976 : i32 to index
      %swap3A_978 = tpu.vector_load %arg14[%swap3A_977] {strides = array<i32>} : memref<2048xi32, #tpu.memory_space<vmem>>, vector<16xi32>,
      tpu.vector_store %arg14[%swap3A_977], %add3A_972 {strides = array<i32>} : memref<2048xi32, #tpu.memory_space<vmem>>, vector<16xi32>,
      %add3A_979 = arith.constant 3000003 : i32
      %add3A_980 = vector.broadcast %add3A_979 : i32 to vector<16xi32>
      %add3A_981 = arith.addi %get3A_921, %add3A_980 : vector<16xi32>
      %mul3A_982 = arith.constant 16 : i32
      %mul3A_983 = arith.muli %scan3A_916, %mul3A_982 : i32
      %add3A_984 = arith.constant 1536 : i32
      %add3A_985 = arith.addi %add3A_984, %mul3A_983 : i32
      %swap3A_986 = arith.index_cast %add3A_985 : i32 to index
      %swap3A_987 = tpu.vector_load %arg13[%swap3A_986] {strides = array<i32>} : memref<2048xi32, #tpu.memory_space<vmem>>, vector<16xi32>,
      tpu.vector_store %arg13[%swap3A_986], %add3A_981 {strides = array<i32>} : memref<2048xi32, #tpu.memory_space<vmem>>, vector<16xi32>,
      %add3A_988 = arith.constant 3000003 : i32
      %add3A_989 = vector.broadcast %add3A_988 : i32 to vector<16xi32>
      %add3A_990 = arith.addi %sub3A_924, %add3A_989 : vector<16xi32>
      %mul3A_991 = arith.constant 16 : i32
      %mul3A_992 = arith.muli %scan3A_916, %mul3A_991 : i32
      %add3A_993 = arith.constant 1536 : i32
      %add3A_994 = arith.addi %add3A_993, %mul3A_992 : i32
      %swap3A_995 = arith.index_cast %add3A_994 : i32 to index
      %swap3A_996 = tpu.vector_load %arg14[%swap3A_995] {strides = array<i32>} : memref<2048xi32, #tpu.memory_space<vmem>>, vector<16xi32>,
      tpu.vector_store %arg14[%swap3A_995], %add3A_990 {strides = array<i32>} : memref<2048xi32, #tpu.memory_space<vmem>>, vector<16xi32>,
      %scan3A_997 = arith.constant 0 : i32
      scf.yield %scan3A_997 : i32
    }
    %scan3A_8 = arith.constant 32 : i32
    %lt3A = arith.constant 3 : i32
    %lt3A_9 = vector.broadcast %lt3A : i32 to vector<16xi32>
    %lt3A_10 = arith.cmpi slt, %iota3A, %lt3A_9 : vector<16xi32>
    %mul3A_11 = arith.constant 1000001 : i32
    %mul3A_12 = vector.broadcast %mul3A_11 : i32 to vector<16xi32>
    %mul3A_13 = arith.muli %iota3A, %mul3A_12 : vector<16xi32>
    %add3A_14 = arith.constant 1 : i32
    %add3A_15 = vector.broadcast %add3A_14 : i32 to vector<16xi32>
    %add3A_16 = arith.addi %mul3A_13, %add3A_15 : vector<16xi32>
    %lt3A_17 = arith.constant 6 : i32
    %lt3A_18 = vector.broadcast %lt3A_17 : i32 to vector<16xi32>
    %lt3A_19 = arith.cmpi slt, %iota3A, %lt3A_18 : vector<16xi32>
    %sub3A = arith.constant 3 : i32
    %sub3A_20 = vector.broadcast %sub3A : i32 to vector<16xi32>
    %sub3A_21 = arith.subi %iota3A, %sub3A_20 : vector<16xi32>
    %mul3A_22 = arith.constant 1000001 : i32
    %mul3A_23 = vector.broadcast %mul3A_22 : i32 to vector<16xi32>
    %mul3A_24 = arith.muli %sub3A_21, %mul3A_23 : vector<16xi32>
    %add3A_25 = arith.constant 999999 : i32
    %add3A_26 = vector.broadcast %add3A_25 : i32 to vector<16xi32>
    %add3A_27 = arith.addi %mul3A_24, %add3A_26 : vector<16xi32>
    %jit3A = arith.constant 1 : i32
    %broadcast_in_dim3A = vector.broadcast %jit3A : i32 to vector<16xi32>
    %select_n3A = arith.select %lt3A_19, %add3A_27, %broadcast_in_dim3A : vector<16xi1>, vector<16xi32>
    %select_n3A_28 = arith.select %lt3A_10, %add3A_16, %select_n3A : vector<16xi1>, vector<16xi32>
    %swap3A = arith.constant 0 : index
    %swap3A_29 = tpu.vector_load %arg23[%swap3A] {strides = array<i32>} : memref<16xi32, #tpu.memory_space<vmem>>, vector<16xi32>,
    tpu.vector_store %arg23[%swap3A], %select_n3A_28 {strides = array<i32>} : memref<16xi32, #tpu.memory_space<vmem>>, vector<16xi32>,
    %dma_start3A = arith.constant 0 : i32
    %dma_start3A_30 = tpu.memref_slice %arg15[%dma_start3A] : memref<2048xf32, #tpu.memory_space<vmem>> -> memref<128xf32, #tpu.memory_space<vmem>>
    %dma_start3A_31 = arith.constant 0 : i32
    %dma_start3A_32 = tpu.memref_slice %arg13[%dma_start3A_31] : memref<2048xi32, #tpu.memory_space<vmem>> -> memref<128xi32, #tpu.memory_space<vmem>>
    %dma_start3A_33 = arith.constant 0 : i32
    %dma_start3A_34 = tpu.memref_slice %arg8[%dma_start3A_33] : memref<4000004xf32, #tpu.memory_space<hbm>> -> memref<4000004xf32, #tpu.memory_space<hbm>>
    tpu.enqueue_indirect_dma source(%dma_start3A_34 : memref<4000004xf32, #tpu.memory_space<hbm>>) target(%dma_start3A_30 : memref<128xf32, #tpu.memory_space<vmem>>) offsets(%dma_start3A_32 : memref<128xi32, #tpu.memory_space<vmem>>) semaphore(%arg27 : memref<!tpu.dma_semaphore, #tpu.memory_space<semaphore_mem>>)
    %dma_start3A_35 = arith.constant 0 : i32
    %dma_start3A_36 = tpu.memref_slice %arg16[%dma_start3A_35] : memref<2048xf32, #tpu.memory_space<vmem>> -> memref<128xf32, #tpu.memory_space<vmem>>
    %dma_start3A_37 = arith.constant 0 : i32
    %dma_start3A_38 = tpu.memref_slice %arg14[%dma_start3A_37] : memref<2048xi32, #tpu.memory_space<vmem>> -> memref<128xi32, #tpu.memory_space<vmem>>
    %dma_start3A_39 = arith.constant 0 : i32
    %dma_start3A_40 = tpu.memref_slice %arg8[%dma_start3A_39] : memref<4000004xf32, #tpu.memory_space<hbm>> -> memref<4000004xf32, #tpu.memory_space<hbm>>
    tpu.enqueue_indirect_dma source(%dma_start3A_40 : memref<4000004xf32, #tpu.memory_space<hbm>>) target(%dma_start3A_36 : memref<128xf32, #tpu.memory_space<vmem>>) offsets(%dma_start3A_38 : memref<128xi32, #tpu.memory_space<vmem>>) semaphore(%arg27 : memref<!tpu.dma_semaphore, #tpu.memory_space<semaphore_mem>>)
    %dma_start3A_41 = arith.constant 128 : i32
    %dma_start3A_42 = tpu.memref_slice %arg15[%dma_start3A_41] : memref<2048xf32, #tpu.memory_space<vmem>> -> memref<128xf32, #tpu.memory_space<vmem>>
    %dma_start3A_43 = arith.constant 128 : i32
    %dma_start3A_44 = tpu.memref_slice %arg13[%dma_start3A_43] : memref<2048xi32, #tpu.memory_space<vmem>> -> memref<128xi32, #tpu.memory_space<vmem>>
    %dma_start3A_45 = arith.constant 0 : i32
    %dma_start3A_46 = tpu.memref_slice %arg8[%dma_start3A_45] : memref<4000004xf32, #tpu.memory_space<hbm>> -> memref<4000004xf32, #tpu.memory_space<hbm>>
    tpu.enqueue_indirect_dma source(%dma_start3A_46 : memref<4000004xf32, #tpu.memory_space<hbm>>) target(%dma_start3A_42 : memref<128xf32, #tpu.memory_space<vmem>>) offsets(%dma_start3A_44 : memref<128xi32, #tpu.memory_space<vmem>>) semaphore(%arg27 : memref<!tpu.dma_semaphore, #tpu.memory_space<semaphore_mem>>)
    %dma_start3A_47 = arith.constant 128 : i32
    %dma_start3A_48 = tpu.memref_slice %arg16[%dma_start3A_47] : memref<2048xf32, #tpu.memory_space<vmem>> -> memref<128xf32, #tpu.memory_space<vmem>>
    %dma_start3A_49 = arith.constant 128 : i32
    %dma_start3A_50 = tpu.memref_slice %arg14[%dma_start3A_49] : memref<2048xi32, #tpu.memory_space<vmem>> -> memref<128xi32, #tpu.memory_space<vmem>>
    %dma_start3A_51 = arith.constant 0 : i32
    %dma_start3A_52 = tpu.memref_slice %arg8[%dma_start3A_51] : memref<4000004xf32, #tpu.memory_space<hbm>> -> memref<4000004xf32, #tpu.memory_space<hbm>>
    tpu.enqueue_indirect_dma source(%dma_start3A_52 : memref<4000004xf32, #tpu.memory_space<hbm>>) target(%dma_start3A_48 : memref<128xf32, #tpu.memory_space<vmem>>) offsets(%dma_start3A_50 : memref<128xi32, #tpu.memory_space<vmem>>) semaphore(%arg27 : memref<!tpu.dma_semaphore, #tpu.memory_space<semaphore_mem>>)
    %dma_start3A_53 = arith.constant 256 : i32
    %dma_start3A_54 = tpu.memref_slice %arg15[%dma_start3A_53] : memref<2048xf32, #tpu.memory_space<vmem>> -> memref<128xf32, #tpu.memory_space<vmem>>
    %dma_start3A_55 = arith.constant 256 : i32
    %dma_start3A_56 = tpu.memref_slice %arg13[%dma_start3A_55] : memref<2048xi32, #tpu.memory_space<vmem>> -> memref<128xi32, #tpu.memory_space<vmem>>
    %dma_start3A_57 = arith.constant 0 : i32
    %dma_start3A_58 = tpu.memref_slice %arg8[%dma_start3A_57] : memref<4000004xf32, #tpu.memory_space<hbm>> -> memref<4000004xf32, #tpu.memory_space<hbm>>
    tpu.enqueue_indirect_dma source(%dma_start3A_58 : memref<4000004xf32, #tpu.memory_space<hbm>>) target(%dma_start3A_54 : memref<128xf32, #tpu.memory_space<vmem>>) offsets(%dma_start3A_56 : memref<128xi32, #tpu.memory_space<vmem>>) semaphore(%arg27 : memref<!tpu.dma_semaphore, #tpu.memory_space<semaphore_mem>>)
    %dma_start3A_59 = arith.constant 256 : i32
    %dma_start3A_60 = tpu.memref_slice %arg16[%dma_start3A_59] : memref<2048xf32, #tpu.memory_space<vmem>> -> memref<128xf32, #tpu.memory_space<vmem>>
    %dma_start3A_61 = arith.constant 256 : i32
    %dma_start3A_62 = tpu.memref_slice %arg14[%dma_start3A_61] : memref<2048xi32, #tpu.memory_space<vmem>> -> memref<128xi32, #tpu.memory_space<vmem>>
    %dma_start3A_63 = arith.constant 0 : i32
    %dma_start3A_64 = tpu.memref_slice %arg8[%dma_start3A_63] : memref<4000004xf32, #tpu.memory_space<hbm>> -> memref<4000004xf32, #tpu.memory_space<hbm>>
    tpu.enqueue_indirect_dma source(%dma_start3A_64 : memref<4000004xf32, #tpu.memory_space<hbm>>) target(%dma_start3A_60 : memref<128xf32, #tpu.memory_space<vmem>>) offsets(%dma_start3A_62 : memref<128xi32, #tpu.memory_space<vmem>>) semaphore(%arg27 : memref<!tpu.dma_semaphore, #tpu.memory_space<semaphore_mem>>)
    %dma_start3A_65 = arith.constant 384 : i32
    %dma_start3A_66 = tpu.memref_slice %arg15[%dma_start3A_65] : memref<2048xf32, #tpu.memory_space<vmem>> -> memref<128xf32, #tpu.memory_space<vmem>>
    %dma_start3A_67 = arith.constant 384 : i32
    %dma_start3A_68 = tpu.memref_slice %arg13[%dma_start3A_67] : memref<2048xi32, #tpu.memory_space<vmem>> -> memref<128xi32, #tpu.memory_space<vmem>>
    %dma_start3A_69 = arith.constant 0 : i32
    %dma_start3A_70 = tpu.memref_slice %arg8[%dma_start3A_69] : memref<4000004xf32, #tpu.memory_space<hbm>> -> memref<4000004xf32, #tpu.memory_space<hbm>>
    tpu.enqueue_indirect_dma source(%dma_start3A_70 : memref<4000004xf32, #tpu.memory_space<hbm>>) target(%dma_start3A_66 : memref<128xf32, #tpu.memory_space<vmem>>) offsets(%dma_start3A_68 : memref<128xi32, #tpu.memory_space<vmem>>) semaphore(%arg27 : memref<!tpu.dma_semaphore, #tpu.memory_space<semaphore_mem>>)
    %dma_start3A_71 = arith.constant 384 : i32
    %dma_start3A_72 = tpu.memref_slice %arg16[%dma_start3A_71] : memref<2048xf32, #tpu.memory_space<vmem>> -> memref<128xf32, #tpu.memory_space<vmem>>
    %dma_start3A_73 = arith.constant 384 : i32
    %dma_start3A_74 = tpu.memref_slice %arg14[%dma_start3A_73] : memref<2048xi32, #tpu.memory_space<vmem>> -> memref<128xi32, #tpu.memory_space<vmem>>
    %dma_start3A_75 = arith.constant 0 : i32
    %dma_start3A_76 = tpu.memref_slice %arg8[%dma_start3A_75] : memref<4000004xf32, #tpu.memory_space<hbm>> -> memref<4000004xf32, #tpu.memory_space<hbm>>
    tpu.enqueue_indirect_dma source(%dma_start3A_76 : memref<4000004xf32, #tpu.memory_space<hbm>>) target(%dma_start3A_72 : memref<128xf32, #tpu.memory_space<vmem>>) offsets(%dma_start3A_74 : memref<128xi32, #tpu.memory_space<vmem>>) semaphore(%arg27 : memref<!tpu.dma_semaphore, #tpu.memory_space<semaphore_mem>>)
    %dma_start3A_77 = arith.constant 512 : i32
    %dma_start3A_78 = tpu.memref_slice %arg15[%dma_start3A_77] : memref<2048xf32, #tpu.memory_space<vmem>> -> memref<128xf32, #tpu.memory_space<vmem>>
    %dma_start3A_79 = arith.constant 512 : i32
    %dma_start3A_80 = tpu.memref_slice %arg13[%dma_start3A_79] : memref<2048xi32, #tpu.memory_space<vmem>> -> memref<128xi32, #tpu.memory_space<vmem>>
    %dma_start3A_81 = arith.constant 0 : i32
    %dma_start3A_82 = tpu.memref_slice %arg8[%dma_start3A_81] : memref<4000004xf32, #tpu.memory_space<hbm>> -> memref<4000004xf32, #tpu.memory_space<hbm>>
    tpu.enqueue_indirect_dma source(%dma_start3A_82 : memref<4000004xf32, #tpu.memory_space<hbm>>) target(%dma_start3A_78 : memref<128xf32, #tpu.memory_space<vmem>>) offsets(%dma_start3A_80 : memref<128xi32, #tpu.memory_space<vmem>>) semaphore(%arg27 : memref<!tpu.dma_semaphore, #tpu.memory_space<semaphore_mem>>)
    %dma_start3A_83 = arith.constant 512 : i32
    %dma_start3A_84 = tpu.memref_slice %arg16[%dma_start3A_83] : memref<2048xf32, #tpu.memory_space<vmem>> -> memref<128xf32, #tpu.memory_space<vmem>>
    %dma_start3A_85 = arith.constant 512 : i32
    %dma_start3A_86 = tpu.memref_slice %arg14[%dma_start3A_85] : memref<2048xi32, #tpu.memory_space<vmem>> -> memref<128xi32, #tpu.memory_space<vmem>>
    %dma_start3A_87 = arith.constant 0 : i32
    %dma_start3A_88 = tpu.memref_slice %arg8[%dma_start3A_87] : memref<4000004xf32, #tpu.memory_space<hbm>> -> memref<4000004xf32, #tpu.memory_space<hbm>>
    tpu.enqueue_indirect_dma source(%dma_start3A_88 : memref<4000004xf32, #tpu.memory_space<hbm>>) target(%dma_start3A_84 : memref<128xf32, #tpu.memory_space<vmem>>) offsets(%dma_start3A_86 : memref<128xi32, #tpu.memory_space<vmem>>) semaphore(%arg27 : memref<!tpu.dma_semaphore, #tpu.memory_space<semaphore_mem>>)
    %dma_start3A_89 = arith.constant 640 : i32
    %dma_start3A_90 = tpu.memref_slice %arg15[%dma_start3A_89] : memref<2048xf32, #tpu.memory_space<vmem>> -> memref<128xf32, #tpu.memory_space<vmem>>
    %dma_start3A_91 = arith.constant 640 : i32
    %dma_start3A_92 = tpu.memref_slice %arg13[%dma_start3A_91] : memref<2048xi32, #tpu.memory_space<vmem>> -> memref<128xi32, #tpu.memory_space<vmem>>
    %dma_start3A_93 = arith.constant 0 : i32
    %dma_start3A_94 = tpu.memref_slice %arg8[%dma_start3A_93] : memref<4000004xf32, #tpu.memory_space<hbm>> -> memref<4000004xf32, #tpu.memory_space<hbm>>
    tpu.enqueue_indirect_dma source(%dma_start3A_94 : memref<4000004xf32, #tpu.memory_space<hbm>>) target(%dma_start3A_90 : memref<128xf32, #tpu.memory_space<vmem>>) offsets(%dma_start3A_92 : memref<128xi32, #tpu.memory_space<vmem>>) semaphore(%arg27 : memref<!tpu.dma_semaphore, #tpu.memory_space<semaphore_mem>>)
    %dma_start3A_95 = arith.constant 640 : i32
    %dma_start3A_96 = tpu.memref_slice %arg16[%dma_start3A_95] : memref<2048xf32, #tpu.memory_space<vmem>> -> memref<128xf32, #tpu.memory_space<vmem>>
    %dma_start3A_97 = arith.constant 640 : i32
    %dma_start3A_98 = tpu.memref_slice %arg14[%dma_start3A_97] : memref<2048xi32, #tpu.memory_space<vmem>> -> memref<128xi32, #tpu.memory_space<vmem>>
    %dma_start3A_99 = arith.constant 0 : i32
    %dma_start3A_100 = tpu.memref_slice %arg8[%dma_start3A_99] : memref<4000004xf32, #tpu.memory_space<hbm>> -> memref<4000004xf32, #tpu.memory_space<hbm>>
    tpu.enqueue_indirect_dma source(%dma_start3A_100 : memref<4000004xf32, #tpu.memory_space<hbm>>) target(%dma_start3A_96 : memref<128xf32, #tpu.memory_space<vmem>>) offsets(%dma_start3A_98 : memref<128xi32, #tpu.memory_space<vmem>>) semaphore(%arg27 : memref<!tpu.dma_semaphore, #tpu.memory_space<semaphore_mem>>)
    %dma_start3A_101 = arith.constant 768 : i32
    %dma_start3A_102 = tpu.memref_slice %arg15[%dma_start3A_101] : memref<2048xf32, #tpu.memory_space<vmem>> -> memref<128xf32, #tpu.memory_space<vmem>>
    %dma_start3A_103 = arith.constant 768 : i32
    %dma_start3A_104 = tpu.memref_slice %arg13[%dma_start3A_103] : memref<2048xi32, #tpu.memory_space<vmem>> -> memref<128xi32, #tpu.memory_space<vmem>>
    %dma_start3A_105 = arith.constant 0 : i32
    %dma_start3A_106 = tpu.memref_slice %arg8[%dma_start3A_105] : memref<4000004xf32, #tpu.memory_space<hbm>> -> memref<4000004xf32, #tpu.memory_space<hbm>>
    tpu.enqueue_indirect_dma source(%dma_start3A_106 : memref<4000004xf32, #tpu.memory_space<hbm>>) target(%dma_start3A_102 : memref<128xf32, #tpu.memory_space<vmem>>) offsets(%dma_start3A_104 : memref<128xi32, #tpu.memory_space<vmem>>) semaphore(%arg27 : memref<!tpu.dma_semaphore, #tpu.memory_space<semaphore_mem>>)
    %dma_start3A_107 = arith.constant 768 : i32
    %dma_start3A_108 = tpu.memref_slice %arg16[%dma_start3A_107] : memref<2048xf32, #tpu.memory_space<vmem>> -> memref<128xf32, #tpu.memory_space<vmem>>
    %dma_start3A_109 = arith.constant 768 : i32
    %dma_start3A_110 = tpu.memref_slice %arg14[%dma_start3A_109] : memref<2048xi32, #tpu.memory_space<vmem>> -> memref<128xi32, #tpu.memory_space<vmem>>
    %dma_start3A_111 = arith.constant 0 : i32
    %dma_start3A_112 = tpu.memref_slice %arg8[%dma_start3A_111] : memref<4000004xf32, #tpu.memory_space<hbm>> -> memref<4000004xf32, #tpu.memory_space<hbm>>
    tpu.enqueue_indirect_dma source(%dma_start3A_112 : memref<4000004xf32, #tpu.memory_space<hbm>>) target(%dma_start3A_108 : memref<128xf32, #tpu.memory_space<vmem>>) offsets(%dma_start3A_110 : memref<128xi32, #tpu.memory_space<vmem>>) semaphore(%arg27 : memref<!tpu.dma_semaphore, #tpu.memory_space<semaphore_mem>>)
    %dma_start3A_113 = arith.constant 896 : i32
    %dma_start3A_114 = tpu.memref_slice %arg15[%dma_start3A_113] : memref<2048xf32, #tpu.memory_space<vmem>> -> memref<128xf32, #tpu.memory_space<vmem>>
    %dma_start3A_115 = arith.constant 896 : i32
    %dma_start3A_116 = tpu.memref_slice %arg13[%dma_start3A_115] : memref<2048xi32, #tpu.memory_space<vmem>> -> memref<128xi32, #tpu.memory_space<vmem>>
    %dma_start3A_117 = arith.constant 0 : i32
    %dma_start3A_118 = tpu.memref_slice %arg8[%dma_start3A_117] : memref<4000004xf32, #tpu.memory_space<hbm>> -> memref<4000004xf32, #tpu.memory_space<hbm>>
    tpu.enqueue_indirect_dma source(%dma_start3A_118 : memref<4000004xf32, #tpu.memory_space<hbm>>) target(%dma_start3A_114 : memref<128xf32, #tpu.memory_space<vmem>>) offsets(%dma_start3A_116 : memref<128xi32, #tpu.memory_space<vmem>>) semaphore(%arg27 : memref<!tpu.dma_semaphore, #tpu.memory_space<semaphore_mem>>)
    %dma_start3A_119 = arith.constant 896 : i32
    %dma_start3A_120 = tpu.memref_slice %arg16[%dma_start3A_119] : memref<2048xf32, #tpu.memory_space<vmem>> -> memref<128xf32, #tpu.memory_space<vmem>>
    %dma_start3A_121 = arith.constant 896 : i32
    %dma_start3A_122 = tpu.memref_slice %arg14[%dma_start3A_121] : memref<2048xi32, #tpu.memory_space<vmem>> -> memref<128xi32, #tpu.memory_space<vmem>>
    %dma_start3A_123 = arith.constant 0 : i32
    %dma_start3A_124 = tpu.memref_slice %arg8[%dma_start3A_123] : memref<4000004xf32, #tpu.memory_space<hbm>> -> memref<4000004xf32, #tpu.memory_space<hbm>>
    tpu.enqueue_indirect_dma source(%dma_start3A_124 : memref<4000004xf32, #tpu.memory_space<hbm>>) target(%dma_start3A_120 : memref<128xf32, #tpu.memory_space<vmem>>) offsets(%dma_start3A_122 : memref<128xi32, #tpu.memory_space<vmem>>) semaphore(%arg27 : memref<!tpu.dma_semaphore, #tpu.memory_space<semaphore_mem>>)
    %dma_start3A_125 = arith.constant 1024 : i32
    %dma_start3A_126 = tpu.memref_slice %arg15[%dma_start3A_125] : memref<2048xf32, #tpu.memory_space<vmem>> -> memref<128xf32, #tpu.memory_space<vmem>>
    %dma_start3A_127 = arith.constant 1024 : i32
    %dma_start3A_128 = tpu.memref_slice %arg13[%dma_start3A_127] : memref<2048xi32, #tpu.memory_space<vmem>> -> memref<128xi32, #tpu.memory_space<vmem>>
    %dma_start3A_129 = arith.constant 0 : i32
    %dma_start3A_130 = tpu.memref_slice %arg8[%dma_start3A_129] : memref<4000004xf32, #tpu.memory_space<hbm>> -> memref<4000004xf32, #tpu.memory_space<hbm>>
    tpu.enqueue_indirect_dma source(%dma_start3A_130 : memref<4000004xf32, #tpu.memory_space<hbm>>) target(%dma_start3A_126 : memref<128xf32, #tpu.memory_space<vmem>>) offsets(%dma_start3A_128 : memref<128xi32, #tpu.memory_space<vmem>>) semaphore(%arg27 : memref<!tpu.dma_semaphore, #tpu.memory_space<semaphore_mem>>)
    %dma_start3A_131 = arith.constant 1024 : i32
    %dma_start3A_132 = tpu.memref_slice %arg16[%dma_start3A_131] : memref<2048xf32, #tpu.memory_space<vmem>> -> memref<128xf32, #tpu.memory_space<vmem>>
    %dma_start3A_133 = arith.constant 1024 : i32
    %dma_start3A_134 = tpu.memref_slice %arg14[%dma_start3A_133] : memref<2048xi32, #tpu.memory_space<vmem>> -> memref<128xi32, #tpu.memory_space<vmem>>
    %dma_start3A_135 = arith.constant 0 : i32
    %dma_start3A_136 = tpu.memref_slice %arg8[%dma_start3A_135] : memref<4000004xf32, #tpu.memory_space<hbm>> -> memref<4000004xf32, #tpu.memory_space<hbm>>
    tpu.enqueue_indirect_dma source(%dma_start3A_136 : memref<4000004xf32, #tpu.memory_space<hbm>>) target(%dma_start3A_132 : memref<128xf32, #tpu.memory_space<vmem>>) offsets(%dma_start3A_134 : memref<128xi32, #tpu.memory_space<vmem>>) semaphore(%arg27 : memref<!tpu.dma_semaphore, #tpu.memory_space<semaphore_mem>>)
    %dma_start3A_137 = arith.constant 1152 : i32
    %dma_start3A_138 = tpu.memref_slice %arg15[%dma_start3A_137] : memref<2048xf32, #tpu.memory_space<vmem>> -> memref<128xf32, #tpu.memory_space<vmem>>
    %dma_start3A_139 = arith.constant 1152 : i32
    %dma_start3A_140 = tpu.memref_slice %arg13[%dma_start3A_139] : memref<2048xi32, #tpu.memory_space<vmem>> -> memref<128xi32, #tpu.memory_space<vmem>>
    %dma_start3A_141 = arith.constant 0 : i32
    %dma_start3A_142 = tpu.memref_slice %arg8[%dma_start3A_141] : memref<4000004xf32, #tpu.memory_space<hbm>> -> memref<4000004xf32, #tpu.memory_space<hbm>>
    tpu.enqueue_indirect_dma source(%dma_start3A_142 : memref<4000004xf32, #tpu.memory_space<hbm>>) target(%dma_start3A_138 : memref<128xf32, #tpu.memory_space<vmem>>) offsets(%dma_start3A_140 : memref<128xi32, #tpu.memory_space<vmem>>) semaphore(%arg27 : memref<!tpu.dma_semaphore, #tpu.memory_space<semaphore_mem>>)
    %dma_start3A_143 = arith.constant 1152 : i32
    %dma_start3A_144 = tpu.memref_slice %arg16[%dma_start3A_143] : memref<2048xf32, #tpu.memory_space<vmem>> -> memref<128xf32, #tpu.memory_space<vmem>>
    %dma_start3A_145 = arith.constant 1152 : i32
    %dma_start3A_146 = tpu.memref_slice %arg14[%dma_start3A_145] : memref<2048xi32, #tpu.memory_space<vmem>> -> memref<128xi32, #tpu.memory_space<vmem>>
    %dma_start3A_147 = arith.constant 0 : i32
    %dma_start3A_148 = tpu.memref_slice %arg8[%dma_start3A_147] : memref<4000004xf32, #tpu.memory_space<hbm>> -> memref<4000004xf32, #tpu.memory_space<hbm>>
    tpu.enqueue_indirect_dma source(%dma_start3A_148 : memref<4000004xf32, #tpu.memory_space<hbm>>) target(%dma_start3A_144 : memref<128xf32, #tpu.memory_space<vmem>>) offsets(%dma_start3A_146 : memref<128xi32, #tpu.memory_space<vmem>>) semaphore(%arg27 : memref<!tpu.dma_semaphore, #tpu.memory_space<semaphore_mem>>)
    %dma_start3A_149 = arith.constant 1280 : i32
    %dma_start3A_150 = tpu.memref_slice %arg15[%dma_start3A_149] : memref<2048xf32, #tpu.memory_space<vmem>> -> memref<128xf32, #tpu.memory_space<vmem>>
    %dma_start3A_151 = arith.constant 1280 : i32
    %dma_start3A_152 = tpu.memref_slice %arg13[%dma_start3A_151] : memref<2048xi32, #tpu.memory_space<vmem>> -> memref<128xi32, #tpu.memory_space<vmem>>
    %dma_start3A_153 = arith.constant 0 : i32
    %dma_start3A_154 = tpu.memref_slice %arg8[%dma_start3A_153] : memref<4000004xf32, #tpu.memory_space<hbm>> -> memref<4000004xf32, #tpu.memory_space<hbm>>
    tpu.enqueue_indirect_dma source(%dma_start3A_154 : memref<4000004xf32, #tpu.memory_space<hbm>>) target(%dma_start3A_150 : memref<128xf32, #tpu.memory_space<vmem>>) offsets(%dma_start3A_152 : memref<128xi32, #tpu.memory_space<vmem>>) semaphore(%arg27 : memref<!tpu.dma_semaphore, #tpu.memory_space<semaphore_mem>>)
    %dma_start3A_155 = arith.constant 1280 : i32
    %dma_start3A_156 = tpu.memref_slice %arg16[%dma_start3A_155] : memref<2048xf32, #tpu.memory_space<vmem>> -> memref<128xf32, #tpu.memory_space<vmem>>
    %dma_start3A_157 = arith.constant 1280 : i32
    %dma_start3A_158 = tpu.memref_slice %arg14[%dma_start3A_157] : memref<2048xi32, #tpu.memory_space<vmem>> -> memref<128xi32, #tpu.memory_space<vmem>>
    %dma_start3A_159 = arith.constant 0 : i32
    %dma_start3A_160 = tpu.memref_slice %arg8[%dma_start3A_159] : memref<4000004xf32, #tpu.memory_space<hbm>> -> memref<4000004xf32, #tpu.memory_space<hbm>>
    tpu.enqueue_indirect_dma source(%dma_start3A_160 : memref<4000004xf32, #tpu.memory_space<hbm>>) target(%dma_start3A_156 : memref<128xf32, #tpu.memory_space<vmem>>) offsets(%dma_start3A_158 : memref<128xi32, #tpu.memory_space<vmem>>) semaphore(%arg27 : memref<!tpu.dma_semaphore, #tpu.memory_space<semaphore_mem>>)
    %dma_start3A_161 = arith.constant 1408 : i32
    %dma_start3A_162 = tpu.memref_slice %arg15[%dma_start3A_161] : memref<2048xf32, #tpu.memory_space<vmem>> -> memref<128xf32, #tpu.memory_space<vmem>>
    %dma_start3A_163 = arith.constant 1408 : i32
    %dma_start3A_164 = tpu.memref_slice %arg13[%dma_start3A_163] : memref<2048xi32, #tpu.memory_space<vmem>> -> memref<128xi32, #tpu.memory_space<vmem>>
    %dma_start3A_165 = arith.constant 0 : i32
    %dma_start3A_166 = tpu.memref_slice %arg8[%dma_start3A_165] : memref<4000004xf32, #tpu.memory_space<hbm>> -> memref<4000004xf32, #tpu.memory_space<hbm>>
    tpu.enqueue_indirect_dma source(%dma_start3A_166 : memref<4000004xf32, #tpu.memory_space<hbm>>) target(%dma_start3A_162 : memref<128xf32, #tpu.memory_space<vmem>>) offsets(%dma_start3A_164 : memref<128xi32, #tpu.memory_space<vmem>>) semaphore(%arg27 : memref<!tpu.dma_semaphore, #tpu.memory_space<semaphore_mem>>)
    %dma_start3A_167 = arith.constant 1408 : i32
    %dma_start3A_168 = tpu.memref_slice %arg16[%dma_start3A_167] : memref<2048xf32, #tpu.memory_space<vmem>> -> memref<128xf32, #tpu.memory_space<vmem>>
    %dma_start3A_169 = arith.constant 1408 : i32
    %dma_start3A_170 = tpu.memref_slice %arg14[%dma_start3A_169] : memref<2048xi32, #tpu.memory_space<vmem>> -> memref<128xi32, #tpu.memory_space<vmem>>
    %dma_start3A_171 = arith.constant 0 : i32
    %dma_start3A_172 = tpu.memref_slice %arg8[%dma_start3A_171] : memref<4000004xf32, #tpu.memory_space<hbm>> -> memref<4000004xf32, #tpu.memory_space<hbm>>
    tpu.enqueue_indirect_dma source(%dma_start3A_172 : memref<4000004xf32, #tpu.memory_space<hbm>>) target(%dma_start3A_168 : memref<128xf32, #tpu.memory_space<vmem>>) offsets(%dma_start3A_170 : memref<128xi32, #tpu.memory_space<vmem>>) semaphore(%arg27 : memref<!tpu.dma_semaphore, #tpu.memory_space<semaphore_mem>>)
    %dma_start3A_173 = arith.constant 1536 : i32
    %dma_start3A_174 = tpu.memref_slice %arg15[%dma_start3A_173] : memref<2048xf32, #tpu.memory_space<vmem>> -> memref<128xf32, #tpu.memory_space<vmem>>
    %dma_start3A_175 = arith.constant 1536 : i32
    %dma_start3A_176 = tpu.memref_slice %arg13[%dma_start3A_175] : memref<2048xi32, #tpu.memory_space<vmem>> -> memref<128xi32, #tpu.memory_space<vmem>>
    %dma_start3A_177 = arith.constant 0 : i32
    %dma_start3A_178 = tpu.memref_slice %arg8[%dma_start3A_177] : memref<4000004xf32, #tpu.memory_space<hbm>> -> memref<4000004xf32, #tpu.memory_space<hbm>>
    tpu.enqueue_indirect_dma source(%dma_start3A_178 : memref<4000004xf32, #tpu.memory_space<hbm>>) target(%dma_start3A_174 : memref<128xf32, #tpu.memory_space<vmem>>) offsets(%dma_start3A_176 : memref<128xi32, #tpu.memory_space<vmem>>) semaphore(%arg27 : memref<!tpu.dma_semaphore, #tpu.memory_space<semaphore_mem>>)
    %dma_start3A_179 = arith.constant 1536 : i32
    %dma_start3A_180 = tpu.memref_slice %arg16[%dma_start3A_179] : memref<2048xf32, #tpu.memory_space<vmem>> -> memref<128xf32, #tpu.memory_space<vmem>>
    %dma_start3A_181 = arith.constant 1536 : i32
    %dma_start3A_182 = tpu.memref_slice %arg14[%dma_start3A_181] : memref<2048xi32, #tpu.memory_space<vmem>> -> memref<128xi32, #tpu.memory_space<vmem>>
    %dma_start3A_183 = arith.constant 0 : i32
    %dma_start3A_184 = tpu.memref_slice %arg8[%dma_start3A_183] : memref<4000004xf32, #tpu.memory_space<hbm>> -> memref<4000004xf32, #tpu.memory_space<hbm>>
    tpu.enqueue_indirect_dma source(%dma_start3A_184 : memref<4000004xf32, #tpu.memory_space<hbm>>) target(%dma_start3A_180 : memref<128xf32, #tpu.memory_space<vmem>>) offsets(%dma_start3A_182 : memref<128xi32, #tpu.memory_space<vmem>>) semaphore(%arg27 : memref<!tpu.dma_semaphore, #tpu.memory_space<semaphore_mem>>)
    %dma_start3A_185 = arith.constant 1664 : i32
    %dma_start3A_186 = tpu.memref_slice %arg15[%dma_start3A_185] : memref<2048xf32, #tpu.memory_space<vmem>> -> memref<128xf32, #tpu.memory_space<vmem>>
    %dma_start3A_187 = arith.constant 1664 : i32
    %dma_start3A_188 = tpu.memref_slice %arg13[%dma_start3A_187] : memref<2048xi32, #tpu.memory_space<vmem>> -> memref<128xi32, #tpu.memory_space<vmem>>
    %dma_start3A_189 = arith.constant 0 : i32
    %dma_start3A_190 = tpu.memref_slice %arg8[%dma_start3A_189] : memref<4000004xf32, #tpu.memory_space<hbm>> -> memref<4000004xf32, #tpu.memory_space<hbm>>
    tpu.enqueue_indirect_dma source(%dma_start3A_190 : memref<4000004xf32, #tpu.memory_space<hbm>>) target(%dma_start3A_186 : memref<128xf32, #tpu.memory_space<vmem>>) offsets(%dma_start3A_188 : memref<128xi32, #tpu.memory_space<vmem>>) semaphore(%arg27 : memref<!tpu.dma_semaphore, #tpu.memory_space<semaphore_mem>>)
    %dma_start3A_191 = arith.constant 1664 : i32
    %dma_start3A_192 = tpu.memref_slice %arg16[%dma_start3A_191] : memref<2048xf32, #tpu.memory_space<vmem>> -> memref<128xf32, #tpu.memory_space<vmem>>
    %dma_start3A_193 = arith.constant 1664 : i32
    %dma_start3A_194 = tpu.memref_slice %arg14[%dma_start3A_193] : memref<2048xi32, #tpu.memory_space<vmem>> -> memref<128xi32, #tpu.memory_space<vmem>>
    %dma_start3A_195 = arith.constant 0 : i32
    %dma_start3A_196 = tpu.memref_slice %arg8[%dma_start3A_195] : memref<4000004xf32, #tpu.memory_space<hbm>> -> memref<4000004xf32, #tpu.memory_space<hbm>>
    tpu.enqueue_indirect_dma source(%dma_start3A_196 : memref<4000004xf32, #tpu.memory_space<hbm>>) target(%dma_start3A_192 : memref<128xf32, #tpu.memory_space<vmem>>) offsets(%dma_start3A_194 : memref<128xi32, #tpu.memory_space<vmem>>) semaphore(%arg27 : memref<!tpu.dma_semaphore, #tpu.memory_space<semaphore_mem>>)
    %dma_start3A_197 = arith.constant 1792 : i32
    %dma_start3A_198 = tpu.memref_slice %arg15[%dma_start3A_197] : memref<2048xf32, #tpu.memory_space<vmem>> -> memref<128xf32, #tpu.memory_space<vmem>>
    %dma_start3A_199 = arith.constant 1792 : i32
    %dma_start3A_200 = tpu.memref_slice %arg13[%dma_start3A_199] : memref<2048xi32, #tpu.memory_space<vmem>> -> memref<128xi32, #tpu.memory_space<vmem>>
    %dma_start3A_201 = arith.constant 0 : i32
    %dma_start3A_202 = tpu.memref_slice %arg8[%dma_start3A_201] : memref<4000004xf32, #tpu.memory_space<hbm>> -> memref<4000004xf32, #tpu.memory_space<hbm>>
    tpu.enqueue_indirect_dma source(%dma_start3A_202 : memref<4000004xf32, #tpu.memory_space<hbm>>) target(%dma_start3A_198 : memref<128xf32, #tpu.memory_space<vmem>>) offsets(%dma_start3A_200 : memref<128xi32, #tpu.memory_space<vmem>>) semaphore(%arg27 : memref<!tpu.dma_semaphore, #tpu.memory_space<semaphore_mem>>)
    %dma_start3A_203 = arith.constant 1792 : i32
    %dma_start3A_204 = tpu.memref_slice %arg16[%dma_start3A_203] : memref<2048xf32, #tpu.memory_space<vmem>> -> memref<128xf32, #tpu.memory_space<vmem>>
    %dma_start3A_205 = arith.constant 1792 : i32
    %dma_start3A_206 = tpu.memref_slice %arg14[%dma_start3A_205] : memref<2048xi32, #tpu.memory_space<vmem>> -> memref<128xi32, #tpu.memory_space<vmem>>
    %dma_start3A_207 = arith.constant 0 : i32
    %dma_start3A_208 = tpu.memref_slice %arg8[%dma_start3A_207] : memref<4000004xf32, #tpu.memory_space<hbm>> -> memref<4000004xf32, #tpu.memory_space<hbm>>
    tpu.enqueue_indirect_dma source(%dma_start3A_208 : memref<4000004xf32, #tpu.memory_space<hbm>>) target(%dma_start3A_204 : memref<128xf32, #tpu.memory_space<vmem>>) offsets(%dma_start3A_206 : memref<128xi32, #tpu.memory_space<vmem>>) semaphore(%arg27 : memref<!tpu.dma_semaphore, #tpu.memory_space<semaphore_mem>>)
    %dma_start3A_209 = arith.constant 1920 : i32
    %dma_start3A_210 = tpu.memref_slice %arg15[%dma_start3A_209] : memref<2048xf32, #tpu.memory_space<vmem>> -> memref<128xf32, #tpu.memory_space<vmem>>
    %dma_start3A_211 = arith.constant 1920 : i32
    %dma_start3A_212 = tpu.memref_slice %arg13[%dma_start3A_211] : memref<2048xi32, #tpu.memory_space<vmem>> -> memref<128xi32, #tpu.memory_space<vmem>>
    %dma_start3A_213 = arith.constant 0 : i32
    %dma_start3A_214 = tpu.memref_slice %arg8[%dma_start3A_213] : memref<4000004xf32, #tpu.memory_space<hbm>> -> memref<4000004xf32, #tpu.memory_space<hbm>>
    tpu.enqueue_indirect_dma source(%dma_start3A_214 : memref<4000004xf32, #tpu.memory_space<hbm>>) target(%dma_start3A_210 : memref<128xf32, #tpu.memory_space<vmem>>) offsets(%dma_start3A_212 : memref<128xi32, #tpu.memory_space<vmem>>) semaphore(%arg27 : memref<!tpu.dma_semaphore, #tpu.memory_space<semaphore_mem>>)
    %dma_start3A_215 = arith.constant 1920 : i32
    %dma_start3A_216 = tpu.memref_slice %arg16[%dma_start3A_215] : memref<2048xf32, #tpu.memory_space<vmem>> -> memref<128xf32, #tpu.memory_space<vmem>>
    %dma_start3A_217 = arith.constant 1920 : i32
    %dma_start3A_218 = tpu.memref_slice %arg14[%dma_start3A_217] : memref<2048xi32, #tpu.memory_space<vmem>> -> memref<128xi32, #tpu.memory_space<vmem>>
    %dma_start3A_219 = arith.constant 0 : i32
    %dma_start3A_220 = tpu.memref_slice %arg8[%dma_start3A_219] : memref<4000004xf32, #tpu.memory_space<hbm>> -> memref<4000004xf32, #tpu.memory_space<hbm>>
    tpu.enqueue_indirect_dma source(%dma_start3A_220 : memref<4000004xf32, #tpu.memory_space<hbm>>) target(%dma_start3A_216 : memref<128xf32, #tpu.memory_space<vmem>>) offsets(%dma_start3A_218 : memref<128xi32, #tpu.memory_space<vmem>>) semaphore(%arg27 : memref<!tpu.dma_semaphore, #tpu.memory_space<semaphore_mem>>)
    %dma_start3A_221 = arith.constant 0 : i32
    %dma_start3A_222 = tpu.memref_slice %arg17[%dma_start3A_221] : memref<1536xf32, #tpu.memory_space<vmem>> -> memref<128xf32, #tpu.memory_space<vmem>>
    %dma_start3A_223 = arith.constant 0 : i32
    %dma_start3A_224 = tpu.memref_slice %arg13[%dma_start3A_223] : memref<2048xi32, #tpu.memory_space<vmem>> -> memref<128xi32, #tpu.memory_space<vmem>>
    %dma_start3A_225 = arith.constant 0 : i32
    %dma_start3A_226 = tpu.memref_slice %arg7[%dma_start3A_225] : memref<3000003xf32, #tpu.memory_space<hbm>> -> memref<3000003xf32, #tpu.memory_space<hbm>>
    tpu.enqueue_indirect_dma source(%dma_start3A_226 : memref<3000003xf32, #tpu.memory_space<hbm>>) target(%dma_start3A_222 : memref<128xf32, #tpu.memory_space<vmem>>) offsets(%dma_start3A_224 : memref<128xi32, #tpu.memory_space<vmem>>) semaphore(%arg27 : memref<!tpu.dma_semaphore, #tpu.memory_space<semaphore_mem>>)
    %dma_start3A_227 = arith.constant 0 : i32
    %dma_start3A_228 = tpu.memref_slice %arg18[%dma_start3A_227] : memref<1536xf32, #tpu.memory_space<vmem>> -> memref<128xf32, #tpu.memory_space<vmem>>
    %dma_start3A_229 = arith.constant 0 : i32
    %dma_start3A_230 = tpu.memref_slice %arg14[%dma_start3A_229] : memref<2048xi32, #tpu.memory_space<vmem>> -> memref<128xi32, #tpu.memory_space<vmem>>
    %dma_start3A_231 = arith.constant 0 : i32
    %dma_start3A_232 = tpu.memref_slice %arg7[%dma_start3A_231] : memref<3000003xf32, #tpu.memory_space<hbm>> -> memref<3000003xf32, #tpu.memory_space<hbm>>
    tpu.enqueue_indirect_dma source(%dma_start3A_232 : memref<3000003xf32, #tpu.memory_space<hbm>>) target(%dma_start3A_228 : memref<128xf32, #tpu.memory_space<vmem>>) offsets(%dma_start3A_230 : memref<128xi32, #tpu.memory_space<vmem>>) semaphore(%arg27 : memref<!tpu.dma_semaphore, #tpu.memory_space<semaphore_mem>>)
    %dma_start3A_233 = arith.constant 128 : i32
    %dma_start3A_234 = tpu.memref_slice %arg17[%dma_start3A_233] : memref<1536xf32, #tpu.memory_space<vmem>> -> memref<128xf32, #tpu.memory_space<vmem>>
    %dma_start3A_235 = arith.constant 128 : i32
    %dma_start3A_236 = tpu.memref_slice %arg13[%dma_start3A_235] : memref<2048xi32, #tpu.memory_space<vmem>> -> memref<128xi32, #tpu.memory_space<vmem>>
    %dma_start3A_237 = arith.constant 0 : i32
    %dma_start3A_238 = tpu.memref_slice %arg7[%dma_start3A_237] : memref<3000003xf32, #tpu.memory_space<hbm>> -> memref<3000003xf32, #tpu.memory_space<hbm>>
    tpu.enqueue_indirect_dma source(%dma_start3A_238 : memref<3000003xf32, #tpu.memory_space<hbm>>) target(%dma_start3A_234 : memref<128xf32, #tpu.memory_space<vmem>>) offsets(%dma_start3A_236 : memref<128xi32, #tpu.memory_space<vmem>>) semaphore(%arg27 : memref<!tpu.dma_semaphore, #tpu.memory_space<semaphore_mem>>)
    %dma_start3A_239 = arith.constant 128 : i32
    %dma_start3A_240 = tpu.memref_slice %arg18[%dma_start3A_239] : memref<1536xf32, #tpu.memory_space<vmem>> -> memref<128xf32, #tpu.memory_space<vmem>>
    %dma_start3A_241 = arith.constant 128 : i32
    %dma_start3A_242 = tpu.memref_slice %arg14[%dma_start3A_241] : memref<2048xi32, #tpu.memory_space<vmem>> -> memref<128xi32, #tpu.memory_space<vmem>>
    %dma_start3A_243 = arith.constant 0 : i32
    %dma_start3A_244 = tpu.memref_slice %arg7[%dma_start3A_243] : memref<3000003xf32, #tpu.memory_space<hbm>> -> memref<3000003xf32, #tpu.memory_space<hbm>>
    tpu.enqueue_indirect_dma source(%dma_start3A_244 : memref<3000003xf32, #tpu.memory_space<hbm>>) target(%dma_start3A_240 : memref<128xf32, #tpu.memory_space<vmem>>) offsets(%dma_start3A_242 : memref<128xi32, #tpu.memory_space<vmem>>) semaphore(%arg27 : memref<!tpu.dma_semaphore, #tpu.memory_space<semaphore_mem>>)
    %dma_start3A_245 = arith.constant 256 : i32
    %dma_start3A_246 = tpu.memref_slice %arg17[%dma_start3A_245] : memref<1536xf32, #tpu.memory_space<vmem>> -> memref<128xf32, #tpu.memory_space<vmem>>
    %dma_start3A_247 = arith.constant 256 : i32
    %dma_start3A_248 = tpu.memref_slice %arg13[%dma_start3A_247] : memref<2048xi32, #tpu.memory_space<vmem>> -> memref<128xi32, #tpu.memory_space<vmem>>
    %dma_start3A_249 = arith.constant 0 : i32
    %dma_start3A_250 = tpu.memref_slice %arg7[%dma_start3A_249] : memref<3000003xf32, #tpu.memory_space<hbm>> -> memref<3000003xf32, #tpu.memory_space<hbm>>
    tpu.enqueue_indirect_dma source(%dma_start3A_250 : memref<3000003xf32, #tpu.memory_space<hbm>>) target(%dma_start3A_246 : memref<128xf32, #tpu.memory_space<vmem>>) offsets(%dma_start3A_248 : memref<128xi32, #tpu.memory_space<vmem>>) semaphore(%arg27 : memref<!tpu.dma_semaphore, #tpu.memory_space<semaphore_mem>>)
    %dma_start3A_251 = arith.constant 256 : i32
    %dma_start3A_252 = tpu.memref_slice %arg18[%dma_start3A_251] : memref<1536xf32, #tpu.memory_space<vmem>> -> memref<128xf32, #tpu.memory_space<vmem>>
    %dma_start3A_253 = arith.constant 256 : i32
    %dma_start3A_254 = tpu.memref_slice %arg14[%dma_start3A_253] : memref<2048xi32, #tpu.memory_space<vmem>> -> memref<128xi32, #tpu.memory_space<vmem>>
    %dma_start3A_255 = arith.constant 0 : i32
    %dma_start3A_256 = tpu.memref_slice %arg7[%dma_start3A_255] : memref<3000003xf32, #tpu.memory_space<hbm>> -> memref<3000003xf32, #tpu.memory_space<hbm>>
    tpu.enqueue_indirect_dma source(%dma_start3A_256 : memref<3000003xf32, #tpu.memory_space<hbm>>) target(%dma_start3A_252 : memref<128xf32, #tpu.memory_space<vmem>>) offsets(%dma_start3A_254 : memref<128xi32, #tpu.memory_space<vmem>>) semaphore(%arg27 : memref<!tpu.dma_semaphore, #tpu.memory_space<semaphore_mem>>)
    %dma_start3A_257 = arith.constant 384 : i32
    %dma_start3A_258 = tpu.memref_slice %arg17[%dma_start3A_257] : memref<1536xf32, #tpu.memory_space<vmem>> -> memref<128xf32, #tpu.memory_space<vmem>>
    %dma_start3A_259 = arith.constant 384 : i32
    %dma_start3A_260 = tpu.memref_slice %arg13[%dma_start3A_259] : memref<2048xi32, #tpu.memory_space<vmem>> -> memref<128xi32, #tpu.memory_space<vmem>>
    %dma_start3A_261 = arith.constant 0 : i32
    %dma_start3A_262 = tpu.memref_slice %arg7[%dma_start3A_261] : memref<3000003xf32, #tpu.memory_space<hbm>> -> memref<3000003xf32, #tpu.memory_space<hbm>>
    tpu.enqueue_indirect_dma source(%dma_start3A_262 : memref<3000003xf32, #tpu.memory_space<hbm>>) target(%dma_start3A_258 : memref<128xf32, #tpu.memory_space<vmem>>) offsets(%dma_start3A_260 : memref<128xi32, #tpu.memory_space<vmem>>) semaphore(%arg27 : memref<!tpu.dma_semaphore, #tpu.memory_space<semaphore_mem>>)
    %dma_start3A_263 = arith.constant 384 : i32
    %dma_start3A_264 = tpu.memref_slice %arg18[%dma_start3A_263] : memref<1536xf32, #tpu.memory_space<vmem>> -> memref<128xf32, #tpu.memory_space<vmem>>
    %dma_start3A_265 = arith.constant 384 : i32
    %dma_start3A_266 = tpu.memref_slice %arg14[%dma_start3A_265] : memref<2048xi32, #tpu.memory_space<vmem>> -> memref<128xi32, #tpu.memory_space<vmem>>
    %dma_start3A_267 = arith.constant 0 : i32
    %dma_start3A_268 = tpu.memref_slice %arg7[%dma_start3A_267] : memref<3000003xf32, #tpu.memory_space<hbm>> -> memref<3000003xf32, #tpu.memory_space<hbm>>
    tpu.enqueue_indirect_dma source(%dma_start3A_268 : memref<3000003xf32, #tpu.memory_space<hbm>>) target(%dma_start3A_264 : memref<128xf32, #tpu.memory_space<vmem>>) offsets(%dma_start3A_266 : memref<128xi32, #tpu.memory_space<vmem>>) semaphore(%arg27 : memref<!tpu.dma_semaphore, #tpu.memory_space<semaphore_mem>>)
    %dma_start3A_269 = arith.constant 512 : i32
    %dma_start3A_270 = tpu.memref_slice %arg17[%dma_start3A_269] : memref<1536xf32, #tpu.memory_space<vmem>> -> memref<128xf32, #tpu.memory_space<vmem>>
    %dma_start3A_271 = arith.constant 512 : i32
    %dma_start3A_272 = tpu.memref_slice %arg13[%dma_start3A_271] : memref<2048xi32, #tpu.memory_space<vmem>> -> memref<128xi32, #tpu.memory_space<vmem>>
    %dma_start3A_273 = arith.constant 0 : i32
    %dma_start3A_274 = tpu.memref_slice %arg7[%dma_start3A_273] : memref<3000003xf32, #tpu.memory_space<hbm>> -> memref<3000003xf32, #tpu.memory_space<hbm>>
    tpu.enqueue_indirect_dma source(%dma_start3A_274 : memref<3000003xf32, #tpu.memory_space<hbm>>) target(%dma_start3A_270 : memref<128xf32, #tpu.memory_space<vmem>>) offsets(%dma_start3A_272 : memref<128xi32, #tpu.memory_space<vmem>>) semaphore(%arg27 : memref<!tpu.dma_semaphore, #tpu.memory_space<semaphore_mem>>)
    %dma_start3A_275 = arith.constant 512 : i32
    %dma_start3A_276 = tpu.memref_slice %arg18[%dma_start3A_275] : memref<1536xf32, #tpu.memory_space<vmem>> -> memref<128xf32, #tpu.memory_space<vmem>>
    %dma_start3A_277 = arith.constant 512 : i32
    %dma_start3A_278 = tpu.memref_slice %arg14[%dma_start3A_277] : memref<2048xi32, #tpu.memory_space<vmem>> -> memref<128xi32, #tpu.memory_space<vmem>>
    %dma_start3A_279 = arith.constant 0 : i32
    %dma_start3A_280 = tpu.memref_slice %arg7[%dma_start3A_279] : memref<3000003xf32, #tpu.memory_space<hbm>> -> memref<3000003xf32, #tpu.memory_space<hbm>>
    tpu.enqueue_indirect_dma source(%dma_start3A_280 : memref<3000003xf32, #tpu.memory_space<hbm>>) target(%dma_start3A_276 : memref<128xf32, #tpu.memory_space<vmem>>) offsets(%dma_start3A_278 : memref<128xi32, #tpu.memory_space<vmem>>) semaphore(%arg27 : memref<!tpu.dma_semaphore, #tpu.memory_space<semaphore_mem>>)
    %dma_start3A_281 = arith.constant 640 : i32
    %dma_start3A_282 = tpu.memref_slice %arg17[%dma_start3A_281] : memref<1536xf32, #tpu.memory_space<vmem>> -> memref<128xf32, #tpu.memory_space<vmem>>
    %dma_start3A_283 = arith.constant 640 : i32
    %dma_start3A_284 = tpu.memref_slice %arg13[%dma_start3A_283] : memref<2048xi32, #tpu.memory_space<vmem>> -> memref<128xi32, #tpu.memory_space<vmem>>
    %dma_start3A_285 = arith.constant 0 : i32
    %dma_start3A_286 = tpu.memref_slice %arg7[%dma_start3A_285] : memref<3000003xf32, #tpu.memory_space<hbm>> -> memref<3000003xf32, #tpu.memory_space<hbm>>
    tpu.enqueue_indirect_dma source(%dma_start3A_286 : memref<3000003xf32, #tpu.memory_space<hbm>>) target(%dma_start3A_282 : memref<128xf32, #tpu.memory_space<vmem>>) offsets(%dma_start3A_284 : memref<128xi32, #tpu.memory_space<vmem>>) semaphore(%arg27 : memref<!tpu.dma_semaphore, #tpu.memory_space<semaphore_mem>>)
    %dma_start3A_287 = arith.constant 640 : i32
    %dma_start3A_288 = tpu.memref_slice %arg18[%dma_start3A_287] : memref<1536xf32, #tpu.memory_space<vmem>> -> memref<128xf32, #tpu.memory_space<vmem>>
    %dma_start3A_289 = arith.constant 640 : i32
    %dma_start3A_290 = tpu.memref_slice %arg14[%dma_start3A_289] : memref<2048xi32, #tpu.memory_space<vmem>> -> memref<128xi32, #tpu.memory_space<vmem>>
    %dma_start3A_291 = arith.constant 0 : i32
    %dma_start3A_292 = tpu.memref_slice %arg7[%dma_start3A_291] : memref<3000003xf32, #tpu.memory_space<hbm>> -> memref<3000003xf32, #tpu.memory_space<hbm>>
    tpu.enqueue_indirect_dma source(%dma_start3A_292 : memref<3000003xf32, #tpu.memory_space<hbm>>) target(%dma_start3A_288 : memref<128xf32, #tpu.memory_space<vmem>>) offsets(%dma_start3A_290 : memref<128xi32, #tpu.memory_space<vmem>>) semaphore(%arg27 : memref<!tpu.dma_semaphore, #tpu.memory_space<semaphore_mem>>)
    %dma_start3A_293 = arith.constant 768 : i32
    %dma_start3A_294 = tpu.memref_slice %arg17[%dma_start3A_293] : memref<1536xf32, #tpu.memory_space<vmem>> -> memref<128xf32, #tpu.memory_space<vmem>>
    %dma_start3A_295 = arith.constant 768 : i32
    %dma_start3A_296 = tpu.memref_slice %arg13[%dma_start3A_295] : memref<2048xi32, #tpu.memory_space<vmem>> -> memref<128xi32, #tpu.memory_space<vmem>>
    %dma_start3A_297 = arith.constant 0 : i32
    %dma_start3A_298 = tpu.memref_slice %arg7[%dma_start3A_297] : memref<3000003xf32, #tpu.memory_space<hbm>> -> memref<3000003xf32, #tpu.memory_space<hbm>>
    tpu.enqueue_indirect_dma source(%dma_start3A_298 : memref<3000003xf32, #tpu.memory_space<hbm>>) target(%dma_start3A_294 : memref<128xf32, #tpu.memory_space<vmem>>) offsets(%dma_start3A_296 : memref<128xi32, #tpu.memory_space<vmem>>) semaphore(%arg27 : memref<!tpu.dma_semaphore, #tpu.memory_space<semaphore_mem>>)
    %dma_start3A_299 = arith.constant 768 : i32
    %dma_start3A_300 = tpu.memref_slice %arg18[%dma_start3A_299] : memref<1536xf32, #tpu.memory_space<vmem>> -> memref<128xf32, #tpu.memory_space<vmem>>
    %dma_start3A_301 = arith.constant 768 : i32
    %dma_start3A_302 = tpu.memref_slice %arg14[%dma_start3A_301] : memref<2048xi32, #tpu.memory_space<vmem>> -> memref<128xi32, #tpu.memory_space<vmem>>
    %dma_start3A_303 = arith.constant 0 : i32
    %dma_start3A_304 = tpu.memref_slice %arg7[%dma_start3A_303] : memref<3000003xf32, #tpu.memory_space<hbm>> -> memref<3000003xf32, #tpu.memory_space<hbm>>
    tpu.enqueue_indirect_dma source(%dma_start3A_304 : memref<3000003xf32, #tpu.memory_space<hbm>>) target(%dma_start3A_300 : memref<128xf32, #tpu.memory_space<vmem>>) offsets(%dma_start3A_302 : memref<128xi32, #tpu.memory_space<vmem>>) semaphore(%arg27 : memref<!tpu.dma_semaphore, #tpu.memory_space<semaphore_mem>>)
    %dma_start3A_305 = arith.constant 896 : i32
    %dma_start3A_306 = tpu.memref_slice %arg17[%dma_start3A_305] : memref<1536xf32, #tpu.memory_space<vmem>> -> memref<128xf32, #tpu.memory_space<vmem>>
    %dma_start3A_307 = arith.constant 896 : i32
    %dma_start3A_308 = tpu.memref_slice %arg13[%dma_start3A_307] : memref<2048xi32, #tpu.memory_space<vmem>> -> memref<128xi32, #tpu.memory_space<vmem>>
    %dma_start3A_309 = arith.constant 0 : i32
    %dma_start3A_310 = tpu.memref_slice %arg7[%dma_start3A_309] : memref<3000003xf32, #tpu.memory_space<hbm>> -> memref<3000003xf32, #tpu.memory_space<hbm>>
    tpu.enqueue_indirect_dma source(%dma_start3A_310 : memref<3000003xf32, #tpu.memory_space<hbm>>) target(%dma_start3A_306 : memref<128xf32, #tpu.memory_space<vmem>>) offsets(%dma_start3A_308 : memref<128xi32, #tpu.memory_space<vmem>>) semaphore(%arg27 : memref<!tpu.dma_semaphore, #tpu.memory_space<semaphore_mem>>)
    %dma_start3A_311 = arith.constant 896 : i32
    %dma_start3A_312 = tpu.memref_slice %arg18[%dma_start3A_311] : memref<1536xf32, #tpu.memory_space<vmem>> -> memref<128xf32, #tpu.memory_space<vmem>>
    %dma_start3A_313 = arith.constant 896 : i32
    %dma_start3A_314 = tpu.memref_slice %arg14[%dma_start3A_313] : memref<2048xi32, #tpu.memory_space<vmem>> -> memref<128xi32, #tpu.memory_space<vmem>>
    %dma_start3A_315 = arith.constant 0 : i32
    %dma_start3A_316 = tpu.memref_slice %arg7[%dma_start3A_315] : memref<3000003xf32, #tpu.memory_space<hbm>> -> memref<3000003xf32, #tpu.memory_space<hbm>>
    tpu.enqueue_indirect_dma source(%dma_start3A_316 : memref<3000003xf32, #tpu.memory_space<hbm>>) target(%dma_start3A_312 : memref<128xf32, #tpu.memory_space<vmem>>) offsets(%dma_start3A_314 : memref<128xi32, #tpu.memory_space<vmem>>) semaphore(%arg27 : memref<!tpu.dma_semaphore, #tpu.memory_space<semaphore_mem>>)
    %dma_start3A_317 = arith.constant 1024 : i32
    %dma_start3A_318 = tpu.memref_slice %arg17[%dma_start3A_317] : memref<1536xf32, #tpu.memory_space<vmem>> -> memref<128xf32, #tpu.memory_space<vmem>>
    %dma_start3A_319 = arith.constant 1024 : i32
    %dma_start3A_320 = tpu.memref_slice %arg13[%dma_start3A_319] : memref<2048xi32, #tpu.memory_space<vmem>> -> memref<128xi32, #tpu.memory_space<vmem>>
    %dma_start3A_321 = arith.constant 0 : i32
    %dma_start3A_322 = tpu.memref_slice %arg7[%dma_start3A_321] : memref<3000003xf32, #tpu.memory_space<hbm>> -> memref<3000003xf32, #tpu.memory_space<hbm>>
    tpu.enqueue_indirect_dma source(%dma_start3A_322 : memref<3000003xf32, #tpu.memory_space<hbm>>) target(%dma_start3A_318 : memref<128xf32, #tpu.memory_space<vmem>>) offsets(%dma_start3A_320 : memref<128xi32, #tpu.memory_space<vmem>>) semaphore(%arg27 : memref<!tpu.dma_semaphore, #tpu.memory_space<semaphore_mem>>)
    %dma_start3A_323 = arith.constant 1024 : i32
    %dma_start3A_324 = tpu.memref_slice %arg18[%dma_start3A_323] : memref<1536xf32, #tpu.memory_space<vmem>> -> memref<128xf32, #tpu.memory_space<vmem>>
    %dma_start3A_325 = arith.constant 1024 : i32
    %dma_start3A_326 = tpu.memref_slice %arg14[%dma_start3A_325] : memref<2048xi32, #tpu.memory_space<vmem>> -> memref<128xi32, #tpu.memory_space<vmem>>
    %dma_start3A_327 = arith.constant 0 : i32
    %dma_start3A_328 = tpu.memref_slice %arg7[%dma_start3A_327] : memref<3000003xf32, #tpu.memory_space<hbm>> -> memref<3000003xf32, #tpu.memory_space<hbm>>
    tpu.enqueue_indirect_dma source(%dma_start3A_328 : memref<3000003xf32, #tpu.memory_space<hbm>>) target(%dma_start3A_324 : memref<128xf32, #tpu.memory_space<vmem>>) offsets(%dma_start3A_326 : memref<128xi32, #tpu.memory_space<vmem>>) semaphore(%arg27 : memref<!tpu.dma_semaphore, #tpu.memory_space<semaphore_mem>>)
    %dma_start3A_329 = arith.constant 1152 : i32
    %dma_start3A_330 = tpu.memref_slice %arg17[%dma_start3A_329] : memref<1536xf32, #tpu.memory_space<vmem>> -> memref<128xf32, #tpu.memory_space<vmem>>
    %dma_start3A_331 = arith.constant 1152 : i32
    %dma_start3A_332 = tpu.memref_slice %arg13[%dma_start3A_331] : memref<2048xi32, #tpu.memory_space<vmem>> -> memref<128xi32, #tpu.memory_space<vmem>>
    %dma_start3A_333 = arith.constant 0 : i32
    %dma_start3A_334 = tpu.memref_slice %arg7[%dma_start3A_333] : memref<3000003xf32, #tpu.memory_space<hbm>> -> memref<3000003xf32, #tpu.memory_space<hbm>>
    tpu.enqueue_indirect_dma source(%dma_start3A_334 : memref<3000003xf32, #tpu.memory_space<hbm>>) target(%dma_start3A_330 : memref<128xf32, #tpu.memory_space<vmem>>) offsets(%dma_start3A_332 : memref<128xi32, #tpu.memory_space<vmem>>) semaphore(%arg27 : memref<!tpu.dma_semaphore, #tpu.memory_space<semaphore_mem>>)
    %dma_start3A_335 = arith.constant 1152 : i32
    %dma_start3A_336 = tpu.memref_slice %arg18[%dma_start3A_335] : memref<1536xf32, #tpu.memory_space<vmem>> -> memref<128xf32, #tpu.memory_space<vmem>>
    %dma_start3A_337 = arith.constant 1152 : i32
    %dma_start3A_338 = tpu.memref_slice %arg14[%dma_start3A_337] : memref<2048xi32, #tpu.memory_space<vmem>> -> memref<128xi32, #tpu.memory_space<vmem>>
    %dma_start3A_339 = arith.constant 0 : i32
    %dma_start3A_340 = tpu.memref_slice %arg7[%dma_start3A_339] : memref<3000003xf32, #tpu.memory_space<hbm>> -> memref<3000003xf32, #tpu.memory_space<hbm>>
    tpu.enqueue_indirect_dma source(%dma_start3A_340 : memref<3000003xf32, #tpu.memory_space<hbm>>) target(%dma_start3A_336 : memref<128xf32, #tpu.memory_space<vmem>>) offsets(%dma_start3A_338 : memref<128xi32, #tpu.memory_space<vmem>>) semaphore(%arg27 : memref<!tpu.dma_semaphore, #tpu.memory_space<semaphore_mem>>)
    %dma_start3A_341 = arith.constant 1280 : i32
    %dma_start3A_342 = tpu.memref_slice %arg17[%dma_start3A_341] : memref<1536xf32, #tpu.memory_space<vmem>> -> memref<128xf32, #tpu.memory_space<vmem>>
    %dma_start3A_343 = arith.constant 1280 : i32
    %dma_start3A_344 = tpu.memref_slice %arg13[%dma_start3A_343] : memref<2048xi32, #tpu.memory_space<vmem>> -> memref<128xi32, #tpu.memory_space<vmem>>
    %dma_start3A_345 = arith.constant 0 : i32
    %dma_start3A_346 = tpu.memref_slice %arg7[%dma_start3A_345] : memref<3000003xf32, #tpu.memory_space<hbm>> -> memref<3000003xf32, #tpu.memory_space<hbm>>
    tpu.enqueue_indirect_dma source(%dma_start3A_346 : memref<3000003xf32, #tpu.memory_space<hbm>>) target(%dma_start3A_342 : memref<128xf32, #tpu.memory_space<vmem>>) offsets(%dma_start3A_344 : memref<128xi32, #tpu.memory_space<vmem>>) semaphore(%arg27 : memref<!tpu.dma_semaphore, #tpu.memory_space<semaphore_mem>>)
    %dma_start3A_347 = arith.constant 1280 : i32
    %dma_start3A_348 = tpu.memref_slice %arg18[%dma_start3A_347] : memref<1536xf32, #tpu.memory_space<vmem>> -> memref<128xf32, #tpu.memory_space<vmem>>
    %dma_start3A_349 = arith.constant 1280 : i32
    %dma_start3A_350 = tpu.memref_slice %arg14[%dma_start3A_349] : memref<2048xi32, #tpu.memory_space<vmem>> -> memref<128xi32, #tpu.memory_space<vmem>>
    %dma_start3A_351 = arith.constant 0 : i32
    %dma_start3A_352 = tpu.memref_slice %arg7[%dma_start3A_351] : memref<3000003xf32, #tpu.memory_space<hbm>> -> memref<3000003xf32, #tpu.memory_space<hbm>>
    tpu.enqueue_indirect_dma source(%dma_start3A_352 : memref<3000003xf32, #tpu.memory_space<hbm>>) target(%dma_start3A_348 : memref<128xf32, #tpu.memory_space<vmem>>) offsets(%dma_start3A_350 : memref<128xi32, #tpu.memory_space<vmem>>) semaphore(%arg27 : memref<!tpu.dma_semaphore, #tpu.memory_space<semaphore_mem>>)
    %dma_start3A_353 = arith.constant 1408 : i32
    %dma_start3A_354 = tpu.memref_slice %arg17[%dma_start3A_353] : memref<1536xf32, #tpu.memory_space<vmem>> -> memref<128xf32, #tpu.memory_space<vmem>>
    %dma_start3A_355 = arith.constant 1408 : i32
    %dma_start3A_356 = tpu.memref_slice %arg13[%dma_start3A_355] : memref<2048xi32, #tpu.memory_space<vmem>> -> memref<128xi32, #tpu.memory_space<vmem>>
    %dma_start3A_357 = arith.constant 0 : i32
    %dma_start3A_358 = tpu.memref_slice %arg7[%dma_start3A_357] : memref<3000003xf32, #tpu.memory_space<hbm>> -> memref<3000003xf32, #tpu.memory_space<hbm>>
    tpu.enqueue_indirect_dma source(%dma_start3A_358 : memref<3000003xf32, #tpu.memory_space<hbm>>) target(%dma_start3A_354 : memref<128xf32, #tpu.memory_space<vmem>>) offsets(%dma_start3A_356 : memref<128xi32, #tpu.memory_space<vmem>>) semaphore(%arg27 : memref<!tpu.dma_semaphore, #tpu.memory_space<semaphore_mem>>)
    %dma_start3A_359 = arith.constant 1408 : i32
    %dma_start3A_360 = tpu.memref_slice %arg18[%dma_start3A_359] : memref<1536xf32, #tpu.memory_space<vmem>> -> memref<128xf32, #tpu.memory_space<vmem>>
    %dma_start3A_361 = arith.constant 1408 : i32
    %dma_start3A_362 = tpu.memref_slice %arg14[%dma_start3A_361] : memref<2048xi32, #tpu.memory_space<vmem>> -> memref<128xi32, #tpu.memory_space<vmem>>
    %dma_start3A_363 = arith.constant 0 : i32
    %dma_start3A_364 = tpu.memref_slice %arg7[%dma_start3A_363] : memref<3000003xf32, #tpu.memory_space<hbm>> -> memref<3000003xf32, #tpu.memory_space<hbm>>
    tpu.enqueue_indirect_dma source(%dma_start3A_364 : memref<3000003xf32, #tpu.memory_space<hbm>>) target(%dma_start3A_360 : memref<128xf32, #tpu.memory_space<vmem>>) offsets(%dma_start3A_362 : memref<128xi32, #tpu.memory_space<vmem>>) semaphore(%arg27 : memref<!tpu.dma_semaphore, #tpu.memory_space<semaphore_mem>>)
    %dma_start3A_365 = arith.constant 0 : i32
    %dma_start3A_366 = tpu.memref_slice %arg7[%dma_start3A_365] : memref<3000003xf32, #tpu.memory_space<hbm>> -> memref<3000003xf32, #tpu.memory_space<hbm>>
    tpu.enqueue_indirect_dma source(%dma_start3A_366 : memref<3000003xf32, #tpu.memory_space<hbm>>) target(%arg24 : memref<16xf32, #tpu.memory_space<vmem>>) offsets(%arg23 : memref<16xi32, #tpu.memory_space<vmem>>) semaphore(%arg27 : memref<!tpu.dma_semaphore, #tpu.memory_space<semaphore_mem>>)
    %add3A_367 = arith.constant 0 : i32
    %add3A_368 = arith.addi %add3A_367, %mul3A_2 : i32
    %dma_start3A_369 = arith.constant 0 : i32
    %dma_start3A_370 = tpu.memref_slice %arg19[%dma_start3A_369] : memref<1536xf32, #tpu.memory_space<vmem>> -> memref<512xf32, #tpu.memory_space<vmem>>
    %dma_start3A_371 = tpu.memref_slice %arg3[%add3A_368] : memref<49152xf32, #tpu.memory_space<hbm>> -> memref<512xf32, #tpu.memory_space<hbm>>
    %dma_start3A_372 = arith.constant 0 : i32
    %dma_start3A_373 = tpu.memref_slice %arg19[%dma_start3A_372] : memref<1536xf32, #tpu.memory_space<vmem>> -> memref<512xf32, #tpu.memory_space<vmem>>
    %dma_start3A_374 = tpu.memref_slice %arg3[%add3A_368] : memref<49152xf32, #tpu.memory_space<hbm>> -> memref<512xf32, #tpu.memory_space<hbm>>
    tpu.enqueue_dma source(%dma_start3A_374 : memref<512xf32, #tpu.memory_space<hbm>>) target(%dma_start3A_373 : memref<512xf32, #tpu.memory_space<vmem>>) target_semaphore(%arg27 : memref<!tpu.dma_semaphore, #tpu.memory_space<semaphore_mem>>)
    %add3A_375 = arith.constant 0 : i32
    %add3A_376 = arith.addi %add3A_375, %mul3A_2 : i32
    %dma_start3A_377 = arith.constant 0 : i32
    %dma_start3A_378 = tpu.memref_slice %arg21[%dma_start3A_377] : memref<1536xf32, #tpu.memory_space<vmem>> -> memref<512xf32, #tpu.memory_space<vmem>>
    %dma_start3A_379 = tpu.memref_slice %arg5[%add3A_376] : memref<49152xf32, #tpu.memory_space<hbm>> -> memref<512xf32, #tpu.memory_space<hbm>>
    %dma_start3A_380 = arith.constant 0 : i32
    %dma_start3A_381 = tpu.memref_slice %arg21[%dma_start3A_380] : memref<1536xf32, #tpu.memory_space<vmem>> -> memref<512xf32, #tpu.memory_space<vmem>>
    %dma_start3A_382 = tpu.memref_slice %arg5[%add3A_376] : memref<49152xf32, #tpu.memory_space<hbm>> -> memref<512xf32, #tpu.memory_space<hbm>>
    tpu.enqueue_dma source(%dma_start3A_382 : memref<512xf32, #tpu.memory_space<hbm>>) target(%dma_start3A_381 : memref<512xf32, #tpu.memory_space<vmem>>) target_semaphore(%arg27 : memref<!tpu.dma_semaphore, #tpu.memory_space<semaphore_mem>>)
    %add3A_383 = arith.constant 16384 : i32
    %add3A_384 = arith.addi %add3A_383, %mul3A_2 : i32
    %dma_start3A_385 = arith.constant 512 : i32
    %dma_start3A_386 = tpu.memref_slice %arg19[%dma_start3A_385] : memref<1536xf32, #tpu.memory_space<vmem>> -> memref<512xf32, #tpu.memory_space<vmem>>
    %dma_start3A_387 = tpu.memref_slice %arg3[%add3A_384] : memref<49152xf32, #tpu.memory_space<hbm>> -> memref<512xf32, #tpu.memory_space<hbm>>
    %dma_start3A_388 = arith.constant 512 : i32
    %dma_start3A_389 = tpu.memref_slice %arg19[%dma_start3A_388] : memref<1536xf32, #tpu.memory_space<vmem>> -> memref<512xf32, #tpu.memory_space<vmem>>
    %dma_start3A_390 = tpu.memref_slice %arg3[%add3A_384] : memref<49152xf32, #tpu.memory_space<hbm>> -> memref<512xf32, #tpu.memory_space<hbm>>
    tpu.enqueue_dma source(%dma_start3A_390 : memref<512xf32, #tpu.memory_space<hbm>>) target(%dma_start3A_389 : memref<512xf32, #tpu.memory_space<vmem>>) target_semaphore(%arg27 : memref<!tpu.dma_semaphore, #tpu.memory_space<semaphore_mem>>)
    %add3A_391 = arith.constant 16384 : i32
    %add3A_392 = arith.addi %add3A_391, %mul3A_2 : i32
    %dma_start3A_393 = arith.constant 512 : i32
    %dma_start3A_394 = tpu.memref_slice %arg21[%dma_start3A_393] : memref<1536xf32, #tpu.memory_space<vmem>> -> memref<512xf32, #tpu.memory_space<vmem>>
    %dma_start3A_395 = tpu.memref_slice %arg5[%add3A_392] : memref<49152xf32, #tpu.memory_space<hbm>> -> memref<512xf32, #tpu.memory_space<hbm>>
    %dma_start3A_396 = arith.constant 512 : i32
    %dma_start3A_397 = tpu.memref_slice %arg21[%dma_start3A_396] : memref<1536xf32, #tpu.memory_space<vmem>> -> memref<512xf32, #tpu.memory_space<vmem>>
    %dma_start3A_398 = tpu.memref_slice %arg5[%add3A_392] : memref<49152xf32, #tpu.memory_space<hbm>> -> memref<512xf32, #tpu.memory_space<hbm>>
    tpu.enqueue_dma source(%dma_start3A_398 : memref<512xf32, #tpu.memory_space<hbm>>) target(%dma_start3A_397 : memref<512xf32, #tpu.memory_space<vmem>>) target_semaphore(%arg27 : memref<!tpu.dma_semaphore, #tpu.memory_space<semaphore_mem>>)
    %add3A_399 = arith.constant 32768 : i32
    %add3A_400 = arith.addi %add3A_399, %mul3A_2 : i32
    %dma_start3A_401 = arith.constant 1024 : i32
    %dma_start3A_402 = tpu.memref_slice %arg19[%dma_start3A_401] : memref<1536xf32, #tpu.memory_space<vmem>> -> memref<512xf32, #tpu.memory_space<vmem>>
    %dma_start3A_403 = tpu.memref_slice %arg3[%add3A_400] : memref<49152xf32, #tpu.memory_space<hbm>> -> memref<512xf32, #tpu.memory_space<hbm>>
    %dma_start3A_404 = arith.constant 1024 : i32
    %dma_start3A_405 = tpu.memref_slice %arg19[%dma_start3A_404] : memref<1536xf32, #tpu.memory_space<vmem>> -> memref<512xf32, #tpu.memory_space<vmem>>
    %dma_start3A_406 = tpu.memref_slice %arg3[%add3A_400] : memref<49152xf32, #tpu.memory_space<hbm>> -> memref<512xf32, #tpu.memory_space<hbm>>
    tpu.enqueue_dma source(%dma_start3A_406 : memref<512xf32, #tpu.memory_space<hbm>>) target(%dma_start3A_405 : memref<512xf32, #tpu.memory_space<vmem>>) target_semaphore(%arg27 : memref<!tpu.dma_semaphore, #tpu.memory_space<semaphore_mem>>)
    %add3A_407 = arith.constant 32768 : i32
    %add3A_408 = arith.addi %add3A_407, %mul3A_2 : i32
    %dma_start3A_409 = arith.constant 1024 : i32
    %dma_start3A_410 = tpu.memref_slice %arg21[%dma_start3A_409] : memref<1536xf32, #tpu.memory_space<vmem>> -> memref<512xf32, #tpu.memory_space<vmem>>
    %dma_start3A_411 = tpu.memref_slice %arg5[%add3A_408] : memref<49152xf32, #tpu.memory_space<hbm>> -> memref<512xf32, #tpu.memory_space<hbm>>
    %dma_start3A_412 = arith.constant 1024 : i32
    %dma_start3A_413 = tpu.memref_slice %arg21[%dma_start3A_412] : memref<1536xf32, #tpu.memory_space<vmem>> -> memref<512xf32, #tpu.memory_space<vmem>>
    %dma_start3A_414 = tpu.memref_slice %arg5[%add3A_408] : memref<49152xf32, #tpu.memory_space<hbm>> -> memref<512xf32, #tpu.memory_space<hbm>>
    tpu.enqueue_dma source(%dma_start3A_414 : memref<512xf32, #tpu.memory_space<hbm>>) target(%dma_start3A_413 : memref<512xf32, #tpu.memory_space<vmem>>) target_semaphore(%arg27 : memref<!tpu.dma_semaphore, #tpu.memory_space<semaphore_mem>>)
    %add3A_415 = arith.constant 0 : i32
    %add3A_416 = arith.addi %add3A_415, %mul3A_2 : i32
    %dma_start3A_417 = arith.constant 0 : i32
    %dma_start3A_418 = tpu.memref_slice %arg20[%dma_start3A_417] : memref<2048xf32, #tpu.memory_space<vmem>> -> memref<512xf32, #tpu.memory_space<vmem>>
    %dma_start3A_419 = tpu.memref_slice %arg4[%add3A_416] : memref<65536xf32, #tpu.memory_space<hbm>> -> memref<512xf32, #tpu.memory_space<hbm>>
    %dma_start3A_420 = arith.constant 0 : i32
    %dma_start3A_421 = tpu.memref_slice %arg20[%dma_start3A_420] : memref<2048xf32, #tpu.memory_space<vmem>> -> memref<512xf32, #tpu.memory_space<vmem>>
    %dma_start3A_422 = tpu.memref_slice %arg4[%add3A_416] : memref<65536xf32, #tpu.memory_space<hbm>> -> memref<512xf32, #tpu.memory_space<hbm>>
    tpu.enqueue_dma source(%dma_start3A_422 : memref<512xf32, #tpu.memory_space<hbm>>) target(%dma_start3A_421 : memref<512xf32, #tpu.memory_space<vmem>>) target_semaphore(%arg27 : memref<!tpu.dma_semaphore, #tpu.memory_space<semaphore_mem>>)
    %add3A_423 = arith.constant 16384 : i32
    %add3A_424 = arith.addi %add3A_423, %mul3A_2 : i32
    %dma_start3A_425 = arith.constant 512 : i32
    %dma_start3A_426 = tpu.memref_slice %arg20[%dma_start3A_425] : memref<2048xf32, #tpu.memory_space<vmem>> -> memref<512xf32, #tpu.memory_space<vmem>>
    %dma_start3A_427 = tpu.memref_slice %arg4[%add3A_424] : memref<65536xf32, #tpu.memory_space<hbm>> -> memref<512xf32, #tpu.memory_space<hbm>>
    %dma_start3A_428 = arith.constant 512 : i32
    %dma_start3A_429 = tpu.memref_slice %arg20[%dma_start3A_428] : memref<2048xf32, #tpu.memory_space<vmem>> -> memref<512xf32, #tpu.memory_space<vmem>>
    %dma_start3A_430 = tpu.memref_slice %arg4[%add3A_424] : memref<65536xf32, #tpu.memory_space<hbm>> -> memref<512xf32, #tpu.memory_space<hbm>>
    tpu.enqueue_dma source(%dma_start3A_430 : memref<512xf32, #tpu.memory_space<hbm>>) target(%dma_start3A_429 : memref<512xf32, #tpu.memory_space<vmem>>) target_semaphore(%arg27 : memref<!tpu.dma_semaphore, #tpu.memory_space<semaphore_mem>>)
    %add3A_431 = arith.constant 32768 : i32
    %add3A_432 = arith.addi %add3A_431, %mul3A_2 : i32
    %dma_start3A_433 = arith.constant 1024 : i32
    %dma_start3A_434 = tpu.memref_slice %arg20[%dma_start3A_433] : memref<2048xf32, #tpu.memory_space<vmem>> -> memref<512xf32, #tpu.memory_space<vmem>>
    %dma_start3A_435 = tpu.memref_slice %arg4[%add3A_432] : memref<65536xf32, #tpu.memory_space<hbm>> -> memref<512xf32, #tpu.memory_space<hbm>>
    %dma_start3A_436 = arith.constant 1024 : i32
    %dma_start3A_437 = tpu.memref_slice %arg20[%dma_start3A_436] : memref<2048xf32, #tpu.memory_space<vmem>> -> memref<512xf32, #tpu.memory_space<vmem>>
    %dma_start3A_438 = tpu.memref_slice %arg4[%add3A_432] : memref<65536xf32, #tpu.memory_space<hbm>> -> memref<512xf32, #tpu.memory_space<hbm>>
    tpu.enqueue_dma source(%dma_start3A_438 : memref<512xf32, #tpu.memory_space<hbm>>) target(%dma_start3A_437 : memref<512xf32, #tpu.memory_space<vmem>>) target_semaphore(%arg27 : memref<!tpu.dma_semaphore, #tpu.memory_space<semaphore_mem>>)
    %add3A_439 = arith.constant 49152 : i32
    %add3A_440 = arith.addi %add3A_439, %mul3A_2 : i32
    %dma_start3A_441 = arith.constant 1536 : i32
    %dma_start3A_442 = tpu.memref_slice %arg20[%dma_start3A_441] : memref<2048xf32, #tpu.memory_space<vmem>> -> memref<512xf32, #tpu.memory_space<vmem>>
    %dma_start3A_443 = tpu.memref_slice %arg4[%add3A_440] : memref<65536xf32, #tpu.memory_space<hbm>> -> memref<512xf32, #tpu.memory_space<hbm>>
    %dma_start3A_444 = arith.constant 1536 : i32
    %dma_start3A_445 = tpu.memref_slice %arg20[%dma_start3A_444] : memref<2048xf32, #tpu.memory_space<vmem>> -> memref<512xf32, #tpu.memory_space<vmem>>
    %dma_start3A_446 = tpu.memref_slice %arg4[%add3A_440] : memref<65536xf32, #tpu.memory_space<hbm>> -> memref<512xf32, #tpu.memory_space<hbm>>
    tpu.enqueue_dma source(%dma_start3A_446 : memref<512xf32, #tpu.memory_space<hbm>>) target(%dma_start3A_445 : memref<512xf32, #tpu.memory_space<vmem>>) target_semaphore(%arg27 : memref<!tpu.dma_semaphore, #tpu.memory_space<semaphore_mem>>)
    tpu.enqueue_dma source(%arg6 : memref<16xf32, #tpu.memory_space<hbm>>) target(%arg22 : memref<16xf32, #tpu.memory_space<vmem>>) target_semaphore(%arg27 : memref<!tpu.dma_semaphore, #tpu.memory_space<semaphore_mem>>)
    %dma_wait3A = arith.constant 0 : i32
    %dma_wait3A_447 = tpu.memref_slice %arg15[%dma_wait3A] : memref<2048xf32, #tpu.memory_space<vmem>> -> memref<128xf32, #tpu.memory_space<vmem>>
    %dma_wait3A_448 = arith.constant 0 : i32
    %dma_wait3A_449 = tpu.memref_slice %arg13[%dma_wait3A_448] : memref<2048xi32, #tpu.memory_space<vmem>> -> memref<128xi32, #tpu.memory_space<vmem>>
    %dma_wait3A_450 = arith.constant 0 : i32
    %dma_wait3A_451 = tpu.memref_slice %arg8[%dma_wait3A_450] : memref<4000004xf32, #tpu.memory_space<hbm>> -> memref<4000004xf32, #tpu.memory_space<hbm>>
    tpu.wait_indirect_dma semaphore(%arg27 : memref<!tpu.dma_semaphore, #tpu.memory_space<semaphore_mem>>) src(%dma_wait3A_451 : memref<4000004xf32, #tpu.memory_space<hbm>>) dst(%dma_wait3A_447 : memref<128xf32, #tpu.memory_space<vmem>>)
    %dma_wait3A_452 = arith.constant 0 : i32
    %dma_wait3A_453 = tpu.memref_slice %arg16[%dma_wait3A_452] : memref<2048xf32, #tpu.memory_space<vmem>> -> memref<128xf32, #tpu.memory_space<vmem>>
    %dma_wait3A_454 = arith.constant 0 : i32
    %dma_wait3A_455 = tpu.memref_slice %arg14[%dma_wait3A_454] : memref<2048xi32, #tpu.memory_space<vmem>> -> memref<128xi32, #tpu.memory_space<vmem>>
    %dma_wait3A_456 = arith.constant 0 : i32
    %dma_wait3A_457 = tpu.memref_slice %arg8[%dma_wait3A_456] : memref<4000004xf32, #tpu.memory_space<hbm>> -> memref<4000004xf32, #tpu.memory_space<hbm>>
    tpu.wait_indirect_dma semaphore(%arg27 : memref<!tpu.dma_semaphore, #tpu.memory_space<semaphore_mem>>) src(%dma_wait3A_457 : memref<4000004xf32, #tpu.memory_space<hbm>>) dst(%dma_wait3A_453 : memref<128xf32, #tpu.memory_space<vmem>>)
    %dma_wait3A_458 = arith.constant 128 : i32
    %dma_wait3A_459 = tpu.memref_slice %arg15[%dma_wait3A_458] : memref<2048xf32, #tpu.memory_space<vmem>> -> memref<128xf32, #tpu.memory_space<vmem>>
    %dma_wait3A_460 = arith.constant 128 : i32
    %dma_wait3A_461 = tpu.memref_slice %arg13[%dma_wait3A_460] : memref<2048xi32, #tpu.memory_space<vmem>> -> memref<128xi32, #tpu.memory_space<vmem>>
    %dma_wait3A_462 = arith.constant 0 : i32
    %dma_wait3A_463 = tpu.memref_slice %arg8[%dma_wait3A_462] : memref<4000004xf32, #tpu.memory_space<hbm>> -> memref<4000004xf32, #tpu.memory_space<hbm>>
    tpu.wait_indirect_dma semaphore(%arg27 : memref<!tpu.dma_semaphore, #tpu.memory_space<semaphore_mem>>) src(%dma_wait3A_463 : memref<4000004xf32, #tpu.memory_space<hbm>>) dst(%dma_wait3A_459 : memref<128xf32, #tpu.memory_space<vmem>>)
    %dma_wait3A_464 = arith.constant 128 : i32
    %dma_wait3A_465 = tpu.memref_slice %arg16[%dma_wait3A_464] : memref<2048xf32, #tpu.memory_space<vmem>> -> memref<128xf32, #tpu.memory_space<vmem>>
    %dma_wait3A_466 = arith.constant 128 : i32
    %dma_wait3A_467 = tpu.memref_slice %arg14[%dma_wait3A_466] : memref<2048xi32, #tpu.memory_space<vmem>> -> memref<128xi32, #tpu.memory_space<vmem>>
    %dma_wait3A_468 = arith.constant 0 : i32
    %dma_wait3A_469 = tpu.memref_slice %arg8[%dma_wait3A_468] : memref<4000004xf32, #tpu.memory_space<hbm>> -> memref<4000004xf32, #tpu.memory_space<hbm>>
    tpu.wait_indirect_dma semaphore(%arg27 : memref<!tpu.dma_semaphore, #tpu.memory_space<semaphore_mem>>) src(%dma_wait3A_469 : memref<4000004xf32, #tpu.memory_space<hbm>>) dst(%dma_wait3A_465 : memref<128xf32, #tpu.memory_space<vmem>>)
    %dma_wait3A_470 = arith.constant 256 : i32
    %dma_wait3A_471 = tpu.memref_slice %arg15[%dma_wait3A_470] : memref<2048xf32, #tpu.memory_space<vmem>> -> memref<128xf32, #tpu.memory_space<vmem>>
    %dma_wait3A_472 = arith.constant 256 : i32
    %dma_wait3A_473 = tpu.memref_slice %arg13[%dma_wait3A_472] : memref<2048xi32, #tpu.memory_space<vmem>> -> memref<128xi32, #tpu.memory_space<vmem>>
    %dma_wait3A_474 = arith.constant 0 : i32
    %dma_wait3A_475 = tpu.memref_slice %arg8[%dma_wait3A_474] : memref<4000004xf32, #tpu.memory_space<hbm>> -> memref<4000004xf32, #tpu.memory_space<hbm>>
    tpu.wait_indirect_dma semaphore(%arg27 : memref<!tpu.dma_semaphore, #tpu.memory_space<semaphore_mem>>) src(%dma_wait3A_475 : memref<4000004xf32, #tpu.memory_space<hbm>>) dst(%dma_wait3A_471 : memref<128xf32, #tpu.memory_space<vmem>>)
    %dma_wait3A_476 = arith.constant 256 : i32
    %dma_wait3A_477 = tpu.memref_slice %arg16[%dma_wait3A_476] : memref<2048xf32, #tpu.memory_space<vmem>> -> memref<128xf32, #tpu.memory_space<vmem>>
    %dma_wait3A_478 = arith.constant 256 : i32
    %dma_wait3A_479 = tpu.memref_slice %arg14[%dma_wait3A_478] : memref<2048xi32, #tpu.memory_space<vmem>> -> memref<128xi32, #tpu.memory_space<vmem>>
    %dma_wait3A_480 = arith.constant 0 : i32
    %dma_wait3A_481 = tpu.memref_slice %arg8[%dma_wait3A_480] : memref<4000004xf32, #tpu.memory_space<hbm>> -> memref<4000004xf32, #tpu.memory_space<hbm>>
    tpu.wait_indirect_dma semaphore(%arg27 : memref<!tpu.dma_semaphore, #tpu.memory_space<semaphore_mem>>) src(%dma_wait3A_481 : memref<4000004xf32, #tpu.memory_space<hbm>>) dst(%dma_wait3A_477 : memref<128xf32, #tpu.memory_space<vmem>>)
    %dma_wait3A_482 = arith.constant 384 : i32
    %dma_wait3A_483 = tpu.memref_slice %arg15[%dma_wait3A_482] : memref<2048xf32, #tpu.memory_space<vmem>> -> memref<128xf32, #tpu.memory_space<vmem>>
    %dma_wait3A_484 = arith.constant 384 : i32
    %dma_wait3A_485 = tpu.memref_slice %arg13[%dma_wait3A_484] : memref<2048xi32, #tpu.memory_space<vmem>> -> memref<128xi32, #tpu.memory_space<vmem>>
    %dma_wait3A_486 = arith.constant 0 : i32
    %dma_wait3A_487 = tpu.memref_slice %arg8[%dma_wait3A_486] : memref<4000004xf32, #tpu.memory_space<hbm>> -> memref<4000004xf32, #tpu.memory_space<hbm>>
    tpu.wait_indirect_dma semaphore(%arg27 : memref<!tpu.dma_semaphore, #tpu.memory_space<semaphore_mem>>) src(%dma_wait3A_487 : memref<4000004xf32, #tpu.memory_space<hbm>>) dst(%dma_wait3A_483 : memref<128xf32, #tpu.memory_space<vmem>>)
    %dma_wait3A_488 = arith.constant 384 : i32
    %dma_wait3A_489 = tpu.memref_slice %arg16[%dma_wait3A_488] : memref<2048xf32, #tpu.memory_space<vmem>> -> memref<128xf32, #tpu.memory_space<vmem>>
    %dma_wait3A_490 = arith.constant 384 : i32
    %dma_wait3A_491 = tpu.memref_slice %arg14[%dma_wait3A_490] : memref<2048xi32, #tpu.memory_space<vmem>> -> memref<128xi32, #tpu.memory_space<vmem>>
    %dma_wait3A_492 = arith.constant 0 : i32
    %dma_wait3A_493 = tpu.memref_slice %arg8[%dma_wait3A_492] : memref<4000004xf32, #tpu.memory_space<hbm>> -> memref<4000004xf32, #tpu.memory_space<hbm>>
    tpu.wait_indirect_dma semaphore(%arg27 : memref<!tpu.dma_semaphore, #tpu.memory_space<semaphore_mem>>) src(%dma_wait3A_493 : memref<4000004xf32, #tpu.memory_space<hbm>>) dst(%dma_wait3A_489 : memref<128xf32, #tpu.memory_space<vmem>>)
    %dma_wait3A_494 = arith.constant 512 : i32
    %dma_wait3A_495 = tpu.memref_slice %arg15[%dma_wait3A_494] : memref<2048xf32, #tpu.memory_space<vmem>> -> memref<128xf32, #tpu.memory_space<vmem>>
    %dma_wait3A_496 = arith.constant 512 : i32
    %dma_wait3A_497 = tpu.memref_slice %arg13[%dma_wait3A_496] : memref<2048xi32, #tpu.memory_space<vmem>> -> memref<128xi32, #tpu.memory_space<vmem>>
    %dma_wait3A_498 = arith.constant 0 : i32
    %dma_wait3A_499 = tpu.memref_slice %arg8[%dma_wait3A_498] : memref<4000004xf32, #tpu.memory_space<hbm>> -> memref<4000004xf32, #tpu.memory_space<hbm>>
    tpu.wait_indirect_dma semaphore(%arg27 : memref<!tpu.dma_semaphore, #tpu.memory_space<semaphore_mem>>) src(%dma_wait3A_499 : memref<4000004xf32, #tpu.memory_space<hbm>>) dst(%dma_wait3A_495 : memref<128xf32, #tpu.memory_space<vmem>>)
    %dma_wait3A_500 = arith.constant 512 : i32
    %dma_wait3A_501 = tpu.memref_slice %arg16[%dma_wait3A_500] : memref<2048xf32, #tpu.memory_space<vmem>> -> memref<128xf32, #tpu.memory_space<vmem>>
    %dma_wait3A_502 = arith.constant 512 : i32
    %dma_wait3A_503 = tpu.memref_slice %arg14[%dma_wait3A_502] : memref<2048xi32, #tpu.memory_space<vmem>> -> memref<128xi32, #tpu.memory_space<vmem>>
    %dma_wait3A_504 = arith.constant 0 : i32
    %dma_wait3A_505 = tpu.memref_slice %arg8[%dma_wait3A_504] : memref<4000004xf32, #tpu.memory_space<hbm>> -> memref<4000004xf32, #tpu.memory_space<hbm>>
    tpu.wait_indirect_dma semaphore(%arg27 : memref<!tpu.dma_semaphore, #tpu.memory_space<semaphore_mem>>) src(%dma_wait3A_505 : memref<4000004xf32, #tpu.memory_space<hbm>>) dst(%dma_wait3A_501 : memref<128xf32, #tpu.memory_space<vmem>>)
    %dma_wait3A_506 = arith.constant 640 : i32
    %dma_wait3A_507 = tpu.memref_slice %arg15[%dma_wait3A_506] : memref<2048xf32, #tpu.memory_space<vmem>> -> memref<128xf32, #tpu.memory_space<vmem>>
    %dma_wait3A_508 = arith.constant 640 : i32
    %dma_wait3A_509 = tpu.memref_slice %arg13[%dma_wait3A_508] : memref<2048xi32, #tpu.memory_space<vmem>> -> memref<128xi32, #tpu.memory_space<vmem>>
    %dma_wait3A_510 = arith.constant 0 : i32
    %dma_wait3A_511 = tpu.memref_slice %arg8[%dma_wait3A_510] : memref<4000004xf32, #tpu.memory_space<hbm>> -> memref<4000004xf32, #tpu.memory_space<hbm>>
    tpu.wait_indirect_dma semaphore(%arg27 : memref<!tpu.dma_semaphore, #tpu.memory_space<semaphore_mem>>) src(%dma_wait3A_511 : memref<4000004xf32, #tpu.memory_space<hbm>>) dst(%dma_wait3A_507 : memref<128xf32, #tpu.memory_space<vmem>>)
    %dma_wait3A_512 = arith.constant 640 : i32
    %dma_wait3A_513 = tpu.memref_slice %arg16[%dma_wait3A_512] : memref<2048xf32, #tpu.memory_space<vmem>> -> memref<128xf32, #tpu.memory_space<vmem>>
    %dma_wait3A_514 = arith.constant 640 : i32
    %dma_wait3A_515 = tpu.memref_slice %arg14[%dma_wait3A_514] : memref<2048xi32, #tpu.memory_space<vmem>> -> memref<128xi32, #tpu.memory_space<vmem>>
    %dma_wait3A_516 = arith.constant 0 : i32
    %dma_wait3A_517 = tpu.memref_slice %arg8[%dma_wait3A_516] : memref<4000004xf32, #tpu.memory_space<hbm>> -> memref<4000004xf32, #tpu.memory_space<hbm>>
    tpu.wait_indirect_dma semaphore(%arg27 : memref<!tpu.dma_semaphore, #tpu.memory_space<semaphore_mem>>) src(%dma_wait3A_517 : memref<4000004xf32, #tpu.memory_space<hbm>>) dst(%dma_wait3A_513 : memref<128xf32, #tpu.memory_space<vmem>>)
    %dma_wait3A_518 = arith.constant 768 : i32
    %dma_wait3A_519 = tpu.memref_slice %arg15[%dma_wait3A_518] : memref<2048xf32, #tpu.memory_space<vmem>> -> memref<128xf32, #tpu.memory_space<vmem>>
    %dma_wait3A_520 = arith.constant 768 : i32
    %dma_wait3A_521 = tpu.memref_slice %arg13[%dma_wait3A_520] : memref<2048xi32, #tpu.memory_space<vmem>> -> memref<128xi32, #tpu.memory_space<vmem>>
    %dma_wait3A_522 = arith.constant 0 : i32
    %dma_wait3A_523 = tpu.memref_slice %arg8[%dma_wait3A_522] : memref<4000004xf32, #tpu.memory_space<hbm>> -> memref<4000004xf32, #tpu.memory_space<hbm>>
    tpu.wait_indirect_dma semaphore(%arg27 : memref<!tpu.dma_semaphore, #tpu.memory_space<semaphore_mem>>) src(%dma_wait3A_523 : memref<4000004xf32, #tpu.memory_space<hbm>>) dst(%dma_wait3A_519 : memref<128xf32, #tpu.memory_space<vmem>>)
    %dma_wait3A_524 = arith.constant 768 : i32
    %dma_wait3A_525 = tpu.memref_slice %arg16[%dma_wait3A_524] : memref<2048xf32, #tpu.memory_space<vmem>> -> memref<128xf32, #tpu.memory_space<vmem>>
    %dma_wait3A_526 = arith.constant 768 : i32
    %dma_wait3A_527 = tpu.memref_slice %arg14[%dma_wait3A_526] : memref<2048xi32, #tpu.memory_space<vmem>> -> memref<128xi32, #tpu.memory_space<vmem>>
    %dma_wait3A_528 = arith.constant 0 : i32
    %dma_wait3A_529 = tpu.memref_slice %arg8[%dma_wait3A_528] : memref<4000004xf32, #tpu.memory_space<hbm>> -> memref<4000004xf32, #tpu.memory_space<hbm>>
    tpu.wait_indirect_dma semaphore(%arg27 : memref<!tpu.dma_semaphore, #tpu.memory_space<semaphore_mem>>) src(%dma_wait3A_529 : memref<4000004xf32, #tpu.memory_space<hbm>>) dst(%dma_wait3A_525 : memref<128xf32, #tpu.memory_space<vmem>>)
    %dma_wait3A_530 = arith.constant 896 : i32
    %dma_wait3A_531 = tpu.memref_slice %arg15[%dma_wait3A_530] : memref<2048xf32, #tpu.memory_space<vmem>> -> memref<128xf32, #tpu.memory_space<vmem>>
    %dma_wait3A_532 = arith.constant 896 : i32
    %dma_wait3A_533 = tpu.memref_slice %arg13[%dma_wait3A_532] : memref<2048xi32, #tpu.memory_space<vmem>> -> memref<128xi32, #tpu.memory_space<vmem>>
    %dma_wait3A_534 = arith.constant 0 : i32
    %dma_wait3A_535 = tpu.memref_slice %arg8[%dma_wait3A_534] : memref<4000004xf32, #tpu.memory_space<hbm>> -> memref<4000004xf32, #tpu.memory_space<hbm>>
    tpu.wait_indirect_dma semaphore(%arg27 : memref<!tpu.dma_semaphore, #tpu.memory_space<semaphore_mem>>) src(%dma_wait3A_535 : memref<4000004xf32, #tpu.memory_space<hbm>>) dst(%dma_wait3A_531 : memref<128xf32, #tpu.memory_space<vmem>>)
    %dma_wait3A_536 = arith.constant 896 : i32
    %dma_wait3A_537 = tpu.memref_slice %arg16[%dma_wait3A_536] : memref<2048xf32, #tpu.memory_space<vmem>> -> memref<128xf32, #tpu.memory_space<vmem>>
    %dma_wait3A_538 = arith.constant 896 : i32
    %dma_wait3A_539 = tpu.memref_slice %arg14[%dma_wait3A_538] : memref<2048xi32, #tpu.memory_space<vmem>> -> memref<128xi32, #tpu.memory_space<vmem>>
    %dma_wait3A_540 = arith.constant 0 : i32
    %dma_wait3A_541 = tpu.memref_slice %arg8[%dma_wait3A_540] : memref<4000004xf32, #tpu.memory_space<hbm>> -> memref<4000004xf32, #tpu.memory_space<hbm>>
    tpu.wait_indirect_dma semaphore(%arg27 : memref<!tpu.dma_semaphore, #tpu.memory_space<semaphore_mem>>) src(%dma_wait3A_541 : memref<4000004xf32, #tpu.memory_space<hbm>>) dst(%dma_wait3A_537 : memref<128xf32, #tpu.memory_space<vmem>>)
    %dma_wait3A_542 = arith.constant 1024 : i32
    %dma_wait3A_543 = tpu.memref_slice %arg15[%dma_wait3A_542] : memref<2048xf32, #tpu.memory_space<vmem>> -> memref<128xf32, #tpu.memory_space<vmem>>
    %dma_wait3A_544 = arith.constant 1024 : i32
    %dma_wait3A_545 = tpu.memref_slice %arg13[%dma_wait3A_544] : memref<2048xi32, #tpu.memory_space<vmem>> -> memref<128xi32, #tpu.memory_space<vmem>>
    %dma_wait3A_546 = arith.constant 0 : i32
    %dma_wait3A_547 = tpu.memref_slice %arg8[%dma_wait3A_546] : memref<4000004xf32, #tpu.memory_space<hbm>> -> memref<4000004xf32, #tpu.memory_space<hbm>>
    tpu.wait_indirect_dma semaphore(%arg27 : memref<!tpu.dma_semaphore, #tpu.memory_space<semaphore_mem>>) src(%dma_wait3A_547 : memref<4000004xf32, #tpu.memory_space<hbm>>) dst(%dma_wait3A_543 : memref<128xf32, #tpu.memory_space<vmem>>)
    %dma_wait3A_548 = arith.constant 1024 : i32
    %dma_wait3A_549 = tpu.memref_slice %arg16[%dma_wait3A_548] : memref<2048xf32, #tpu.memory_space<vmem>> -> memref<128xf32, #tpu.memory_space<vmem>>
    %dma_wait3A_550 = arith.constant 1024 : i32
    %dma_wait3A_551 = tpu.memref_slice %arg14[%dma_wait3A_550] : memref<2048xi32, #tpu.memory_space<vmem>> -> memref<128xi32, #tpu.memory_space<vmem>>
    %dma_wait3A_552 = arith.constant 0 : i32
    %dma_wait3A_553 = tpu.memref_slice %arg8[%dma_wait3A_552] : memref<4000004xf32, #tpu.memory_space<hbm>> -> memref<4000004xf32, #tpu.memory_space<hbm>>
    tpu.wait_indirect_dma semaphore(%arg27 : memref<!tpu.dma_semaphore, #tpu.memory_space<semaphore_mem>>) src(%dma_wait3A_553 : memref<4000004xf32, #tpu.memory_space<hbm>>) dst(%dma_wait3A_549 : memref<128xf32, #tpu.memory_space<vmem>>)
    %dma_wait3A_554 = arith.constant 1152 : i32
    %dma_wait3A_555 = tpu.memref_slice %arg15[%dma_wait3A_554] : memref<2048xf32, #tpu.memory_space<vmem>> -> memref<128xf32, #tpu.memory_space<vmem>>
    %dma_wait3A_556 = arith.constant 1152 : i32
    %dma_wait3A_557 = tpu.memref_slice %arg13[%dma_wait3A_556] : memref<2048xi32, #tpu.memory_space<vmem>> -> memref<128xi32, #tpu.memory_space<vmem>>
    %dma_wait3A_558 = arith.constant 0 : i32
    %dma_wait3A_559 = tpu.memref_slice %arg8[%dma_wait3A_558] : memref<4000004xf32, #tpu.memory_space<hbm>> -> memref<4000004xf32, #tpu.memory_space<hbm>>
    tpu.wait_indirect_dma semaphore(%arg27 : memref<!tpu.dma_semaphore, #tpu.memory_space<semaphore_mem>>) src(%dma_wait3A_559 : memref<4000004xf32, #tpu.memory_space<hbm>>) dst(%dma_wait3A_555 : memref<128xf32, #tpu.memory_space<vmem>>)
    %dma_wait3A_560 = arith.constant 1152 : i32
    %dma_wait3A_561 = tpu.memref_slice %arg16[%dma_wait3A_560] : memref<2048xf32, #tpu.memory_space<vmem>> -> memref<128xf32, #tpu.memory_space<vmem>>
    %dma_wait3A_562 = arith.constant 1152 : i32
    %dma_wait3A_563 = tpu.memref_slice %arg14[%dma_wait3A_562] : memref<2048xi32, #tpu.memory_space<vmem>> -> memref<128xi32, #tpu.memory_space<vmem>>
    %dma_wait3A_564 = arith.constant 0 : i32
    %dma_wait3A_565 = tpu.memref_slice %arg8[%dma_wait3A_564] : memref<4000004xf32, #tpu.memory_space<hbm>> -> memref<4000004xf32, #tpu.memory_space<hbm>>
    tpu.wait_indirect_dma semaphore(%arg27 : memref<!tpu.dma_semaphore, #tpu.memory_space<semaphore_mem>>) src(%dma_wait3A_565 : memref<4000004xf32, #tpu.memory_space<hbm>>) dst(%dma_wait3A_561 : memref<128xf32, #tpu.memory_space<vmem>>)
    %dma_wait3A_566 = arith.constant 1280 : i32
    %dma_wait3A_567 = tpu.memref_slice %arg15[%dma_wait3A_566] : memref<2048xf32, #tpu.memory_space<vmem>> -> memref<128xf32, #tpu.memory_space<vmem>>
    %dma_wait3A_568 = arith.constant 1280 : i32
    %dma_wait3A_569 = tpu.memref_slice %arg13[%dma_wait3A_568] : memref<2048xi32, #tpu.memory_space<vmem>> -> memref<128xi32, #tpu.memory_space<vmem>>
    %dma_wait3A_570 = arith.constant 0 : i32
    %dma_wait3A_571 = tpu.memref_slice %arg8[%dma_wait3A_570] : memref<4000004xf32, #tpu.memory_space<hbm>> -> memref<4000004xf32, #tpu.memory_space<hbm>>
    tpu.wait_indirect_dma semaphore(%arg27 : memref<!tpu.dma_semaphore, #tpu.memory_space<semaphore_mem>>) src(%dma_wait3A_571 : memref<4000004xf32, #tpu.memory_space<hbm>>) dst(%dma_wait3A_567 : memref<128xf32, #tpu.memory_space<vmem>>)
    %dma_wait3A_572 = arith.constant 1280 : i32
    %dma_wait3A_573 = tpu.memref_slice %arg16[%dma_wait3A_572] : memref<2048xf32, #tpu.memory_space<vmem>> -> memref<128xf32, #tpu.memory_space<vmem>>
    %dma_wait3A_574 = arith.constant 1280 : i32
    %dma_wait3A_575 = tpu.memref_slice %arg14[%dma_wait3A_574] : memref<2048xi32, #tpu.memory_space<vmem>> -> memref<128xi32, #tpu.memory_space<vmem>>
    %dma_wait3A_576 = arith.constant 0 : i32
    %dma_wait3A_577 = tpu.memref_slice %arg8[%dma_wait3A_576] : memref<4000004xf32, #tpu.memory_space<hbm>> -> memref<4000004xf32, #tpu.memory_space<hbm>>
    tpu.wait_indirect_dma semaphore(%arg27 : memref<!tpu.dma_semaphore, #tpu.memory_space<semaphore_mem>>) src(%dma_wait3A_577 : memref<4000004xf32, #tpu.memory_space<hbm>>) dst(%dma_wait3A_573 : memref<128xf32, #tpu.memory_space<vmem>>)
    %dma_wait3A_578 = arith.constant 1408 : i32
    %dma_wait3A_579 = tpu.memref_slice %arg15[%dma_wait3A_578] : memref<2048xf32, #tpu.memory_space<vmem>> -> memref<128xf32, #tpu.memory_space<vmem>>
    %dma_wait3A_580 = arith.constant 1408 : i32
    %dma_wait3A_581 = tpu.memref_slice %arg13[%dma_wait3A_580] : memref<2048xi32, #tpu.memory_space<vmem>> -> memref<128xi32, #tpu.memory_space<vmem>>
    %dma_wait3A_582 = arith.constant 0 : i32
    %dma_wait3A_583 = tpu.memref_slice %arg8[%dma_wait3A_582] : memref<4000004xf32, #tpu.memory_space<hbm>> -> memref<4000004xf32, #tpu.memory_space<hbm>>
    tpu.wait_indirect_dma semaphore(%arg27 : memref<!tpu.dma_semaphore, #tpu.memory_space<semaphore_mem>>) src(%dma_wait3A_583 : memref<4000004xf32, #tpu.memory_space<hbm>>) dst(%dma_wait3A_579 : memref<128xf32, #tpu.memory_space<vmem>>)
    %dma_wait3A_584 = arith.constant 1408 : i32
    %dma_wait3A_585 = tpu.memref_slice %arg16[%dma_wait3A_584] : memref<2048xf32, #tpu.memory_space<vmem>> -> memref<128xf32, #tpu.memory_space<vmem>>
    %dma_wait3A_586 = arith.constant 1408 : i32
    %dma_wait3A_587 = tpu.memref_slice %arg14[%dma_wait3A_586] : memref<2048xi32, #tpu.memory_space<vmem>> -> memref<128xi32, #tpu.memory_space<vmem>>
    %dma_wait3A_588 = arith.constant 0 : i32
    %dma_wait3A_589 = tpu.memref_slice %arg8[%dma_wait3A_588] : memref<4000004xf32, #tpu.memory_space<hbm>> -> memref<4000004xf32, #tpu.memory_space<hbm>>
    tpu.wait_indirect_dma semaphore(%arg27 : memref<!tpu.dma_semaphore, #tpu.memory_space<semaphore_mem>>) src(%dma_wait3A_589 : memref<4000004xf32, #tpu.memory_space<hbm>>) dst(%dma_wait3A_585 : memref<128xf32, #tpu.memory_space<vmem>>)
    %dma_wait3A_590 = arith.constant 1536 : i32
    %dma_wait3A_591 = tpu.memref_slice %arg15[%dma_wait3A_590] : memref<2048xf32, #tpu.memory_space<vmem>> -> memref<128xf32, #tpu.memory_space<vmem>>
    %dma_wait3A_592 = arith.constant 1536 : i32
    %dma_wait3A_593 = tpu.memref_slice %arg13[%dma_wait3A_592] : memref<2048xi32, #tpu.memory_space<vmem>> -> memref<128xi32, #tpu.memory_space<vmem>>
    %dma_wait3A_594 = arith.constant 0 : i32
    %dma_wait3A_595 = tpu.memref_slice %arg8[%dma_wait3A_594] : memref<4000004xf32, #tpu.memory_space<hbm>> -> memref<4000004xf32, #tpu.memory_space<hbm>>
    tpu.wait_indirect_dma semaphore(%arg27 : memref<!tpu.dma_semaphore, #tpu.memory_space<semaphore_mem>>) src(%dma_wait3A_595 : memref<4000004xf32, #tpu.memory_space<hbm>>) dst(%dma_wait3A_591 : memref<128xf32, #tpu.memory_space<vmem>>)
    %dma_wait3A_596 = arith.constant 1536 : i32
    %dma_wait3A_597 = tpu.memref_slice %arg16[%dma_wait3A_596] : memref<2048xf32, #tpu.memory_space<vmem>> -> memref<128xf32, #tpu.memory_space<vmem>>
    %dma_wait3A_598 = arith.constant 1536 : i32
    %dma_wait3A_599 = tpu.memref_slice %arg14[%dma_wait3A_598] : memref<2048xi32, #tpu.memory_space<vmem>> -> memref<128xi32, #tpu.memory_space<vmem>>
    %dma_wait3A_600 = arith.constant 0 : i32
    %dma_wait3A_601 = tpu.memref_slice %arg8[%dma_wait3A_600] : memref<4000004xf32, #tpu.memory_space<hbm>> -> memref<4000004xf32, #tpu.memory_space<hbm>>
    tpu.wait_indirect_dma semaphore(%arg27 : memref<!tpu.dma_semaphore, #tpu.memory_space<semaphore_mem>>) src(%dma_wait3A_601 : memref<4000004xf32, #tpu.memory_space<hbm>>) dst(%dma_wait3A_597 : memref<128xf32, #tpu.memory_space<vmem>>)
    %dma_wait3A_602 = arith.constant 1664 : i32
    %dma_wait3A_603 = tpu.memref_slice %arg15[%dma_wait3A_602] : memref<2048xf32, #tpu.memory_space<vmem>> -> memref<128xf32, #tpu.memory_space<vmem>>
    %dma_wait3A_604 = arith.constant 1664 : i32
    %dma_wait3A_605 = tpu.memref_slice %arg13[%dma_wait3A_604] : memref<2048xi32, #tpu.memory_space<vmem>> -> memref<128xi32, #tpu.memory_space<vmem>>
    %dma_wait3A_606 = arith.constant 0 : i32
    %dma_wait3A_607 = tpu.memref_slice %arg8[%dma_wait3A_606] : memref<4000004xf32, #tpu.memory_space<hbm>> -> memref<4000004xf32, #tpu.memory_space<hbm>>
    tpu.wait_indirect_dma semaphore(%arg27 : memref<!tpu.dma_semaphore, #tpu.memory_space<semaphore_mem>>) src(%dma_wait3A_607 : memref<4000004xf32, #tpu.memory_space<hbm>>) dst(%dma_wait3A_603 : memref<128xf32, #tpu.memory_space<vmem>>)
    %dma_wait3A_608 = arith.constant 1664 : i32
    %dma_wait3A_609 = tpu.memref_slice %arg16[%dma_wait3A_608] : memref<2048xf32, #tpu.memory_space<vmem>> -> memref<128xf32, #tpu.memory_space<vmem>>
    %dma_wait3A_610 = arith.constant 1664 : i32
    %dma_wait3A_611 = tpu.memref_slice %arg14[%dma_wait3A_610] : memref<2048xi32, #tpu.memory_space<vmem>> -> memref<128xi32, #tpu.memory_space<vmem>>
    %dma_wait3A_612 = arith.constant 0 : i32
    %dma_wait3A_613 = tpu.memref_slice %arg8[%dma_wait3A_612] : memref<4000004xf32, #tpu.memory_space<hbm>> -> memref<4000004xf32, #tpu.memory_space<hbm>>
    tpu.wait_indirect_dma semaphore(%arg27 : memref<!tpu.dma_semaphore, #tpu.memory_space<semaphore_mem>>) src(%dma_wait3A_613 : memref<4000004xf32, #tpu.memory_space<hbm>>) dst(%dma_wait3A_609 : memref<128xf32, #tpu.memory_space<vmem>>)
    %dma_wait3A_614 = arith.constant 1792 : i32
    %dma_wait3A_615 = tpu.memref_slice %arg15[%dma_wait3A_614] : memref<2048xf32, #tpu.memory_space<vmem>> -> memref<128xf32, #tpu.memory_space<vmem>>
    %dma_wait3A_616 = arith.constant 1792 : i32
    %dma_wait3A_617 = tpu.memref_slice %arg13[%dma_wait3A_616] : memref<2048xi32, #tpu.memory_space<vmem>> -> memref<128xi32, #tpu.memory_space<vmem>>
    %dma_wait3A_618 = arith.constant 0 : i32
    %dma_wait3A_619 = tpu.memref_slice %arg8[%dma_wait3A_618] : memref<4000004xf32, #tpu.memory_space<hbm>> -> memref<4000004xf32, #tpu.memory_space<hbm>>
    tpu.wait_indirect_dma semaphore(%arg27 : memref<!tpu.dma_semaphore, #tpu.memory_space<semaphore_mem>>) src(%dma_wait3A_619 : memref<4000004xf32, #tpu.memory_space<hbm>>) dst(%dma_wait3A_615 : memref<128xf32, #tpu.memory_space<vmem>>)
    %dma_wait3A_620 = arith.constant 1792 : i32
    %dma_wait3A_621 = tpu.memref_slice %arg16[%dma_wait3A_620] : memref<2048xf32, #tpu.memory_space<vmem>> -> memref<128xf32, #tpu.memory_space<vmem>>
    %dma_wait3A_622 = arith.constant 1792 : i32
    %dma_wait3A_623 = tpu.memref_slice %arg14[%dma_wait3A_622] : memref<2048xi32, #tpu.memory_space<vmem>> -> memref<128xi32, #tpu.memory_space<vmem>>
    %dma_wait3A_624 = arith.constant 0 : i32
    %dma_wait3A_625 = tpu.memref_slice %arg8[%dma_wait3A_624] : memref<4000004xf32, #tpu.memory_space<hbm>> -> memref<4000004xf32, #tpu.memory_space<hbm>>
    tpu.wait_indirect_dma semaphore(%arg27 : memref<!tpu.dma_semaphore, #tpu.memory_space<semaphore_mem>>) src(%dma_wait3A_625 : memref<4000004xf32, #tpu.memory_space<hbm>>) dst(%dma_wait3A_621 : memref<128xf32, #tpu.memory_space<vmem>>)
    %dma_wait3A_626 = arith.constant 1920 : i32
    %dma_wait3A_627 = tpu.memref_slice %arg15[%dma_wait3A_626] : memref<2048xf32, #tpu.memory_space<vmem>> -> memref<128xf32, #tpu.memory_space<vmem>>
    %dma_wait3A_628 = arith.constant 1920 : i32
    %dma_wait3A_629 = tpu.memref_slice %arg13[%dma_wait3A_628] : memref<2048xi32, #tpu.memory_space<vmem>> -> memref<128xi32, #tpu.memory_space<vmem>>
    %dma_wait3A_630 = arith.constant 0 : i32
    %dma_wait3A_631 = tpu.memref_slice %arg8[%dma_wait3A_630] : memref<4000004xf32, #tpu.memory_space<hbm>> -> memref<4000004xf32, #tpu.memory_space<hbm>>
    tpu.wait_indirect_dma semaphore(%arg27 : memref<!tpu.dma_semaphore, #tpu.memory_space<semaphore_mem>>) src(%dma_wait3A_631 : memref<4000004xf32, #tpu.memory_space<hbm>>) dst(%dma_wait3A_627 : memref<128xf32, #tpu.memory_space<vmem>>)
    %dma_wait3A_632 = arith.constant 1920 : i32
    %dma_wait3A_633 = tpu.memref_slice %arg16[%dma_wait3A_632] : memref<2048xf32, #tpu.memory_space<vmem>> -> memref<128xf32, #tpu.memory_space<vmem>>
    %dma_wait3A_634 = arith.constant 1920 : i32
    %dma_wait3A_635 = tpu.memref_slice %arg14[%dma_wait3A_634] : memref<2048xi32, #tpu.memory_space<vmem>> -> memref<128xi32, #tpu.memory_space<vmem>>
    %dma_wait3A_636 = arith.constant 0 : i32
    %dma_wait3A_637 = tpu.memref_slice %arg8[%dma_wait3A_636] : memref<4000004xf32, #tpu.memory_space<hbm>> -> memref<4000004xf32, #tpu.memory_space<hbm>>
    tpu.wait_indirect_dma semaphore(%arg27 : memref<!tpu.dma_semaphore, #tpu.memory_space<semaphore_mem>>) src(%dma_wait3A_637 : memref<4000004xf32, #tpu.memory_space<hbm>>) dst(%dma_wait3A_633 : memref<128xf32, #tpu.memory_space<vmem>>)
    %dma_wait3A_638 = arith.constant 0 : i32
    %dma_wait3A_639 = tpu.memref_slice %arg17[%dma_wait3A_638] : memref<1536xf32, #tpu.memory_space<vmem>> -> memref<128xf32, #tpu.memory_space<vmem>>
    %dma_wait3A_640 = arith.constant 0 : i32
    %dma_wait3A_641 = tpu.memref_slice %arg13[%dma_wait3A_640] : memref<2048xi32, #tpu.memory_space<vmem>> -> memref<128xi32, #tpu.memory_space<vmem>>
    %dma_wait3A_642 = arith.constant 0 : i32
    %dma_wait3A_643 = tpu.memref_slice %arg7[%dma_wait3A_642] : memref<3000003xf32, #tpu.memory_space<hbm>> -> memref<3000003xf32, #tpu.memory_space<hbm>>
    tpu.wait_indirect_dma semaphore(%arg27 : memref<!tpu.dma_semaphore, #tpu.memory_space<semaphore_mem>>) src(%dma_wait3A_643 : memref<3000003xf32, #tpu.memory_space<hbm>>) dst(%dma_wait3A_639 : memref<128xf32, #tpu.memory_space<vmem>>)
    %dma_wait3A_644 = arith.constant 0 : i32
    %dma_wait3A_645 = tpu.memref_slice %arg18[%dma_wait3A_644] : memref<1536xf32, #tpu.memory_space<vmem>> -> memref<128xf32, #tpu.memory_space<vmem>>
    %dma_wait3A_646 = arith.constant 0 : i32
    %dma_wait3A_647 = tpu.memref_slice %arg14[%dma_wait3A_646] : memref<2048xi32, #tpu.memory_space<vmem>> -> memref<128xi32, #tpu.memory_space<vmem>>
    %dma_wait3A_648 = arith.constant 0 : i32
    %dma_wait3A_649 = tpu.memref_slice %arg7[%dma_wait3A_648] : memref<3000003xf32, #tpu.memory_space<hbm>> -> memref<3000003xf32, #tpu.memory_space<hbm>>
    tpu.wait_indirect_dma semaphore(%arg27 : memref<!tpu.dma_semaphore, #tpu.memory_space<semaphore_mem>>) src(%dma_wait3A_649 : memref<3000003xf32, #tpu.memory_space<hbm>>) dst(%dma_wait3A_645 : memref<128xf32, #tpu.memory_space<vmem>>)
    %dma_wait3A_650 = arith.constant 128 : i32
    %dma_wait3A_651 = tpu.memref_slice %arg17[%dma_wait3A_650] : memref<1536xf32, #tpu.memory_space<vmem>> -> memref<128xf32, #tpu.memory_space<vmem>>
    %dma_wait3A_652 = arith.constant 128 : i32
    %dma_wait3A_653 = tpu.memref_slice %arg13[%dma_wait3A_652] : memref<2048xi32, #tpu.memory_space<vmem>> -> memref<128xi32, #tpu.memory_space<vmem>>
    %dma_wait3A_654 = arith.constant 0 : i32
    %dma_wait3A_655 = tpu.memref_slice %arg7[%dma_wait3A_654] : memref<3000003xf32, #tpu.memory_space<hbm>> -> memref<3000003xf32, #tpu.memory_space<hbm>>
    tpu.wait_indirect_dma semaphore(%arg27 : memref<!tpu.dma_semaphore, #tpu.memory_space<semaphore_mem>>) src(%dma_wait3A_655 : memref<3000003xf32, #tpu.memory_space<hbm>>) dst(%dma_wait3A_651 : memref<128xf32, #tpu.memory_space<vmem>>)
    %dma_wait3A_656 = arith.constant 128 : i32
    %dma_wait3A_657 = tpu.memref_slice %arg18[%dma_wait3A_656] : memref<1536xf32, #tpu.memory_space<vmem>> -> memref<128xf32, #tpu.memory_space<vmem>>
    %dma_wait3A_658 = arith.constant 128 : i32
    %dma_wait3A_659 = tpu.memref_slice %arg14[%dma_wait3A_658] : memref<2048xi32, #tpu.memory_space<vmem>> -> memref<128xi32, #tpu.memory_space<vmem>>
    %dma_wait3A_660 = arith.constant 0 : i32
    %dma_wait3A_661 = tpu.memref_slice %arg7[%dma_wait3A_660] : memref<3000003xf32, #tpu.memory_space<hbm>> -> memref<3000003xf32, #tpu.memory_space<hbm>>
    tpu.wait_indirect_dma semaphore(%arg27 : memref<!tpu.dma_semaphore, #tpu.memory_space<semaphore_mem>>) src(%dma_wait3A_661 : memref<3000003xf32, #tpu.memory_space<hbm>>) dst(%dma_wait3A_657 : memref<128xf32, #tpu.memory_space<vmem>>)
    %dma_wait3A_662 = arith.constant 256 : i32
    %dma_wait3A_663 = tpu.memref_slice %arg17[%dma_wait3A_662] : memref<1536xf32, #tpu.memory_space<vmem>> -> memref<128xf32, #tpu.memory_space<vmem>>
    %dma_wait3A_664 = arith.constant 256 : i32
    %dma_wait3A_665 = tpu.memref_slice %arg13[%dma_wait3A_664] : memref<2048xi32, #tpu.memory_space<vmem>> -> memref<128xi32, #tpu.memory_space<vmem>>
    %dma_wait3A_666 = arith.constant 0 : i32
    %dma_wait3A_667 = tpu.memref_slice %arg7[%dma_wait3A_666] : memref<3000003xf32, #tpu.memory_space<hbm>> -> memref<3000003xf32, #tpu.memory_space<hbm>>
    tpu.wait_indirect_dma semaphore(%arg27 : memref<!tpu.dma_semaphore, #tpu.memory_space<semaphore_mem>>) src(%dma_wait3A_667 : memref<3000003xf32, #tpu.memory_space<hbm>>) dst(%dma_wait3A_663 : memref<128xf32, #tpu.memory_space<vmem>>)
    %dma_wait3A_668 = arith.constant 256 : i32
    %dma_wait3A_669 = tpu.memref_slice %arg18[%dma_wait3A_668] : memref<1536xf32, #tpu.memory_space<vmem>> -> memref<128xf32, #tpu.memory_space<vmem>>
    %dma_wait3A_670 = arith.constant 256 : i32
    %dma_wait3A_671 = tpu.memref_slice %arg14[%dma_wait3A_670] : memref<2048xi32, #tpu.memory_space<vmem>> -> memref<128xi32, #tpu.memory_space<vmem>>
    %dma_wait3A_672 = arith.constant 0 : i32
    %dma_wait3A_673 = tpu.memref_slice %arg7[%dma_wait3A_672] : memref<3000003xf32, #tpu.memory_space<hbm>> -> memref<3000003xf32, #tpu.memory_space<hbm>>
    tpu.wait_indirect_dma semaphore(%arg27 : memref<!tpu.dma_semaphore, #tpu.memory_space<semaphore_mem>>) src(%dma_wait3A_673 : memref<3000003xf32, #tpu.memory_space<hbm>>) dst(%dma_wait3A_669 : memref<128xf32, #tpu.memory_space<vmem>>)
    %dma_wait3A_674 = arith.constant 384 : i32
    %dma_wait3A_675 = tpu.memref_slice %arg17[%dma_wait3A_674] : memref<1536xf32, #tpu.memory_space<vmem>> -> memref<128xf32, #tpu.memory_space<vmem>>
    %dma_wait3A_676 = arith.constant 384 : i32
    %dma_wait3A_677 = tpu.memref_slice %arg13[%dma_wait3A_676] : memref<2048xi32, #tpu.memory_space<vmem>> -> memref<128xi32, #tpu.memory_space<vmem>>
    %dma_wait3A_678 = arith.constant 0 : i32
    %dma_wait3A_679 = tpu.memref_slice %arg7[%dma_wait3A_678] : memref<3000003xf32, #tpu.memory_space<hbm>> -> memref<3000003xf32, #tpu.memory_space<hbm>>
    tpu.wait_indirect_dma semaphore(%arg27 : memref<!tpu.dma_semaphore, #tpu.memory_space<semaphore_mem>>) src(%dma_wait3A_679 : memref<3000003xf32, #tpu.memory_space<hbm>>) dst(%dma_wait3A_675 : memref<128xf32, #tpu.memory_space<vmem>>)
    %dma_wait3A_680 = arith.constant 384 : i32
    %dma_wait3A_681 = tpu.memref_slice %arg18[%dma_wait3A_680] : memref<1536xf32, #tpu.memory_space<vmem>> -> memref<128xf32, #tpu.memory_space<vmem>>
    %dma_wait3A_682 = arith.constant 384 : i32
    %dma_wait3A_683 = tpu.memref_slice %arg14[%dma_wait3A_682] : memref<2048xi32, #tpu.memory_space<vmem>> -> memref<128xi32, #tpu.memory_space<vmem>>
    %dma_wait3A_684 = arith.constant 0 : i32
    %dma_wait3A_685 = tpu.memref_slice %arg7[%dma_wait3A_684] : memref<3000003xf32, #tpu.memory_space<hbm>> -> memref<3000003xf32, #tpu.memory_space<hbm>>
    tpu.wait_indirect_dma semaphore(%arg27 : memref<!tpu.dma_semaphore, #tpu.memory_space<semaphore_mem>>) src(%dma_wait3A_685 : memref<3000003xf32, #tpu.memory_space<hbm>>) dst(%dma_wait3A_681 : memref<128xf32, #tpu.memory_space<vmem>>)
    %dma_wait3A_686 = arith.constant 512 : i32
    %dma_wait3A_687 = tpu.memref_slice %arg17[%dma_wait3A_686] : memref<1536xf32, #tpu.memory_space<vmem>> -> memref<128xf32, #tpu.memory_space<vmem>>
    %dma_wait3A_688 = arith.constant 512 : i32
    %dma_wait3A_689 = tpu.memref_slice %arg13[%dma_wait3A_688] : memref<2048xi32, #tpu.memory_space<vmem>> -> memref<128xi32, #tpu.memory_space<vmem>>
    %dma_wait3A_690 = arith.constant 0 : i32
    %dma_wait3A_691 = tpu.memref_slice %arg7[%dma_wait3A_690] : memref<3000003xf32, #tpu.memory_space<hbm>> -> memref<3000003xf32, #tpu.memory_space<hbm>>
    tpu.wait_indirect_dma semaphore(%arg27 : memref<!tpu.dma_semaphore, #tpu.memory_space<semaphore_mem>>) src(%dma_wait3A_691 : memref<3000003xf32, #tpu.memory_space<hbm>>) dst(%dma_wait3A_687 : memref<128xf32, #tpu.memory_space<vmem>>)
    %dma_wait3A_692 = arith.constant 512 : i32
    %dma_wait3A_693 = tpu.memref_slice %arg18[%dma_wait3A_692] : memref<1536xf32, #tpu.memory_space<vmem>> -> memref<128xf32, #tpu.memory_space<vmem>>
    %dma_wait3A_694 = arith.constant 512 : i32
    %dma_wait3A_695 = tpu.memref_slice %arg14[%dma_wait3A_694] : memref<2048xi32, #tpu.memory_space<vmem>> -> memref<128xi32, #tpu.memory_space<vmem>>
    %dma_wait3A_696 = arith.constant 0 : i32
    %dma_wait3A_697 = tpu.memref_slice %arg7[%dma_wait3A_696] : memref<3000003xf32, #tpu.memory_space<hbm>> -> memref<3000003xf32, #tpu.memory_space<hbm>>
    tpu.wait_indirect_dma semaphore(%arg27 : memref<!tpu.dma_semaphore, #tpu.memory_space<semaphore_mem>>) src(%dma_wait3A_697 : memref<3000003xf32, #tpu.memory_space<hbm>>) dst(%dma_wait3A_693 : memref<128xf32, #tpu.memory_space<vmem>>)
    %dma_wait3A_698 = arith.constant 640 : i32
    %dma_wait3A_699 = tpu.memref_slice %arg17[%dma_wait3A_698] : memref<1536xf32, #tpu.memory_space<vmem>> -> memref<128xf32, #tpu.memory_space<vmem>>
    %dma_wait3A_700 = arith.constant 640 : i32
    %dma_wait3A_701 = tpu.memref_slice %arg13[%dma_wait3A_700] : memref<2048xi32, #tpu.memory_space<vmem>> -> memref<128xi32, #tpu.memory_space<vmem>>
    %dma_wait3A_702 = arith.constant 0 : i32
    %dma_wait3A_703 = tpu.memref_slice %arg7[%dma_wait3A_702] : memref<3000003xf32, #tpu.memory_space<hbm>> -> memref<3000003xf32, #tpu.memory_space<hbm>>
    tpu.wait_indirect_dma semaphore(%arg27 : memref<!tpu.dma_semaphore, #tpu.memory_space<semaphore_mem>>) src(%dma_wait3A_703 : memref<3000003xf32, #tpu.memory_space<hbm>>) dst(%dma_wait3A_699 : memref<128xf32, #tpu.memory_space<vmem>>)
    %dma_wait3A_704 = arith.constant 640 : i32
    %dma_wait3A_705 = tpu.memref_slice %arg18[%dma_wait3A_704] : memref<1536xf32, #tpu.memory_space<vmem>> -> memref<128xf32, #tpu.memory_space<vmem>>
    %dma_wait3A_706 = arith.constant 640 : i32
    %dma_wait3A_707 = tpu.memref_slice %arg14[%dma_wait3A_706] : memref<2048xi32, #tpu.memory_space<vmem>> -> memref<128xi32, #tpu.memory_space<vmem>>
    %dma_wait3A_708 = arith.constant 0 : i32
    %dma_wait3A_709 = tpu.memref_slice %arg7[%dma_wait3A_708] : memref<3000003xf32, #tpu.memory_space<hbm>> -> memref<3000003xf32, #tpu.memory_space<hbm>>
    tpu.wait_indirect_dma semaphore(%arg27 : memref<!tpu.dma_semaphore, #tpu.memory_space<semaphore_mem>>) src(%dma_wait3A_709 : memref<3000003xf32, #tpu.memory_space<hbm>>) dst(%dma_wait3A_705 : memref<128xf32, #tpu.memory_space<vmem>>)
    %dma_wait3A_710 = arith.constant 768 : i32
    %dma_wait3A_711 = tpu.memref_slice %arg17[%dma_wait3A_710] : memref<1536xf32, #tpu.memory_space<vmem>> -> memref<128xf32, #tpu.memory_space<vmem>>
    %dma_wait3A_712 = arith.constant 768 : i32
    %dma_wait3A_713 = tpu.memref_slice %arg13[%dma_wait3A_712] : memref<2048xi32, #tpu.memory_space<vmem>> -> memref<128xi32, #tpu.memory_space<vmem>>
    %dma_wait3A_714 = arith.constant 0 : i32
    %dma_wait3A_715 = tpu.memref_slice %arg7[%dma_wait3A_714] : memref<3000003xf32, #tpu.memory_space<hbm>> -> memref<3000003xf32, #tpu.memory_space<hbm>>
    tpu.wait_indirect_dma semaphore(%arg27 : memref<!tpu.dma_semaphore, #tpu.memory_space<semaphore_mem>>) src(%dma_wait3A_715 : memref<3000003xf32, #tpu.memory_space<hbm>>) dst(%dma_wait3A_711 : memref<128xf32, #tpu.memory_space<vmem>>)
    %dma_wait3A_716 = arith.constant 768 : i32
    %dma_wait3A_717 = tpu.memref_slice %arg18[%dma_wait3A_716] : memref<1536xf32, #tpu.memory_space<vmem>> -> memref<128xf32, #tpu.memory_space<vmem>>
    %dma_wait3A_718 = arith.constant 768 : i32
    %dma_wait3A_719 = tpu.memref_slice %arg14[%dma_wait3A_718] : memref<2048xi32, #tpu.memory_space<vmem>> -> memref<128xi32, #tpu.memory_space<vmem>>
    %dma_wait3A_720 = arith.constant 0 : i32
    %dma_wait3A_721 = tpu.memref_slice %arg7[%dma_wait3A_720] : memref<3000003xf32, #tpu.memory_space<hbm>> -> memref<3000003xf32, #tpu.memory_space<hbm>>
    tpu.wait_indirect_dma semaphore(%arg27 : memref<!tpu.dma_semaphore, #tpu.memory_space<semaphore_mem>>) src(%dma_wait3A_721 : memref<3000003xf32, #tpu.memory_space<hbm>>) dst(%dma_wait3A_717 : memref<128xf32, #tpu.memory_space<vmem>>)
    %dma_wait3A_722 = arith.constant 896 : i32
    %dma_wait3A_723 = tpu.memref_slice %arg17[%dma_wait3A_722] : memref<1536xf32, #tpu.memory_space<vmem>> -> memref<128xf32, #tpu.memory_space<vmem>>
    %dma_wait3A_724 = arith.constant 896 : i32
    %dma_wait3A_725 = tpu.memref_slice %arg13[%dma_wait3A_724] : memref<2048xi32, #tpu.memory_space<vmem>> -> memref<128xi32, #tpu.memory_space<vmem>>
    %dma_wait3A_726 = arith.constant 0 : i32
    %dma_wait3A_727 = tpu.memref_slice %arg7[%dma_wait3A_726] : memref<3000003xf32, #tpu.memory_space<hbm>> -> memref<3000003xf32, #tpu.memory_space<hbm>>
    tpu.wait_indirect_dma semaphore(%arg27 : memref<!tpu.dma_semaphore, #tpu.memory_space<semaphore_mem>>) src(%dma_wait3A_727 : memref<3000003xf32, #tpu.memory_space<hbm>>) dst(%dma_wait3A_723 : memref<128xf32, #tpu.memory_space<vmem>>)
    %dma_wait3A_728 = arith.constant 896 : i32
    %dma_wait3A_729 = tpu.memref_slice %arg18[%dma_wait3A_728] : memref<1536xf32, #tpu.memory_space<vmem>> -> memref<128xf32, #tpu.memory_space<vmem>>
    %dma_wait3A_730 = arith.constant 896 : i32
    %dma_wait3A_731 = tpu.memref_slice %arg14[%dma_wait3A_730] : memref<2048xi32, #tpu.memory_space<vmem>> -> memref<128xi32, #tpu.memory_space<vmem>>
    %dma_wait3A_732 = arith.constant 0 : i32
    %dma_wait3A_733 = tpu.memref_slice %arg7[%dma_wait3A_732] : memref<3000003xf32, #tpu.memory_space<hbm>> -> memref<3000003xf32, #tpu.memory_space<hbm>>
    tpu.wait_indirect_dma semaphore(%arg27 : memref<!tpu.dma_semaphore, #tpu.memory_space<semaphore_mem>>) src(%dma_wait3A_733 : memref<3000003xf32, #tpu.memory_space<hbm>>) dst(%dma_wait3A_729 : memref<128xf32, #tpu.memory_space<vmem>>)
    %dma_wait3A_734 = arith.constant 1024 : i32
    %dma_wait3A_735 = tpu.memref_slice %arg17[%dma_wait3A_734] : memref<1536xf32, #tpu.memory_space<vmem>> -> memref<128xf32, #tpu.memory_space<vmem>>
    %dma_wait3A_736 = arith.constant 1024 : i32
    %dma_wait3A_737 = tpu.memref_slice %arg13[%dma_wait3A_736] : memref<2048xi32, #tpu.memory_space<vmem>> -> memref<128xi32, #tpu.memory_space<vmem>>
    %dma_wait3A_738 = arith.constant 0 : i32
    %dma_wait3A_739 = tpu.memref_slice %arg7[%dma_wait3A_738] : memref<3000003xf32, #tpu.memory_space<hbm>> -> memref<3000003xf32, #tpu.memory_space<hbm>>
    tpu.wait_indirect_dma semaphore(%arg27 : memref<!tpu.dma_semaphore, #tpu.memory_space<semaphore_mem>>) src(%dma_wait3A_739 : memref<3000003xf32, #tpu.memory_space<hbm>>) dst(%dma_wait3A_735 : memref<128xf32, #tpu.memory_space<vmem>>)
    %dma_wait3A_740 = arith.constant 1024 : i32
    %dma_wait3A_741 = tpu.memref_slice %arg18[%dma_wait3A_740] : memref<1536xf32, #tpu.memory_space<vmem>> -> memref<128xf32, #tpu.memory_space<vmem>>
    %dma_wait3A_742 = arith.constant 1024 : i32
    %dma_wait3A_743 = tpu.memref_slice %arg14[%dma_wait3A_742] : memref<2048xi32, #tpu.memory_space<vmem>> -> memref<128xi32, #tpu.memory_space<vmem>>
    %dma_wait3A_744 = arith.constant 0 : i32
    %dma_wait3A_745 = tpu.memref_slice %arg7[%dma_wait3A_744] : memref<3000003xf32, #tpu.memory_space<hbm>> -> memref<3000003xf32, #tpu.memory_space<hbm>>
    tpu.wait_indirect_dma semaphore(%arg27 : memref<!tpu.dma_semaphore, #tpu.memory_space<semaphore_mem>>) src(%dma_wait3A_745 : memref<3000003xf32, #tpu.memory_space<hbm>>) dst(%dma_wait3A_741 : memref<128xf32, #tpu.memory_space<vmem>>)
    %dma_wait3A_746 = arith.constant 1152 : i32
    %dma_wait3A_747 = tpu.memref_slice %arg17[%dma_wait3A_746] : memref<1536xf32, #tpu.memory_space<vmem>> -> memref<128xf32, #tpu.memory_space<vmem>>
    %dma_wait3A_748 = arith.constant 1152 : i32
    %dma_wait3A_749 = tpu.memref_slice %arg13[%dma_wait3A_748] : memref<2048xi32, #tpu.memory_space<vmem>> -> memref<128xi32, #tpu.memory_space<vmem>>
    %dma_wait3A_750 = arith.constant 0 : i32
    %dma_wait3A_751 = tpu.memref_slice %arg7[%dma_wait3A_750] : memref<3000003xf32, #tpu.memory_space<hbm>> -> memref<3000003xf32, #tpu.memory_space<hbm>>
    tpu.wait_indirect_dma semaphore(%arg27 : memref<!tpu.dma_semaphore, #tpu.memory_space<semaphore_mem>>) src(%dma_wait3A_751 : memref<3000003xf32, #tpu.memory_space<hbm>>) dst(%dma_wait3A_747 : memref<128xf32, #tpu.memory_space<vmem>>)
    %dma_wait3A_752 = arith.constant 1152 : i32
    %dma_wait3A_753 = tpu.memref_slice %arg18[%dma_wait3A_752] : memref<1536xf32, #tpu.memory_space<vmem>> -> memref<128xf32, #tpu.memory_space<vmem>>
    %dma_wait3A_754 = arith.constant 1152 : i32
    %dma_wait3A_755 = tpu.memref_slice %arg14[%dma_wait3A_754] : memref<2048xi32, #tpu.memory_space<vmem>> -> memref<128xi32, #tpu.memory_space<vmem>>
    %dma_wait3A_756 = arith.constant 0 : i32
    %dma_wait3A_757 = tpu.memref_slice %arg7[%dma_wait3A_756] : memref<3000003xf32, #tpu.memory_space<hbm>> -> memref<3000003xf32, #tpu.memory_space<hbm>>
    tpu.wait_indirect_dma semaphore(%arg27 : memref<!tpu.dma_semaphore, #tpu.memory_space<semaphore_mem>>) src(%dma_wait3A_757 : memref<3000003xf32, #tpu.memory_space<hbm>>) dst(%dma_wait3A_753 : memref<128xf32, #tpu.memory_space<vmem>>)
    %dma_wait3A_758 = arith.constant 1280 : i32
    %dma_wait3A_759 = tpu.memref_slice %arg17[%dma_wait3A_758] : memref<1536xf32, #tpu.memory_space<vmem>> -> memref<128xf32, #tpu.memory_space<vmem>>
    %dma_wait3A_760 = arith.constant 1280 : i32
    %dma_wait3A_761 = tpu.memref_slice %arg13[%dma_wait3A_760] : memref<2048xi32, #tpu.memory_space<vmem>> -> memref<128xi32, #tpu.memory_space<vmem>>
    %dma_wait3A_762 = arith.constant 0 : i32
    %dma_wait3A_763 = tpu.memref_slice %arg7[%dma_wait3A_762] : memref<3000003xf32, #tpu.memory_space<hbm>> -> memref<3000003xf32, #tpu.memory_space<hbm>>
    tpu.wait_indirect_dma semaphore(%arg27 : memref<!tpu.dma_semaphore, #tpu.memory_space<semaphore_mem>>) src(%dma_wait3A_763 : memref<3000003xf32, #tpu.memory_space<hbm>>) dst(%dma_wait3A_759 : memref<128xf32, #tpu.memory_space<vmem>>)
    %dma_wait3A_764 = arith.constant 1280 : i32
    %dma_wait3A_765 = tpu.memref_slice %arg18[%dma_wait3A_764] : memref<1536xf32, #tpu.memory_space<vmem>> -> memref<128xf32, #tpu.memory_space<vmem>>
    %dma_wait3A_766 = arith.constant 1280 : i32
    %dma_wait3A_767 = tpu.memref_slice %arg14[%dma_wait3A_766] : memref<2048xi32, #tpu.memory_space<vmem>> -> memref<128xi32, #tpu.memory_space<vmem>>
    %dma_wait3A_768 = arith.constant 0 : i32
    %dma_wait3A_769 = tpu.memref_slice %arg7[%dma_wait3A_768] : memref<3000003xf32, #tpu.memory_space<hbm>> -> memref<3000003xf32, #tpu.memory_space<hbm>>
    tpu.wait_indirect_dma semaphore(%arg27 : memref<!tpu.dma_semaphore, #tpu.memory_space<semaphore_mem>>) src(%dma_wait3A_769 : memref<3000003xf32, #tpu.memory_space<hbm>>) dst(%dma_wait3A_765 : memref<128xf32, #tpu.memory_space<vmem>>)
    %dma_wait3A_770 = arith.constant 1408 : i32
    %dma_wait3A_771 = tpu.memref_slice %arg17[%dma_wait3A_770] : memref<1536xf32, #tpu.memory_space<vmem>> -> memref<128xf32, #tpu.memory_space<vmem>>
    %dma_wait3A_772 = arith.constant 1408 : i32
    %dma_wait3A_773 = tpu.memref_slice %arg13[%dma_wait3A_772] : memref<2048xi32, #tpu.memory_space<vmem>> -> memref<128xi32, #tpu.memory_space<vmem>>
    %dma_wait3A_774 = arith.constant 0 : i32
    %dma_wait3A_775 = tpu.memref_slice %arg7[%dma_wait3A_774] : memref<3000003xf32, #tpu.memory_space<hbm>> -> memref<3000003xf32, #tpu.memory_space<hbm>>
    tpu.wait_indirect_dma semaphore(%arg27 : memref<!tpu.dma_semaphore, #tpu.memory_space<semaphore_mem>>) src(%dma_wait3A_775 : memref<3000003xf32, #tpu.memory_space<hbm>>) dst(%dma_wait3A_771 : memref<128xf32, #tpu.memory_space<vmem>>)
    %dma_wait3A_776 = arith.constant 1408 : i32
    %dma_wait3A_777 = tpu.memref_slice %arg18[%dma_wait3A_776] : memref<1536xf32, #tpu.memory_space<vmem>> -> memref<128xf32, #tpu.memory_space<vmem>>
    %dma_wait3A_778 = arith.constant 1408 : i32
    %dma_wait3A_779 = tpu.memref_slice %arg14[%dma_wait3A_778] : memref<2048xi32, #tpu.memory_space<vmem>> -> memref<128xi32, #tpu.memory_space<vmem>>
    %dma_wait3A_780 = arith.constant 0 : i32
    %dma_wait3A_781 = tpu.memref_slice %arg7[%dma_wait3A_780] : memref<3000003xf32, #tpu.memory_space<hbm>> -> memref<3000003xf32, #tpu.memory_space<hbm>>
    tpu.wait_indirect_dma semaphore(%arg27 : memref<!tpu.dma_semaphore, #tpu.memory_space<semaphore_mem>>) src(%dma_wait3A_781 : memref<3000003xf32, #tpu.memory_space<hbm>>) dst(%dma_wait3A_777 : memref<128xf32, #tpu.memory_space<vmem>>)
    %dma_wait3A_782 = arith.constant 0 : i32
    %dma_wait3A_783 = tpu.memref_slice %arg7[%dma_wait3A_782] : memref<3000003xf32, #tpu.memory_space<hbm>> -> memref<3000003xf32, #tpu.memory_space<hbm>>
    tpu.wait_indirect_dma semaphore(%arg27 : memref<!tpu.dma_semaphore, #tpu.memory_space<semaphore_mem>>) src(%dma_wait3A_783 : memref<3000003xf32, #tpu.memory_space<hbm>>) dst(%arg24 : memref<16xf32, #tpu.memory_space<vmem>>)
    %dma_wait3A_784 = arith.constant 0 : i32
    %dma_wait3A_785 = tpu.memref_slice %arg19[%dma_wait3A_784] : memref<1536xf32, #tpu.memory_space<vmem>> -> memref<512xf32, #tpu.memory_space<vmem>>
    %dma_wait3A_786 = tpu.memref_slice %arg3[%add3A_368] : memref<49152xf32, #tpu.memory_space<hbm>> -> memref<512xf32, #tpu.memory_space<hbm>>
    %dma_wait3A_787 = arith.constant 0 : i32
    %dma_wait3A_788 = tpu.memref_slice %arg19[%dma_wait3A_787] : memref<1536xf32, #tpu.memory_space<vmem>> -> memref<512xf32, #tpu.memory_space<vmem>>
    %dma_wait3A_789 = tpu.memref_slice %arg3[%add3A_368] : memref<49152xf32, #tpu.memory_space<hbm>> -> memref<512xf32, #tpu.memory_space<hbm>>
    tpu.wait_dma2 semaphore(%arg27 : memref<!tpu.dma_semaphore, #tpu.memory_space<semaphore_mem>>) src(%dma_wait3A_789 : memref<512xf32, #tpu.memory_space<hbm>>) dst(%dma_wait3A_788 : memref<512xf32, #tpu.memory_space<vmem>>)
    %dma_wait3A_790 = arith.constant 0 : i32
    %dma_wait3A_791 = tpu.memref_slice %arg21[%dma_wait3A_790] : memref<1536xf32, #tpu.memory_space<vmem>> -> memref<512xf32, #tpu.memory_space<vmem>>
    %dma_wait3A_792 = tpu.memref_slice %arg5[%add3A_376] : memref<49152xf32, #tpu.memory_space<hbm>> -> memref<512xf32, #tpu.memory_space<hbm>>
    %dma_wait3A_793 = arith.constant 0 : i32
    %dma_wait3A_794 = tpu.memref_slice %arg21[%dma_wait3A_793] : memref<1536xf32, #tpu.memory_space<vmem>> -> memref<512xf32, #tpu.memory_space<vmem>>
    %dma_wait3A_795 = tpu.memref_slice %arg5[%add3A_376] : memref<49152xf32, #tpu.memory_space<hbm>> -> memref<512xf32, #tpu.memory_space<hbm>>
    tpu.wait_dma2 semaphore(%arg27 : memref<!tpu.dma_semaphore, #tpu.memory_space<semaphore_mem>>) src(%dma_wait3A_795 : memref<512xf32, #tpu.memory_space<hbm>>) dst(%dma_wait3A_794 : memref<512xf32, #tpu.memory_space<vmem>>)
    %dma_wait3A_796 = arith.constant 512 : i32
    %dma_wait3A_797 = tpu.memref_slice %arg19[%dma_wait3A_796] : memref<1536xf32, #tpu.memory_space<vmem>> -> memref<512xf32, #tpu.memory_space<vmem>>
    %dma_wait3A_798 = tpu.memref_slice %arg3[%add3A_384] : memref<49152xf32, #tpu.memory_space<hbm>> -> memref<512xf32, #tpu.memory_space<hbm>>
    %dma_wait3A_799 = arith.constant 512 : i32
    %dma_wait3A_800 = tpu.memref_slice %arg19[%dma_wait3A_799] : memref<1536xf32, #tpu.memory_space<vmem>> -> memref<512xf32, #tpu.memory_space<vmem>>
    %dma_wait3A_801 = tpu.memref_slice %arg3[%add3A_384] : memref<49152xf32, #tpu.memory_space<hbm>> -> memref<512xf32, #tpu.memory_space<hbm>>
    tpu.wait_dma2 semaphore(%arg27 : memref<!tpu.dma_semaphore, #tpu.memory_space<semaphore_mem>>) src(%dma_wait3A_801 : memref<512xf32, #tpu.memory_space<hbm>>) dst(%dma_wait3A_800 : memref<512xf32, #tpu.memory_space<vmem>>)
    %dma_wait3A_802 = arith.constant 512 : i32
    %dma_wait3A_803 = tpu.memref_slice %arg21[%dma_wait3A_802] : memref<1536xf32, #tpu.memory_space<vmem>> -> memref<512xf32, #tpu.memory_space<vmem>>
    %dma_wait3A_804 = tpu.memref_slice %arg5[%add3A_392] : memref<49152xf32, #tpu.memory_space<hbm>> -> memref<512xf32, #tpu.memory_space<hbm>>
    %dma_wait3A_805 = arith.constant 512 : i32
    %dma_wait3A_806 = tpu.memref_slice %arg21[%dma_wait3A_805] : memref<1536xf32, #tpu.memory_space<vmem>> -> memref<512xf32, #tpu.memory_space<vmem>>
    %dma_wait3A_807 = tpu.memref_slice %arg5[%add3A_392] : memref<49152xf32, #tpu.memory_space<hbm>> -> memref<512xf32, #tpu.memory_space<hbm>>
    tpu.wait_dma2 semaphore(%arg27 : memref<!tpu.dma_semaphore, #tpu.memory_space<semaphore_mem>>) src(%dma_wait3A_807 : memref<512xf32, #tpu.memory_space<hbm>>) dst(%dma_wait3A_806 : memref<512xf32, #tpu.memory_space<vmem>>)
    %dma_wait3A_808 = arith.constant 1024 : i32
    %dma_wait3A_809 = tpu.memref_slice %arg19[%dma_wait3A_808] : memref<1536xf32, #tpu.memory_space<vmem>> -> memref<512xf32, #tpu.memory_space<vmem>>
    %dma_wait3A_810 = tpu.memref_slice %arg3[%add3A_400] : memref<49152xf32, #tpu.memory_space<hbm>> -> memref<512xf32, #tpu.memory_space<hbm>>
    %dma_wait3A_811 = arith.constant 1024 : i32
    %dma_wait3A_812 = tpu.memref_slice %arg19[%dma_wait3A_811] : memref<1536xf32, #tpu.memory_space<vmem>> -> memref<512xf32, #tpu.memory_space<vmem>>
    %dma_wait3A_813 = tpu.memref_slice %arg3[%add3A_400] : memref<49152xf32, #tpu.memory_space<hbm>> -> memref<512xf32, #tpu.memory_space<hbm>>
    tpu.wait_dma2 semaphore(%arg27 : memref<!tpu.dma_semaphore, #tpu.memory_space<semaphore_mem>>) src(%dma_wait3A_813 : memref<512xf32, #tpu.memory_space<hbm>>) dst(%dma_wait3A_812 : memref<512xf32, #tpu.memory_space<vmem>>)
    %dma_wait3A_814 = arith.constant 1024 : i32
    %dma_wait3A_815 = tpu.memref_slice %arg21[%dma_wait3A_814] : memref<1536xf32, #tpu.memory_space<vmem>> -> memref<512xf32, #tpu.memory_space<vmem>>
    %dma_wait3A_816 = tpu.memref_slice %arg5[%add3A_408] : memref<49152xf32, #tpu.memory_space<hbm>> -> memref<512xf32, #tpu.memory_space<hbm>>
    %dma_wait3A_817 = arith.constant 1024 : i32
    %dma_wait3A_818 = tpu.memref_slice %arg21[%dma_wait3A_817] : memref<1536xf32, #tpu.memory_space<vmem>> -> memref<512xf32, #tpu.memory_space<vmem>>
    %dma_wait3A_819 = tpu.memref_slice %arg5[%add3A_408] : memref<49152xf32, #tpu.memory_space<hbm>> -> memref<512xf32, #tpu.memory_space<hbm>>
    tpu.wait_dma2 semaphore(%arg27 : memref<!tpu.dma_semaphore, #tpu.memory_space<semaphore_mem>>) src(%dma_wait3A_819 : memref<512xf32, #tpu.memory_space<hbm>>) dst(%dma_wait3A_818 : memref<512xf32, #tpu.memory_space<vmem>>)
    %dma_wait3A_820 = arith.constant 0 : i32
    %dma_wait3A_821 = tpu.memref_slice %arg20[%dma_wait3A_820] : memref<2048xf32, #tpu.memory_space<vmem>> -> memref<512xf32, #tpu.memory_space<vmem>>
    %dma_wait3A_822 = tpu.memref_slice %arg4[%add3A_416] : memref<65536xf32, #tpu.memory_space<hbm>> -> memref<512xf32, #tpu.memory_space<hbm>>
    %dma_wait3A_823 = arith.constant 0 : i32
    %dma_wait3A_824 = tpu.memref_slice %arg20[%dma_wait3A_823] : memref<2048xf32, #tpu.memory_space<vmem>> -> memref<512xf32, #tpu.memory_space<vmem>>
    %dma_wait3A_825 = tpu.memref_slice %arg4[%add3A_416] : memref<65536xf32, #tpu.memory_space<hbm>> -> memref<512xf32, #tpu.memory_space<hbm>>
    tpu.wait_dma2 semaphore(%arg27 : memref<!tpu.dma_semaphore, #tpu.memory_space<semaphore_mem>>) src(%dma_wait3A_825 : memref<512xf32, #tpu.memory_space<hbm>>) dst(%dma_wait3A_824 : memref<512xf32, #tpu.memory_space<vmem>>)
    %dma_wait3A_826 = arith.constant 512 : i32
    %dma_wait3A_827 = tpu.memref_slice %arg20[%dma_wait3A_826] : memref<2048xf32, #tpu.memory_space<vmem>> -> memref<512xf32, #tpu.memory_space<vmem>>
    %dma_wait3A_828 = tpu.memref_slice %arg4[%add3A_424] : memref<65536xf32, #tpu.memory_space<hbm>> -> memref<512xf32, #tpu.memory_space<hbm>>
    %dma_wait3A_829 = arith.constant 512 : i32
    %dma_wait3A_830 = tpu.memref_slice %arg20[%dma_wait3A_829] : memref<2048xf32, #tpu.memory_space<vmem>> -> memref<512xf32, #tpu.memory_space<vmem>>
    %dma_wait3A_831 = tpu.memref_slice %arg4[%add3A_424] : memref<65536xf32, #tpu.memory_space<hbm>> -> memref<512xf32, #tpu.memory_space<hbm>>
    tpu.wait_dma2 semaphore(%arg27 : memref<!tpu.dma_semaphore, #tpu.memory_space<semaphore_mem>>) src(%dma_wait3A_831 : memref<512xf32, #tpu.memory_space<hbm>>) dst(%dma_wait3A_830 : memref<512xf32, #tpu.memory_space<vmem>>)
    %dma_wait3A_832 = arith.constant 1024 : i32
    %dma_wait3A_833 = tpu.memref_slice %arg20[%dma_wait3A_832] : memref<2048xf32, #tpu.memory_space<vmem>> -> memref<512xf32, #tpu.memory_space<vmem>>
    %dma_wait3A_834 = tpu.memref_slice %arg4[%add3A_432] : memref<65536xf32, #tpu.memory_space<hbm>> -> memref<512xf32, #tpu.memory_space<hbm>>
    %dma_wait3A_835 = arith.constant 1024 : i32
    %dma_wait3A_836 = tpu.memref_slice %arg20[%dma_wait3A_835] : memref<2048xf32, #tpu.memory_space<vmem>> -> memref<512xf32, #tpu.memory_space<vmem>>
    %dma_wait3A_837 = tpu.memref_slice %arg4[%add3A_432] : memref<65536xf32, #tpu.memory_space<hbm>> -> memref<512xf32, #tpu.memory_space<hbm>>
    tpu.wait_dma2 semaphore(%arg27 : memref<!tpu.dma_semaphore, #tpu.memory_space<semaphore_mem>>) src(%dma_wait3A_837 : memref<512xf32, #tpu.memory_space<hbm>>) dst(%dma_wait3A_836 : memref<512xf32, #tpu.memory_space<vmem>>)
    %dma_wait3A_838 = arith.constant 1536 : i32
    %dma_wait3A_839 = tpu.memref_slice %arg20[%dma_wait3A_838] : memref<2048xf32, #tpu.memory_space<vmem>> -> memref<512xf32, #tpu.memory_space<vmem>>
    %dma_wait3A_840 = tpu.memref_slice %arg4[%add3A_440] : memref<65536xf32, #tpu.memory_space<hbm>> -> memref<512xf32, #tpu.memory_space<hbm>>
    %dma_wait3A_841 = arith.constant 1536 : i32
    %dma_wait3A_842 = tpu.memref_slice %arg20[%dma_wait3A_841] : memref<2048xf32, #tpu.memory_space<vmem>> -> memref<512xf32, #tpu.memory_space<vmem>>
    %dma_wait3A_843 = tpu.memref_slice %arg4[%add3A_440] : memref<65536xf32, #tpu.memory_space<hbm>> -> memref<512xf32, #tpu.memory_space<hbm>>
    tpu.wait_dma2 semaphore(%arg27 : memref<!tpu.dma_semaphore, #tpu.memory_space<semaphore_mem>>) src(%dma_wait3A_843 : memref<512xf32, #tpu.memory_space<hbm>>) dst(%dma_wait3A_842 : memref<512xf32, #tpu.memory_space<vmem>>)
    tpu.wait_dma2 semaphore(%arg27 : memref<!tpu.dma_semaphore, #tpu.memory_space<semaphore_mem>>) src(%arg6 : memref<16xf32, #tpu.memory_space<hbm>>) dst(%arg22 : memref<16xf32, #tpu.memory_space<vmem>>)
    %get3A = arith.constant 0 : index
    %get3A_844 = tpu.vector_load %arg22[%get3A] {strides = array<i32>} : memref<16xf32, #tpu.memory_space<vmem>>, vector<16xf32>,
    %broadcast_in_dim3A_845 = arith.constant 0.000000e+00 : f32
    %broadcast_in_dim3A_846 = vector.broadcast %broadcast_in_dim3A_845 : f32 to vector<16xf32>
    %scan3A_847 = arith.constant 0 : i32
    %scan3A_848 = arith.constant 32 : i32
    %scan3A_849 = arith.addi %scan3A_847, %scan3A_848 : i32
    %scan3A_850 = arith.constant 1 : i32
    %scan3A_851:3 = scf.for %scan3A_916 = %scan3A_847 to %scan3A_849 step %scan3A_850 iter_args(%scan3A_917 = %broadcast_in_dim3A_846, %scan3A_918 = %broadcast_in_dim3A_846, %scan3A_919 = %broadcast_in_dim3A_846) -> (vector<16xf32>, vector<16xf32>, vector<16xf32>)  : i32 {
      %mul3A_920 = arith.constant 16 : i32
      %mul3A_921 = arith.muli %scan3A_916, %mul3A_920 : i32
      %add3A_922 = arith.constant 0 : i32
      %add3A_923 = arith.addi %add3A_922, %mul3A_921 : i32
      %get3A_924 = arith.index_cast %add3A_923 : i32 to index
      %get3A_925 = tpu.vector_load %arg15[%get3A_924] {strides = array<i32>} : memref<2048xf32, #tpu.memory_space<vmem>>, vector<16xf32>,
      %mul3A_926 = arith.constant 16 : i32
      %mul3A_927 = arith.muli %scan3A_916, %mul3A_926 : i32
      %add3A_928 = arith.constant 512 : i32
      %add3A_929 = arith.addi %add3A_928, %mul3A_927 : i32
      %get3A_930 = arith.index_cast %add3A_929 : i32 to index
      %get3A_931 = tpu.vector_load %arg15[%get3A_930] {strides = array<i32>} : memref<2048xf32, #tpu.memory_space<vmem>>, vector<16xf32>,
      %mul3A_932 = arith.constant 16 : i32
      %mul3A_933 = arith.muli %scan3A_916, %mul3A_932 : i32
      %add3A_934 = arith.constant 1024 : i32
      %add3A_935 = arith.addi %add3A_934, %mul3A_933 : i32
      %get3A_936 = arith.index_cast %add3A_935 : i32 to index
      %get3A_937 = tpu.vector_load %arg15[%get3A_936] {strides = array<i32>} : memref<2048xf32, #tpu.memory_space<vmem>>, vector<16xf32>,
      %mul3A_938 = arith.constant 16 : i32
      %mul3A_939 = arith.muli %scan3A_916, %mul3A_938 : i32
      %add3A_940 = arith.constant 1536 : i32
      %add3A_941 = arith.addi %add3A_940, %mul3A_939 : i32
      %get3A_942 = arith.index_cast %add3A_941 : i32 to index
      %get3A_943 = tpu.vector_load %arg15[%get3A_942] {strides = array<i32>} : memref<2048xf32, #tpu.memory_space<vmem>>, vector<16xf32>,
      %mul3A_944 = arith.constant 16 : i32
      %mul3A_945 = arith.muli %scan3A_916, %mul3A_944 : i32
      %add3A_946 = arith.constant 0 : i32
      %add3A_947 = arith.addi %add3A_946, %mul3A_945 : i32
      %get3A_948 = arith.index_cast %add3A_947 : i32 to index
      %get3A_949 = tpu.vector_load %arg16[%get3A_948] {strides = array<i32>} : memref<2048xf32, #tpu.memory_space<vmem>>, vector<16xf32>,
      %mul3A_950 = arith.constant 16 : i32
      %mul3A_951 = arith.muli %scan3A_916, %mul3A_950 : i32
      %add3A_952 = arith.constant 512 : i32
      %add3A_953 = arith.addi %add3A_952, %mul3A_951 : i32
      %get3A_954 = arith.index_cast %add3A_953 : i32 to index
      %get3A_955 = tpu.vector_load %arg16[%get3A_954] {strides = array<i32>} : memref<2048xf32, #tpu.memory_space<vmem>>, vector<16xf32>,
      %mul3A_956 = arith.constant 16 : i32
      %mul3A_957 = arith.muli %scan3A_916, %mul3A_956 : i32
      %add3A_958 = arith.constant 1024 : i32
      %add3A_959 = arith.addi %add3A_958, %mul3A_957 : i32
      %get3A_960 = arith.index_cast %add3A_959 : i32 to index
      %get3A_961 = tpu.vector_load %arg16[%get3A_960] {strides = array<i32>} : memref<2048xf32, #tpu.memory_space<vmem>>, vector<16xf32>,
      %mul3A_962 = arith.constant 16 : i32
      %mul3A_963 = arith.muli %scan3A_916, %mul3A_962 : i32
      %add3A_964 = arith.constant 1536 : i32
      %add3A_965 = arith.addi %add3A_964, %mul3A_963 : i32
      %get3A_966 = arith.index_cast %add3A_965 : i32 to index
      %get3A_967 = tpu.vector_load %arg16[%get3A_966] {strides = array<i32>} : memref<2048xf32, #tpu.memory_space<vmem>>, vector<16xf32>,
      %mul3A_968 = arith.constant 16 : i32
      %mul3A_969 = arith.muli %scan3A_916, %mul3A_968 : i32
      %add3A_970 = arith.constant 0 : i32
      %add3A_971 = arith.addi %add3A_970, %mul3A_969 : i32
      %get3A_972 = arith.index_cast %add3A_971 : i32 to index
      %get3A_973 = tpu.vector_load %arg17[%get3A_972] {strides = array<i32>} : memref<1536xf32, #tpu.memory_space<vmem>>, vector<16xf32>,
      %mul3A_974 = arith.constant 16 : i32
      %mul3A_975 = arith.muli %scan3A_916, %mul3A_974 : i32
      %add3A_976 = arith.constant 512 : i32
      %add3A_977 = arith.addi %add3A_976, %mul3A_975 : i32
      %get3A_978 = arith.index_cast %add3A_977 : i32 to index
      %get3A_979 = tpu.vector_load %arg17[%get3A_978] {strides = array<i32>} : memref<1536xf32, #tpu.memory_space<vmem>>, vector<16xf32>,
      %mul3A_980 = arith.constant 16 : i32
      %mul3A_981 = arith.muli %scan3A_916, %mul3A_980 : i32
      %add3A_982 = arith.constant 1024 : i32
      %add3A_983 = arith.addi %add3A_982, %mul3A_981 : i32
      %get3A_984 = arith.index_cast %add3A_983 : i32 to index
      %get3A_985 = tpu.vector_load %arg17[%get3A_984] {strides = array<i32>} : memref<1536xf32, #tpu.memory_space<vmem>>, vector<16xf32>,
      %mul3A_986 = arith.constant 16 : i32
      %mul3A_987 = arith.muli %scan3A_916, %mul3A_986 : i32
      %add3A_988 = arith.constant 0 : i32
      %add3A_989 = arith.addi %add3A_988, %mul3A_987 : i32
      %get3A_990 = arith.index_cast %add3A_989 : i32 to index
      %get3A_991 = tpu.vector_load %arg18[%get3A_990] {strides = array<i32>} : memref<1536xf32, #tpu.memory_space<vmem>>, vector<16xf32>,
      %mul3A_992 = arith.constant 16 : i32
      %mul3A_993 = arith.muli %scan3A_916, %mul3A_992 : i32
      %add3A_994 = arith.constant 512 : i32
      %add3A_995 = arith.addi %add3A_994, %mul3A_993 : i32
      %get3A_996 = arith.index_cast %add3A_995 : i32 to index
      %get3A_997 = tpu.vector_load %arg18[%get3A_996] {strides = array<i32>} : memref<1536xf32, #tpu.memory_space<vmem>>, vector<16xf32>,
      %mul3A_998 = arith.constant 16 : i32
      %mul3A_999 = arith.muli %scan3A_916, %mul3A_998 : i32
      %add3A_1000 = arith.constant 1024 : i32
      %add3A_1001 = arith.addi %add3A_1000, %mul3A_999 : i32
      %get3A_1002 = arith.index_cast %add3A_1001 : i32 to index
      %get3A_1003 = tpu.vector_load %arg18[%get3A_1002] {strides = array<i32>} : memref<1536xf32, #tpu.memory_space<vmem>>, vector<16xf32>,
      %mul3A_1004 = arith.constant 16 : i32
      %mul3A_1005 = arith.muli %scan3A_916, %mul3A_1004 : i32
      %add3A_1006 = arith.constant 0 : i32
      %add3A_1007 = arith.addi %add3A_1006, %mul3A_1005 : i32
      %get3A_1008 = arith.index_cast %add3A_1007 : i32 to index
      %get3A_1009 = tpu.vector_load %arg19[%get3A_1008] {strides = array<i32>} : memref<1536xf32, #tpu.memory_space<vmem>>, vector<16xf32>,
      %mul3A_1010 = arith.constant 16 : i32
      %mul3A_1011 = arith.muli %scan3A_916, %mul3A_1010 : i32
      %add3A_1012 = arith.constant 512 : i32
      %add3A_1013 = arith.addi %add3A_1012, %mul3A_1011 : i32
      %get3A_1014 = arith.index_cast %add3A_1013 : i32 to index
      %get3A_1015 = tpu.vector_load %arg19[%get3A_1014] {strides = array<i32>} : memref<1536xf32, #tpu.memory_space<vmem>>, vector<16xf32>,
      %mul3A_1016 = arith.constant 16 : i32
      %mul3A_1017 = arith.muli %scan3A_916, %mul3A_1016 : i32
      %add3A_1018 = arith.constant 1024 : i32
      %add3A_1019 = arith.addi %add3A_1018, %mul3A_1017 : i32
      %get3A_1020 = arith.index_cast %add3A_1019 : i32 to index
      %get3A_1021 = tpu.vector_load %arg19[%get3A_1020] {strides = array<i32>} : memref<1536xf32, #tpu.memory_space<vmem>>, vector<16xf32>,
      %mul3A_1022 = arith.constant 16 : i32
      %mul3A_1023 = arith.muli %scan3A_916, %mul3A_1022 : i32
      %add3A_1024 = arith.constant 0 : i32
      %add3A_1025 = arith.addi %add3A_1024, %mul3A_1023 : i32
      %get3A_1026 = arith.index_cast %add3A_1025 : i32 to index
      %get3A_1027 = tpu.vector_load %arg20[%get3A_1026] {strides = array<i32>} : memref<2048xf32, #tpu.memory_space<vmem>>, vector<16xf32>,
      %mul3A_1028 = arith.constant 16 : i32
      %mul3A_1029 = arith.muli %scan3A_916, %mul3A_1028 : i32
      %add3A_1030 = arith.constant 512 : i32
      %add3A_1031 = arith.addi %add3A_1030, %mul3A_1029 : i32
      %get3A_1032 = arith.index_cast %add3A_1031 : i32 to index
      %get3A_1033 = tpu.vector_load %arg20[%get3A_1032] {strides = array<i32>} : memref<2048xf32, #tpu.memory_space<vmem>>, vector<16xf32>,
      %mul3A_1034 = arith.constant 16 : i32
      %mul3A_1035 = arith.muli %scan3A_916, %mul3A_1034 : i32
      %add3A_1036 = arith.constant 1024 : i32
      %add3A_1037 = arith.addi %add3A_1036, %mul3A_1035 : i32
      %get3A_1038 = arith.index_cast %add3A_1037 : i32 to index
      %get3A_1039 = tpu.vector_load %arg20[%get3A_1038] {strides = array<i32>} : memref<2048xf32, #tpu.memory_space<vmem>>, vector<16xf32>,
      %mul3A_1040 = arith.constant 16 : i32
      %mul3A_1041 = arith.muli %scan3A_916, %mul3A_1040 : i32
      %add3A_1042 = arith.constant 1536 : i32
      %add3A_1043 = arith.addi %add3A_1042, %mul3A_1041 : i32
      %get3A_1044 = arith.index_cast %add3A_1043 : i32 to index
      %get3A_1045 = tpu.vector_load %arg20[%get3A_1044] {strides = array<i32>} : memref<2048xf32, #tpu.memory_space<vmem>>, vector<16xf32>,
      %mul3A_1046 = arith.constant 16 : i32
      %mul3A_1047 = arith.muli %scan3A_916, %mul3A_1046 : i32
      %add3A_1048 = arith.constant 0 : i32
      %add3A_1049 = arith.addi %add3A_1048, %mul3A_1047 : i32
      %get3A_1050 = arith.index_cast %add3A_1049 : i32 to index
      %get3A_1051 = tpu.vector_load %arg21[%get3A_1050] {strides = array<i32>} : memref<1536xf32, #tpu.memory_space<vmem>>, vector<16xf32>,
      %mul3A_1052 = arith.constant 16 : i32
      %mul3A_1053 = arith.muli %scan3A_916, %mul3A_1052 : i32
      %add3A_1054 = arith.constant 512 : i32
      %add3A_1055 = arith.addi %add3A_1054, %mul3A_1053 : i32
      %get3A_1056 = arith.index_cast %add3A_1055 : i32 to index
      %get3A_1057 = tpu.vector_load %arg21[%get3A_1056] {strides = array<i32>} : memref<1536xf32, #tpu.memory_space<vmem>>, vector<16xf32>,
      %mul3A_1058 = arith.constant 16 : i32
      %mul3A_1059 = arith.muli %scan3A_916, %mul3A_1058 : i32
      %add3A_1060 = arith.constant 1024 : i32
      %add3A_1061 = arith.addi %add3A_1060, %mul3A_1059 : i32
      %get3A_1062 = arith.index_cast %add3A_1061 : i32 to index
      %get3A_1063 = tpu.vector_load %arg21[%get3A_1062] {strides = array<i32>} : memref<1536xf32, #tpu.memory_space<vmem>>, vector<16xf32>,
      %mul3A_1064 = arith.mulf %get3A_925, %get3A_925 : vector<16xf32>
      %mul3A_1065 = arith.mulf %get3A_931, %get3A_931 : vector<16xf32>
      %add3A_1066 = arith.addf %mul3A_1064, %mul3A_1065 : vector<16xf32>
      %mul3A_1067 = arith.mulf %get3A_937, %get3A_937 : vector<16xf32>
      %add3A_1068 = arith.addf %add3A_1066, %mul3A_1067 : vector<16xf32>
      %mul3A_1069 = arith.mulf %get3A_943, %get3A_943 : vector<16xf32>
      %add3A_1070 = arith.addf %add3A_1068, %mul3A_1069 : vector<16xf32>
      %bitcast3A = vector.bitcast %add3A_1070 : vector<16xf32> to vector<16xi32>
      %shift_right_arithmetic3A = arith.constant 1 : i32
      %shift_right_arithmetic3A_1071 = vector.broadcast %shift_right_arithmetic3A : i32 to vector<16xi32>
      %shift_right_arithmetic3A_1072 = arith.shrsi %bitcast3A, %shift_right_arithmetic3A_1071 : vector<16xi32>
      %sub3A_1073 = arith.constant 1597463007 : i32
      %sub3A_1074 = vector.broadcast %sub3A_1073 : i32 to vector<16xi32>
      %sub3A_1075 = arith.subi %sub3A_1074, %shift_right_arithmetic3A_1072 : vector<16xi32>
      %bitcast3A_1076 = vector.bitcast %sub3A_1075 : vector<16xi32> to vector<16xf32>
      %mul3A_1077 = arith.constant 5.000000e-01 : f32
      %mul3A_1078 = vector.broadcast %mul3A_1077 : f32 to vector<16xf32>
      %mul3A_1079 = arith.mulf %mul3A_1078, %add3A_1070 : vector<16xf32>
      %mul3A_1080 = arith.mulf %mul3A_1079, %bitcast3A_1076 : vector<16xf32>
      %mul3A_1081 = arith.mulf %mul3A_1080, %bitcast3A_1076 : vector<16xf32>
      %sub3A_1082 = arith.constant 1.500000e+00 : f32
      %sub3A_1083 = vector.broadcast %sub3A_1082 : f32 to vector<16xf32>
      %sub3A_1084 = arith.subf %sub3A_1083, %mul3A_1081 : vector<16xf32>
      %mul3A_1085 = arith.mulf %bitcast3A_1076, %sub3A_1084 : vector<16xf32>
      %mul3A_1086 = arith.constant 5.000000e-01 : f32
      %mul3A_1087 = vector.broadcast %mul3A_1086 : f32 to vector<16xf32>
      %mul3A_1088 = arith.mulf %mul3A_1087, %add3A_1070 : vector<16xf32>
      %mul3A_1089 = arith.mulf %mul3A_1088, %mul3A_1085 : vector<16xf32>
      %mul3A_1090 = arith.mulf %mul3A_1089, %mul3A_1085 : vector<16xf32>
      %sub3A_1091 = arith.constant 1.500000e+00 : f32
      %sub3A_1092 = vector.broadcast %sub3A_1091 : f32 to vector<16xf32>
      %sub3A_1093 = arith.subf %sub3A_1092, %mul3A_1090 : vector<16xf32>
      %mul3A_1094 = arith.mulf %mul3A_1085, %sub3A_1093 : vector<16xf32>
      %mul3A_1095 = arith.constant 5.000000e-01 : f32
      %mul3A_1096 = vector.broadcast %mul3A_1095 : f32 to vector<16xf32>
      %mul3A_1097 = arith.mulf %mul3A_1096, %add3A_1070 : vector<16xf32>
      %mul3A_1098 = arith.mulf %mul3A_1097, %mul3A_1094 : vector<16xf32>
      %mul3A_1099 = arith.mulf %mul3A_1098, %mul3A_1094 : vector<16xf32>
      %sub3A_1100 = arith.constant 1.500000e+00 : f32
      %sub3A_1101 = vector.broadcast %sub3A_1100 : f32 to vector<16xf32>
      %sub3A_1102 = arith.subf %sub3A_1101, %mul3A_1099 : vector<16xf32>
      %mul3A_1103 = arith.mulf %mul3A_1094, %sub3A_1102 : vector<16xf32>
      %mul3A_1104 = arith.mulf %get3A_925, %mul3A_1103 : vector<16xf32>
      %mul3A_1105 = arith.mulf %get3A_931, %mul3A_1103 : vector<16xf32>
      %mul3A_1106 = arith.mulf %get3A_937, %mul3A_1103 : vector<16xf32>
      %mul3A_1107 = arith.mulf %get3A_943, %mul3A_1103 : vector<16xf32>
      %mul3A_1108 = arith.mulf %get3A_949, %get3A_949 : vector<16xf32>
      %mul3A_1109 = arith.mulf %get3A_955, %get3A_955 : vector<16xf32>
      %add3A_1110 = arith.addf %mul3A_1108, %mul3A_1109 : vector<16xf32>
      %mul3A_1111 = arith.mulf %get3A_961, %get3A_961 : vector<16xf32>
      %add3A_1112 = arith.addf %add3A_1110, %mul3A_1111 : vector<16xf32>
      %mul3A_1113 = arith.mulf %get3A_967, %get3A_967 : vector<16xf32>
      %add3A_1114 = arith.addf %add3A_1112, %mul3A_1113 : vector<16xf32>
      %bitcast3A_1115 = vector.bitcast %add3A_1114 : vector<16xf32> to vector<16xi32>
      %shift_right_arithmetic3A_1116 = arith.constant 1 : i32
      %shift_right_arithmetic3A_1117 = vector.broadcast %shift_right_arithmetic3A_1116 : i32 to vector<16xi32>
      %shift_right_arithmetic3A_1118 = arith.shrsi %bitcast3A_1115, %shift_right_arithmetic3A_1117 : vector<16xi32>
      %sub3A_1119 = arith.constant 1597463007 : i32
      %sub3A_1120 = vector.broadcast %sub3A_1119 : i32 to vector<16xi32>
      %sub3A_1121 = arith.subi %sub3A_1120, %shift_right_arithmetic3A_1118 : vector<16xi32>
      %bitcast3A_1122 = vector.bitcast %sub3A_1121 : vector<16xi32> to vector<16xf32>
      %mul3A_1123 = arith.constant 5.000000e-01 : f32
      %mul3A_1124 = vector.broadcast %mul3A_1123 : f32 to vector<16xf32>
      %mul3A_1125 = arith.mulf %mul3A_1124, %add3A_1114 : vector<16xf32>
      %mul3A_1126 = arith.mulf %mul3A_1125, %bitcast3A_1122 : vector<16xf32>
      %mul3A_1127 = arith.mulf %mul3A_1126, %bitcast3A_1122 : vector<16xf32>
      %sub3A_1128 = arith.constant 1.500000e+00 : f32
      %sub3A_1129 = vector.broadcast %sub3A_1128 : f32 to vector<16xf32>
      %sub3A_1130 = arith.subf %sub3A_1129, %mul3A_1127 : vector<16xf32>
      %mul3A_1131 = arith.mulf %bitcast3A_1122, %sub3A_1130 : vector<16xf32>
      %mul3A_1132 = arith.constant 5.000000e-01 : f32
      %mul3A_1133 = vector.broadcast %mul3A_1132 : f32 to vector<16xf32>
      %mul3A_1134 = arith.mulf %mul3A_1133, %add3A_1114 : vector<16xf32>
      %mul3A_1135 = arith.mulf %mul3A_1134, %mul3A_1131 : vector<16xf32>
      %mul3A_1136 = arith.mulf %mul3A_1135, %mul3A_1131 : vector<16xf32>
      %sub3A_1137 = arith.constant 1.500000e+00 : f32
      %sub3A_1138 = vector.broadcast %sub3A_1137 : f32 to vector<16xf32>
      %sub3A_1139 = arith.subf %sub3A_1138, %mul3A_1136 : vector<16xf32>
      %mul3A_1140 = arith.mulf %mul3A_1131, %sub3A_1139 : vector<16xf32>
      %mul3A_1141 = arith.constant 5.000000e-01 : f32
      %mul3A_1142 = vector.broadcast %mul3A_1141 : f32 to vector<16xf32>
      %mul3A_1143 = arith.mulf %mul3A_1142, %add3A_1114 : vector<16xf32>
      %mul3A_1144 = arith.mulf %mul3A_1143, %mul3A_1140 : vector<16xf32>
      %mul3A_1145 = arith.mulf %mul3A_1144, %mul3A_1140 : vector<16xf32>
      %sub3A_1146 = arith.constant 1.500000e+00 : f32
      %sub3A_1147 = vector.broadcast %sub3A_1146 : f32 to vector<16xf32>
      %sub3A_1148 = arith.subf %sub3A_1147, %mul3A_1145 : vector<16xf32>
      %mul3A_1149 = arith.mulf %mul3A_1140, %sub3A_1148 : vector<16xf32>
      %mul3A_1150 = arith.mulf %get3A_949, %mul3A_1149 : vector<16xf32>
      %mul3A_1151 = arith.mulf %get3A_955, %mul3A_1149 : vector<16xf32>
      %mul3A_1152 = arith.mulf %get3A_961, %mul3A_1149 : vector<16xf32>
      %mul3A_1153 = arith.mulf %get3A_967, %mul3A_1149 : vector<16xf32>
      %mul3A_1154 = arith.mulf %get3A_1051, %get3A_1051 : vector<16xf32>
      %mul3A_1155 = arith.mulf %get3A_1057, %get3A_1057 : vector<16xf32>
      %add3A_1156 = arith.addf %mul3A_1154, %mul3A_1155 : vector<16xf32>
      %mul3A_1157 = arith.mulf %get3A_1063, %get3A_1063 : vector<16xf32>
      %add3A_1158 = arith.addf %add3A_1156, %mul3A_1157 : vector<16xf32>
      %bitcast3A_1159 = vector.bitcast %add3A_1158 : vector<16xf32> to vector<16xi32>
      %shift_right_arithmetic3A_1160 = arith.constant 1 : i32
      %shift_right_arithmetic3A_1161 = vector.broadcast %shift_right_arithmetic3A_1160 : i32 to vector<16xi32>
      %shift_right_arithmetic3A_1162 = arith.shrsi %bitcast3A_1159, %shift_right_arithmetic3A_1161 : vector<16xi32>
      %sub3A_1163 = arith.constant 1597463007 : i32
      %sub3A_1164 = vector.broadcast %sub3A_1163 : i32 to vector<16xi32>
      %sub3A_1165 = arith.subi %sub3A_1164, %shift_right_arithmetic3A_1162 : vector<16xi32>
      %bitcast3A_1166 = vector.bitcast %sub3A_1165 : vector<16xi32> to vector<16xf32>
      %mul3A_1167 = arith.constant 5.000000e-01 : f32
      %mul3A_1168 = vector.broadcast %mul3A_1167 : f32 to vector<16xf32>
      %mul3A_1169 = arith.mulf %mul3A_1168, %add3A_1158 : vector<16xf32>
      %mul3A_1170 = arith.mulf %mul3A_1169, %bitcast3A_1166 : vector<16xf32>
      %mul3A_1171 = arith.mulf %mul3A_1170, %bitcast3A_1166 : vector<16xf32>
      %sub3A_1172 = arith.constant 1.500000e+00 : f32
      %sub3A_1173 = vector.broadcast %sub3A_1172 : f32 to vector<16xf32>
      %sub3A_1174 = arith.subf %sub3A_1173, %mul3A_1171 : vector<16xf32>
      %mul3A_1175 = arith.mulf %bitcast3A_1166, %sub3A_1174 : vector<16xf32>
      %mul3A_1176 = arith.constant 5.000000e-01 : f32
      %mul3A_1177 = vector.broadcast %mul3A_1176 : f32 to vector<16xf32>
      %mul3A_1178 = arith.mulf %mul3A_1177, %add3A_1158 : vector<16xf32>
      %mul3A_1179 = arith.mulf %mul3A_1178, %mul3A_1175 : vector<16xf32>
      %mul3A_1180 = arith.mulf %mul3A_1179, %mul3A_1175 : vector<16xf32>
      %sub3A_1181 = arith.constant 1.500000e+00 : f32
      %sub3A_1182 = vector.broadcast %sub3A_1181 : f32 to vector<16xf32>
      %sub3A_1183 = arith.subf %sub3A_1182, %mul3A_1180 : vector<16xf32>
      %mul3A_1184 = arith.mulf %mul3A_1175, %sub3A_1183 : vector<16xf32>
      %mul3A_1185 = arith.constant 5.000000e-01 : f32
      %mul3A_1186 = vector.broadcast %mul3A_1185 : f32 to vector<16xf32>
      %mul3A_1187 = arith.mulf %mul3A_1186, %add3A_1158 : vector<16xf32>
      %mul3A_1188 = arith.mulf %mul3A_1187, %mul3A_1184 : vector<16xf32>
      %mul3A_1189 = arith.mulf %mul3A_1188, %mul3A_1184 : vector<16xf32>
      %sub3A_1190 = arith.constant 1.500000e+00 : f32
      %sub3A_1191 = vector.broadcast %sub3A_1190 : f32 to vector<16xf32>
      %sub3A_1192 = arith.subf %sub3A_1191, %mul3A_1189 : vector<16xf32>
      %mul3A_1193 = arith.mulf %mul3A_1184, %sub3A_1192 : vector<16xf32>
      %mul3A_1194 = arith.mulf %get3A_1051, %mul3A_1193 : vector<16xf32>
      %mul3A_1195 = arith.mulf %get3A_1057, %mul3A_1193 : vector<16xf32>
      %mul3A_1196 = arith.mulf %get3A_1063, %mul3A_1193 : vector<16xf32>
      %add3A_1197 = arith.addf %mul3A_1104, %mul3A_1104 : vector<16xf32>
      %add3A_1198 = arith.addf %mul3A_1105, %mul3A_1105 : vector<16xf32>
      %add3A_1199 = arith.addf %mul3A_1106, %mul3A_1106 : vector<16xf32>
      %mul3A_1200 = arith.mulf %mul3A_1107, %add3A_1197 : vector<16xf32>
      %mul3A_1201 = arith.mulf %mul3A_1107, %add3A_1198 : vector<16xf32>
      %mul3A_1202 = arith.mulf %mul3A_1107, %add3A_1199 : vector<16xf32>
      %mul3A_1203 = arith.mulf %mul3A_1104, %add3A_1197 : vector<16xf32>
      %mul3A_1204 = arith.mulf %mul3A_1104, %add3A_1198 : vector<16xf32>
      %mul3A_1205 = arith.mulf %mul3A_1104, %add3A_1199 : vector<16xf32>
      %mul3A_1206 = arith.mulf %mul3A_1105, %add3A_1198 : vector<16xf32>
      %mul3A_1207 = arith.mulf %mul3A_1105, %add3A_1199 : vector<16xf32>
      %mul3A_1208 = arith.mulf %mul3A_1106, %add3A_1199 : vector<16xf32>
      %sub3A_1209 = arith.constant 1.000000e+00 : f32
      %sub3A_1210 = vector.broadcast %sub3A_1209 : f32 to vector<16xf32>
      %sub3A_1211 = arith.subf %sub3A_1210, %mul3A_1206 : vector<16xf32>
      %sub3A_1212 = arith.subf %sub3A_1211, %mul3A_1208 : vector<16xf32>
      %mul3A_1213 = arith.mulf %mul3A_1194, %sub3A_1212 : vector<16xf32>
      %sub3A_1214 = arith.subf %mul3A_1204, %mul3A_1202 : vector<16xf32>
      %mul3A_1215 = arith.mulf %mul3A_1195, %sub3A_1214 : vector<16xf32>
      %add3A_1216 = arith.addf %mul3A_1213, %mul3A_1215 : vector<16xf32>
      %add3A_1217 = arith.addf %mul3A_1205, %mul3A_1201 : vector<16xf32>
      %mul3A_1218 = arith.mulf %mul3A_1196, %add3A_1217 : vector<16xf32>
      %add3A_1219 = arith.addf %add3A_1216, %mul3A_1218 : vector<16xf32>
      %add3A_1220 = arith.addf %mul3A_1204, %mul3A_1202 : vector<16xf32>
      %mul3A_1221 = arith.mulf %mul3A_1194, %add3A_1220 : vector<16xf32>
      %sub3A_1222 = arith.constant 1.000000e+00 : f32
      %sub3A_1223 = vector.broadcast %sub3A_1222 : f32 to vector<16xf32>
      %sub3A_1224 = arith.subf %sub3A_1223, %mul3A_1203 : vector<16xf32>
      %sub3A_1225 = arith.subf %sub3A_1224, %mul3A_1208 : vector<16xf32>
      %mul3A_1226 = arith.mulf %mul3A_1195, %sub3A_1225 : vector<16xf32>
      %add3A_1227 = arith.addf %mul3A_1221, %mul3A_1226 : vector<16xf32>
      %sub3A_1228 = arith.subf %mul3A_1207, %mul3A_1200 : vector<16xf32>
      %mul3A_1229 = arith.mulf %mul3A_1196, %sub3A_1228 : vector<16xf32>
      %add3A_1230 = arith.addf %add3A_1227, %mul3A_1229 : vector<16xf32>
      %sub3A_1231 = arith.subf %mul3A_1205, %mul3A_1201 : vector<16xf32>
      %mul3A_1232 = arith.mulf %mul3A_1194, %sub3A_1231 : vector<16xf32>
      %add3A_1233 = arith.addf %mul3A_1207, %mul3A_1200 : vector<16xf32>
      %mul3A_1234 = arith.mulf %mul3A_1195, %add3A_1233 : vector<16xf32>
      %add3A_1235 = arith.addf %mul3A_1232, %mul3A_1234 : vector<16xf32>
      %sub3A_1236 = arith.constant 1.000000e+00 : f32
      %sub3A_1237 = vector.broadcast %sub3A_1236 : f32 to vector<16xf32>
      %sub3A_1238 = arith.subf %sub3A_1237, %mul3A_1203 : vector<16xf32>
      %sub3A_1239 = arith.subf %sub3A_1238, %mul3A_1206 : vector<16xf32>
      %mul3A_1240 = arith.mulf %mul3A_1196, %sub3A_1239 : vector<16xf32>
      %add3A_1241 = arith.addf %add3A_1235, %mul3A_1240 : vector<16xf32>
      %sub3A_1242 = arith.constant 1.000000e+00 : f32
      %sub3A_1243 = vector.broadcast %sub3A_1242 : f32 to vector<16xf32>
      %sub3A_1244 = arith.subf %add3A_1219, %sub3A_1243 : vector<16xf32>
      %mul3A_1245 = arith.mulf %sub3A_1244, %sub3A_1244 : vector<16xf32>
      %add3A_1246 = arith.addf %scan3A_917, %mul3A_1245 : vector<16xf32>
      %mul3A_1247 = arith.mulf %add3A_1230, %add3A_1230 : vector<16xf32>
      %add3A_1248 = arith.addf %add3A_1246, %mul3A_1247 : vector<16xf32>
      %mul3A_1249 = arith.mulf %add3A_1241, %add3A_1241 : vector<16xf32>
      %add3A_1250 = arith.addf %add3A_1248, %mul3A_1249 : vector<16xf32>
      %mul3A_1251 = arith.mulf %mul3A_1153, %get3A_1027 : vector<16xf32>
      %mul3A_1252 = arith.mulf %mul3A_1150, %get3A_1045 : vector<16xf32>
      %add3A_1253 = arith.addf %mul3A_1251, %mul3A_1252 : vector<16xf32>
      %mul3A_1254 = arith.mulf %mul3A_1151, %get3A_1039 : vector<16xf32>
      %add3A_1255 = arith.addf %add3A_1253, %mul3A_1254 : vector<16xf32>
      %mul3A_1256 = arith.mulf %mul3A_1152, %get3A_1033 : vector<16xf32>
      %sub3A_1257 = arith.subf %add3A_1255, %mul3A_1256 : vector<16xf32>
      %mul3A_1258 = arith.mulf %mul3A_1153, %get3A_1033 : vector<16xf32>
      %mul3A_1259 = arith.mulf %mul3A_1150, %get3A_1039 : vector<16xf32>
      %sub3A_1260 = arith.subf %mul3A_1258, %mul3A_1259 : vector<16xf32>
      %mul3A_1261 = arith.mulf %mul3A_1151, %get3A_1045 : vector<16xf32>
      %add3A_1262 = arith.addf %sub3A_1260, %mul3A_1261 : vector<16xf32>
      %mul3A_1263 = arith.mulf %mul3A_1152, %get3A_1027 : vector<16xf32>
      %add3A_1264 = arith.addf %add3A_1262, %mul3A_1263 : vector<16xf32>
      %mul3A_1265 = arith.mulf %mul3A_1153, %get3A_1039 : vector<16xf32>
      %mul3A_1266 = arith.mulf %mul3A_1150, %get3A_1033 : vector<16xf32>
      %add3A_1267 = arith.addf %mul3A_1265, %mul3A_1266 : vector<16xf32>
      %mul3A_1268 = arith.mulf %mul3A_1151, %get3A_1027 : vector<16xf32>
      %sub3A_1269 = arith.subf %add3A_1267, %mul3A_1268 : vector<16xf32>
      %mul3A_1270 = arith.mulf %mul3A_1152, %get3A_1045 : vector<16xf32>
      %add3A_1271 = arith.addf %sub3A_1269, %mul3A_1270 : vector<16xf32>
      %mul3A_1272 = arith.mulf %mul3A_1153, %get3A_1045 : vector<16xf32>
      %mul3A_1273 = arith.mulf %mul3A_1150, %get3A_1027 : vector<16xf32>
      %sub3A_1274 = arith.subf %mul3A_1272, %mul3A_1273 : vector<16xf32>
      %mul3A_1275 = arith.mulf %mul3A_1151, %get3A_1033 : vector<16xf32>
      %sub3A_1276 = arith.subf %sub3A_1274, %mul3A_1275 : vector<16xf32>
      %mul3A_1277 = arith.mulf %mul3A_1152, %get3A_1039 : vector<16xf32>
      %sub3A_1278 = arith.subf %sub3A_1276, %mul3A_1277 : vector<16xf32>
      %sub3A_1279 = arith.subf %sub3A_1257, %mul3A_1104 : vector<16xf32>
      %mul3A_1280 = arith.mulf %sub3A_1279, %sub3A_1279 : vector<16xf32>
      %add3A_1281 = arith.addf %scan3A_918, %mul3A_1280 : vector<16xf32>
      %sub3A_1282 = arith.subf %add3A_1264, %mul3A_1105 : vector<16xf32>
      %mul3A_1283 = arith.mulf %sub3A_1282, %sub3A_1282 : vector<16xf32>
      %add3A_1284 = arith.addf %add3A_1281, %mul3A_1283 : vector<16xf32>
      %sub3A_1285 = arith.subf %add3A_1271, %mul3A_1106 : vector<16xf32>
      %mul3A_1286 = arith.mulf %sub3A_1285, %sub3A_1285 : vector<16xf32>
      %add3A_1287 = arith.addf %add3A_1284, %mul3A_1286 : vector<16xf32>
      %sub3A_1288 = arith.subf %sub3A_1278, %mul3A_1107 : vector<16xf32>
      %mul3A_1289 = arith.mulf %sub3A_1288, %sub3A_1288 : vector<16xf32>
      %add3A_1290 = arith.addf %add3A_1287, %mul3A_1289 : vector<16xf32>
      %add3A_1291 = arith.addf %mul3A_1104, %mul3A_1104 : vector<16xf32>
      %add3A_1292 = arith.addf %mul3A_1105, %mul3A_1105 : vector<16xf32>
      %add3A_1293 = arith.addf %mul3A_1106, %mul3A_1106 : vector<16xf32>
      %mul3A_1294 = arith.mulf %mul3A_1107, %add3A_1291 : vector<16xf32>
      %mul3A_1295 = arith.mulf %mul3A_1107, %add3A_1292 : vector<16xf32>
      %mul3A_1296 = arith.mulf %mul3A_1107, %add3A_1293 : vector<16xf32>
      %mul3A_1297 = arith.mulf %mul3A_1104, %add3A_1291 : vector<16xf32>
      %mul3A_1298 = arith.mulf %mul3A_1104, %add3A_1292 : vector<16xf32>
      %mul3A_1299 = arith.mulf %mul3A_1104, %add3A_1293 : vector<16xf32>
      %mul3A_1300 = arith.mulf %mul3A_1105, %add3A_1292 : vector<16xf32>
      %mul3A_1301 = arith.mulf %mul3A_1105, %add3A_1293 : vector<16xf32>
      %mul3A_1302 = arith.mulf %mul3A_1106, %add3A_1293 : vector<16xf32>
      %sub3A_1303 = arith.constant 1.000000e+00 : f32
      %sub3A_1304 = vector.broadcast %sub3A_1303 : f32 to vector<16xf32>
      %sub3A_1305 = arith.subf %sub3A_1304, %mul3A_1300 : vector<16xf32>
      %sub3A_1306 = arith.subf %sub3A_1305, %mul3A_1302 : vector<16xf32>
      %mul3A_1307 = arith.mulf %get3A_1009, %sub3A_1306 : vector<16xf32>
      %sub3A_1308 = arith.subf %mul3A_1298, %mul3A_1296 : vector<16xf32>
      %mul3A_1309 = arith.mulf %get3A_1015, %sub3A_1308 : vector<16xf32>
      %add3A_1310 = arith.addf %mul3A_1307, %mul3A_1309 : vector<16xf32>
      %add3A_1311 = arith.addf %mul3A_1299, %mul3A_1295 : vector<16xf32>
      %mul3A_1312 = arith.mulf %get3A_1021, %add3A_1311 : vector<16xf32>
      %add3A_1313 = arith.addf %add3A_1310, %mul3A_1312 : vector<16xf32>
      %add3A_1314 = arith.addf %mul3A_1298, %mul3A_1296 : vector<16xf32>
      %mul3A_1315 = arith.mulf %get3A_1009, %add3A_1314 : vector<16xf32>
      %sub3A_1316 = arith.constant 1.000000e+00 : f32
      %sub3A_1317 = vector.broadcast %sub3A_1316 : f32 to vector<16xf32>
      %sub3A_1318 = arith.subf %sub3A_1317, %mul3A_1297 : vector<16xf32>
      %sub3A_1319 = arith.subf %sub3A_1318, %mul3A_1302 : vector<16xf32>
      %mul3A_1320 = arith.mulf %get3A_1015, %sub3A_1319 : vector<16xf32>
      %add3A_1321 = arith.addf %mul3A_1315, %mul3A_1320 : vector<16xf32>
      %sub3A_1322 = arith.subf %mul3A_1301, %mul3A_1294 : vector<16xf32>
      %mul3A_1323 = arith.mulf %get3A_1021, %sub3A_1322 : vector<16xf32>
      %add3A_1324 = arith.addf %add3A_1321, %mul3A_1323 : vector<16xf32>
      %sub3A_1325 = arith.subf %mul3A_1299, %mul3A_1295 : vector<16xf32>
      %mul3A_1326 = arith.mulf %get3A_1009, %sub3A_1325 : vector<16xf32>
      %add3A_1327 = arith.addf %mul3A_1301, %mul3A_1294 : vector<16xf32>
      %mul3A_1328 = arith.mulf %get3A_1015, %add3A_1327 : vector<16xf32>
      %add3A_1329 = arith.addf %mul3A_1326, %mul3A_1328 : vector<16xf32>
      %sub3A_1330 = arith.constant 1.000000e+00 : f32
      %sub3A_1331 = vector.broadcast %sub3A_1330 : f32 to vector<16xf32>
      %sub3A_1332 = arith.subf %sub3A_1331, %mul3A_1297 : vector<16xf32>
      %sub3A_1333 = arith.subf %sub3A_1332, %mul3A_1300 : vector<16xf32>
      %mul3A_1334 = arith.mulf %get3A_1021, %sub3A_1333 : vector<16xf32>
      %add3A_1335 = arith.addf %add3A_1329, %mul3A_1334 : vector<16xf32>
      %sub3A_1336 = arith.subf %get3A_973, %get3A_991 : vector<16xf32>
      %sub3A_1337 = arith.subf %add3A_1313, %sub3A_1336 : vector<16xf32>
      %sub3A_1338 = arith.subf %get3A_979, %get3A_997 : vector<16xf32>
      %sub3A_1339 = arith.subf %add3A_1324, %sub3A_1338 : vector<16xf32>
      %add3A_1340 = arith.addf %add3A_1335, %get3A_844 : vector<16xf32>
      %sub3A_1341 = arith.subf %get3A_985, %get3A_1003 : vector<16xf32>
      %sub3A_1342 = arith.subf %add3A_1340, %sub3A_1341 : vector<16xf32>
      %mul3A_1343 = arith.mulf %sub3A_1337, %sub3A_1337 : vector<16xf32>
      %add3A_1344 = arith.addf %scan3A_919, %mul3A_1343 : vector<16xf32>
      %mul3A_1345 = arith.mulf %sub3A_1339, %sub3A_1339 : vector<16xf32>
      %add3A_1346 = arith.addf %add3A_1344, %mul3A_1345 : vector<16xf32>
      %mul3A_1347 = arith.mulf %sub3A_1342, %sub3A_1342 : vector<16xf32>
      %add3A_1348 = arith.addf %add3A_1346, %mul3A_1347 : vector<16xf32>
      %mul3A_1349 = arith.constant 16 : i32
      %mul3A_1350 = arith.muli %scan3A_916, %mul3A_1349 : i32
      %add3A_1351 = arith.constant 0 : i32
      %add3A_1352 = arith.addi %add3A_1351, %mul3A_1350 : i32
      %swap3A_1353 = arith.index_cast %add3A_1352 : i32 to index
      %swap3A_1354 = tpu.vector_load %arg25[%swap3A_1353] {strides = array<i32>} : memref<2048xf32, #tpu.memory_space<vmem>>, vector<16xf32>,
      tpu.vector_store %arg25[%swap3A_1353], %mul3A_1104 {strides = array<i32>} : memref<2048xf32, #tpu.memory_space<vmem>>, vector<16xf32>,
      %mul3A_1355 = arith.constant 16 : i32
      %mul3A_1356 = arith.muli %scan3A_916, %mul3A_1355 : i32
      %add3A_1357 = arith.constant 512 : i32
      %add3A_1358 = arith.addi %add3A_1357, %mul3A_1356 : i32
      %swap3A_1359 = arith.index_cast %add3A_1358 : i32 to index
      %swap3A_1360 = tpu.vector_load %arg25[%swap3A_1359] {strides = array<i32>} : memref<2048xf32, #tpu.memory_space<vmem>>, vector<16xf32>,
      tpu.vector_store %arg25[%swap3A_1359], %mul3A_1105 {strides = array<i32>} : memref<2048xf32, #tpu.memory_space<vmem>>, vector<16xf32>,
      %mul3A_1361 = arith.constant 16 : i32
      %mul3A_1362 = arith.muli %scan3A_916, %mul3A_1361 : i32
      %add3A_1363 = arith.constant 1024 : i32
      %add3A_1364 = arith.addi %add3A_1363, %mul3A_1362 : i32
      %swap3A_1365 = arith.index_cast %add3A_1364 : i32 to index
      %swap3A_1366 = tpu.vector_load %arg25[%swap3A_1365] {strides = array<i32>} : memref<2048xf32, #tpu.memory_space<vmem>>, vector<16xf32>,
      tpu.vector_store %arg25[%swap3A_1365], %mul3A_1106 {strides = array<i32>} : memref<2048xf32, #tpu.memory_space<vmem>>, vector<16xf32>,
      %mul3A_1367 = arith.constant 16 : i32
      %mul3A_1368 = arith.muli %scan3A_916, %mul3A_1367 : i32
      %add3A_1369 = arith.constant 1536 : i32
      %add3A_1370 = arith.addi %add3A_1369, %mul3A_1368 : i32
      %swap3A_1371 = arith.index_cast %add3A_1370 : i32 to index
      %swap3A_1372 = tpu.vector_load %arg25[%swap3A_1371] {strides = array<i32>} : memref<2048xf32, #tpu.memory_space<vmem>>, vector<16xf32>,
      tpu.vector_store %arg25[%swap3A_1371], %mul3A_1107 {strides = array<i32>} : memref<2048xf32, #tpu.memory_space<vmem>>, vector<16xf32>,
      scf.yield %add3A_1250, %add3A_1290, %add3A_1348 : vector<16xf32>, vector<16xf32>, vector<16xf32>
    }
    %scan3A_852 = arith.constant 32 : i32
    %get3A_853 = arith.constant 0 : index
    %get3A_854 = tpu.vector_load %arg24[%get3A_853] {strides = array<i32>} : memref<16xf32, #tpu.memory_space<vmem>>, vector<16xf32>,
    %lt3A_855 = arith.constant 6 : i32
    %lt3A_856 = vector.broadcast %lt3A_855 : i32 to vector<16xi32>
    %lt3A_857 = arith.cmpi slt, %iota3A, %lt3A_856 : vector<16xi32>
    %mul3A_858 = arith.mulf %get3A_854, %get3A_854 : vector<16xf32>
    %jit3A_859 = arith.constant 0.000000e+00 : f32
    %broadcast_in_dim3A_860 = vector.broadcast %jit3A_859 : f32 to vector<16xf32>
    %select_n3A_861 = arith.select %lt3A_857, %mul3A_858, %broadcast_in_dim3A_860 : vector<16xi1>, vector<16xf32>
    %reduce_sum3A = arith.constant true
    %reduce_sum3A_862 = vector.broadcast %reduce_sum3A : i1 to vector<16xi1>
    %reduce_sum3A_863 = tpu.scan <sum>, %select_n3A_861 masked %reduce_sum3A_862 : vector<16xf32>, vector<16xi1> -> vector<16xf32>
    %reduce_sum3A_864 = vector.extract %reduce_sum3A_863[15] : f32 from vector<16xf32>
    %reduce_sum3A_865 = arith.constant true
    %reduce_sum3A_866 = vector.broadcast %reduce_sum3A_865 : i1 to vector<16xi1>
    %reduce_sum3A_867 = tpu.scan <sum>, %scan3A_851#0 masked %reduce_sum3A_866 : vector<16xf32>, vector<16xi1> -> vector<16xf32>
    %reduce_sum3A_868 = vector.extract %reduce_sum3A_867[15] : f32 from vector<16xf32>
    %reduce_sum3A_869 = arith.constant true
    %reduce_sum3A_870 = vector.broadcast %reduce_sum3A_869 : i1 to vector<16xi1>
    %reduce_sum3A_871 = tpu.scan <sum>, %scan3A_851#1 masked %reduce_sum3A_870 : vector<16xf32>, vector<16xi1> -> vector<16xf32>
    %reduce_sum3A_872 = vector.extract %reduce_sum3A_871[15] : f32 from vector<16xf32>
    %reduce_sum3A_873 = arith.constant true
    %reduce_sum3A_874 = vector.broadcast %reduce_sum3A_873 : i1 to vector<16xi1>
    %reduce_sum3A_875 = tpu.scan <sum>, %scan3A_851#2 masked %reduce_sum3A_874 : vector<16xf32>, vector<16xi1> -> vector<16xf32>
    %reduce_sum3A_876 = vector.extract %reduce_sum3A_875[15] : f32 from vector<16xf32>
    %eq3A = arith.constant 0 : i32
    %eq3A_877 = vector.broadcast %eq3A : i32 to vector<16xi32>
    %eq3A_878 = arith.cmpi eq, %iota3A, %eq3A_877 : vector<16xi32>
    %eq3A_879 = arith.constant 1 : i32
    %eq3A_880 = vector.broadcast %eq3A_879 : i32 to vector<16xi32>
    %eq3A_881 = arith.cmpi eq, %iota3A, %eq3A_880 : vector<16xi32>
    %eq3A_882 = arith.constant 2 : i32
    %eq3A_883 = vector.broadcast %eq3A_882 : i32 to vector<16xi32>
    %eq3A_884 = arith.cmpi eq, %iota3A, %eq3A_883 : vector<16xi32>
    %eq3A_885 = arith.constant 3 : i32
    %eq3A_886 = vector.broadcast %eq3A_885 : i32 to vector<16xi32>
    %eq3A_887 = arith.cmpi eq, %iota3A, %eq3A_886 : vector<16xi32>
    %jit3A_888 = arith.constant 0.000000e+00 : f32
    %broadcast_in_dim3A_889 = vector.broadcast %reduce_sum3A_864 : f32 to vector<16xf32>
    %broadcast_in_dim3A_890 = vector.broadcast %jit3A_888 : f32 to vector<16xf32>
    %select_n3A_891 = arith.select %eq3A_887, %broadcast_in_dim3A_889, %broadcast_in_dim3A_890 : vector<16xi1>, vector<16xf32>
    %broadcast_in_dim3A_892 = vector.broadcast %reduce_sum3A_876 : f32 to vector<16xf32>
    %select_n3A_893 = arith.select %eq3A_884, %broadcast_in_dim3A_892, %select_n3A_891 : vector<16xi1>, vector<16xf32>
    %broadcast_in_dim3A_894 = vector.broadcast %reduce_sum3A_872 : f32 to vector<16xf32>
    %select_n3A_895 = arith.select %eq3A_881, %broadcast_in_dim3A_894, %select_n3A_893 : vector<16xi1>, vector<16xf32>
    %broadcast_in_dim3A_896 = vector.broadcast %reduce_sum3A_868 : f32 to vector<16xf32>
    %select_n3A_897 = arith.select %eq3A_878, %broadcast_in_dim3A_896, %select_n3A_895 : vector<16xi1>, vector<16xf32>
    %swap3A_898 = arith.constant 0 : index
    %swap3A_899 = tpu.vector_load %arg26[%swap3A_898] {strides = array<i32>} : memref<16xf32, #tpu.memory_space<vmem>>, vector<16xf32>,
    tpu.vector_store %arg26[%swap3A_898], %select_n3A_897 {strides = array<i32>} : memref<16xf32, #tpu.memory_space<vmem>>, vector<16xf32>,
    %add3A_900 = arith.constant 0 : i32
    %add3A_901 = arith.addi %add3A_900, %mul3A_2 : i32
    "tpu.region"() ({
      %run_scoped3A = tpu.sem_alloc : memref<!tpu.dma_semaphore, #tpu.memory_space<semaphore_mem>>
      %dma_start3A_916 = arith.constant 0 : i32
      %dma_start3A_917 = tpu.memref_slice %arg25[%dma_start3A_916] : memref<2048xf32, #tpu.memory_space<vmem>> -> memref<512xf32, #tpu.memory_space<vmem>>
      %dma_start3A_918 = tpu.memref_slice %arg9[%add3A_901] : memref<65536xf32, #tpu.memory_space<hbm>> -> memref<512xf32, #tpu.memory_space<hbm>>
      %dma_start3A_919 = tpu.memref_slice %arg9[%add3A_901] : memref<65536xf32, #tpu.memory_space<hbm>> -> memref<512xf32, #tpu.memory_space<hbm>>
      %dma_start3A_920 = arith.constant 0 : i32
      %dma_start3A_921 = tpu.memref_slice %arg25[%dma_start3A_920] : memref<2048xf32, #tpu.memory_space<vmem>> -> memref<512xf32, #tpu.memory_space<vmem>>
      tpu.enqueue_dma source(%dma_start3A_921 : memref<512xf32, #tpu.memory_space<vmem>>) target(%dma_start3A_919 : memref<512xf32, #tpu.memory_space<hbm>>) target_semaphore(%run_scoped3A : memref<!tpu.dma_semaphore, #tpu.memory_space<semaphore_mem>>)
      %dma_wait3A_922 = arith.constant 0 : i32
      %dma_wait3A_923 = tpu.memref_slice %arg25[%dma_wait3A_922] : memref<2048xf32, #tpu.memory_space<vmem>> -> memref<512xf32, #tpu.memory_space<vmem>>
      %dma_wait3A_924 = tpu.memref_slice %arg9[%add3A_901] : memref<65536xf32, #tpu.memory_space<hbm>> -> memref<512xf32, #tpu.memory_space<hbm>>
      %dma_wait3A_925 = tpu.memref_slice %arg9[%add3A_901] : memref<65536xf32, #tpu.memory_space<hbm>> -> memref<512xf32, #tpu.memory_space<hbm>>
      %dma_wait3A_926 = arith.constant 0 : i32
      %dma_wait3A_927 = tpu.memref_slice %arg25[%dma_wait3A_926] : memref<2048xf32, #tpu.memory_space<vmem>> -> memref<512xf32, #tpu.memory_space<vmem>>
      tpu.wait_dma2 semaphore(%run_scoped3A : memref<!tpu.dma_semaphore, #tpu.memory_space<semaphore_mem>>) src(%dma_wait3A_927 : memref<512xf32, #tpu.memory_space<vmem>>) dst(%dma_wait3A_925 : memref<512xf32, #tpu.memory_space<hbm>>)
      tpu.yield
    }) : () -> ()
    %add3A_902 = arith.constant 16384 : i32
    %add3A_903 = arith.addi %add3A_902, %mul3A_2 : i32
    "tpu.region"() ({
      %run_scoped3A = tpu.sem_alloc : memref<!tpu.dma_semaphore, #tpu.memory_space<semaphore_mem>>
      %dma_start3A_916 = arith.constant 512 : i32
      %dma_start3A_917 = tpu.memref_slice %arg25[%dma_start3A_916] : memref<2048xf32, #tpu.memory_space<vmem>> -> memref<512xf32, #tpu.memory_space<vmem>>
      %dma_start3A_918 = tpu.memref_slice %arg9[%add3A_903] : memref<65536xf32, #tpu.memory_space<hbm>> -> memref<512xf32, #tpu.memory_space<hbm>>
      %dma_start3A_919 = tpu.memref_slice %arg9[%add3A_903] : memref<65536xf32, #tpu.memory_space<hbm>> -> memref<512xf32, #tpu.memory_space<hbm>>
      %dma_start3A_920 = arith.constant 512 : i32
      %dma_start3A_921 = tpu.memref_slice %arg25[%dma_start3A_920] : memref<2048xf32, #tpu.memory_space<vmem>> -> memref<512xf32, #tpu.memory_space<vmem>>
      tpu.enqueue_dma source(%dma_start3A_921 : memref<512xf32, #tpu.memory_space<vmem>>) target(%dma_start3A_919 : memref<512xf32, #tpu.memory_space<hbm>>) target_semaphore(%run_scoped3A : memref<!tpu.dma_semaphore, #tpu.memory_space<semaphore_mem>>)
      %dma_wait3A_922 = arith.constant 512 : i32
      %dma_wait3A_923 = tpu.memref_slice %arg25[%dma_wait3A_922] : memref<2048xf32, #tpu.memory_space<vmem>> -> memref<512xf32, #tpu.memory_space<vmem>>
      %dma_wait3A_924 = tpu.memref_slice %arg9[%add3A_903] : memref<65536xf32, #tpu.memory_space<hbm>> -> memref<512xf32, #tpu.memory_space<hbm>>
      %dma_wait3A_925 = tpu.memref_slice %arg9[%add3A_903] : memref<65536xf32, #tpu.memory_space<hbm>> -> memref<512xf32, #tpu.memory_space<hbm>>
      %dma_wait3A_926 = arith.constant 512 : i32
      %dma_wait3A_927 = tpu.memref_slice %arg25[%dma_wait3A_926] : memref<2048xf32, #tpu.memory_space<vmem>> -> memref<512xf32, #tpu.memory_space<vmem>>
      tpu.wait_dma2 semaphore(%run_scoped3A : memref<!tpu.dma_semaphore, #tpu.memory_space<semaphore_mem>>) src(%dma_wait3A_927 : memref<512xf32, #tpu.memory_space<vmem>>) dst(%dma_wait3A_925 : memref<512xf32, #tpu.memory_space<hbm>>)
      tpu.yield
    }) : () -> ()
    %add3A_904 = arith.constant 32768 : i32
    %add3A_905 = arith.addi %add3A_904, %mul3A_2 : i32
    "tpu.region"() ({
      %run_scoped3A = tpu.sem_alloc : memref<!tpu.dma_semaphore, #tpu.memory_space<semaphore_mem>>
      %dma_start3A_916 = arith.constant 1024 : i32
      %dma_start3A_917 = tpu.memref_slice %arg25[%dma_start3A_916] : memref<2048xf32, #tpu.memory_space<vmem>> -> memref<512xf32, #tpu.memory_space<vmem>>
      %dma_start3A_918 = tpu.memref_slice %arg9[%add3A_905] : memref<65536xf32, #tpu.memory_space<hbm>> -> memref<512xf32, #tpu.memory_space<hbm>>
      %dma_start3A_919 = tpu.memref_slice %arg9[%add3A_905] : memref<65536xf32, #tpu.memory_space<hbm>> -> memref<512xf32, #tpu.memory_space<hbm>>
      %dma_start3A_920 = arith.constant 1024 : i32
      %dma_start3A_921 = tpu.memref_slice %arg25[%dma_start3A_920] : memref<2048xf32, #tpu.memory_space<vmem>> -> memref<512xf32, #tpu.memory_space<vmem>>
      tpu.enqueue_dma source(%dma_start3A_921 : memref<512xf32, #tpu.memory_space<vmem>>) target(%dma_start3A_919 : memref<512xf32, #tpu.memory_space<hbm>>) target_semaphore(%run_scoped3A : memref<!tpu.dma_semaphore, #tpu.memory_space<semaphore_mem>>)
      %dma_wait3A_922 = arith.constant 1024 : i32
      %dma_wait3A_923 = tpu.memref_slice %arg25[%dma_wait3A_922] : memref<2048xf32, #tpu.memory_space<vmem>> -> memref<512xf32, #tpu.memory_space<vmem>>
      %dma_wait3A_924 = tpu.memref_slice %arg9[%add3A_905] : memref<65536xf32, #tpu.memory_space<hbm>> -> memref<512xf32, #tpu.memory_space<hbm>>
      %dma_wait3A_925 = tpu.memref_slice %arg9[%add3A_905] : memref<65536xf32, #tpu.memory_space<hbm>> -> memref<512xf32, #tpu.memory_space<hbm>>
      %dma_wait3A_926 = arith.constant 1024 : i32
      %dma_wait3A_927 = tpu.memref_slice %arg25[%dma_wait3A_926] : memref<2048xf32, #tpu.memory_space<vmem>> -> memref<512xf32, #tpu.memory_space<vmem>>
      tpu.wait_dma2 semaphore(%run_scoped3A : memref<!tpu.dma_semaphore, #tpu.memory_space<semaphore_mem>>) src(%dma_wait3A_927 : memref<512xf32, #tpu.memory_space<vmem>>) dst(%dma_wait3A_925 : memref<512xf32, #tpu.memory_space<hbm>>)
      tpu.yield
    }) : () -> ()
    %add3A_906 = arith.constant 49152 : i32
    %add3A_907 = arith.addi %add3A_906, %mul3A_2 : i32
    "tpu.region"() ({
      %run_scoped3A = tpu.sem_alloc : memref<!tpu.dma_semaphore, #tpu.memory_space<semaphore_mem>>
      %dma_start3A_916 = arith.constant 1536 : i32
      %dma_start3A_917 = tpu.memref_slice %arg25[%dma_start3A_916] : memref<2048xf32, #tpu.memory_space<vmem>> -> memref<512xf32, #tpu.memory_space<vmem>>
      %dma_start3A_918 = tpu.memref_slice %arg9[%add3A_907] : memref<65536xf32, #tpu.memory_space<hbm>> -> memref<512xf32, #tpu.memory_space<hbm>>
      %dma_start3A_919 = tpu.memref_slice %arg9[%add3A_907] : memref<65536xf32, #tpu.memory_space<hbm>> -> memref<512xf32, #tpu.memory_space<hbm>>
      %dma_start3A_920 = arith.constant 1536 : i32
      %dma_start3A_921 = tpu.memref_slice %arg25[%dma_start3A_920] : memref<2048xf32, #tpu.memory_space<vmem>> -> memref<512xf32, #tpu.memory_space<vmem>>
      tpu.enqueue_dma source(%dma_start3A_921 : memref<512xf32, #tpu.memory_space<vmem>>) target(%dma_start3A_919 : memref<512xf32, #tpu.memory_space<hbm>>) target_semaphore(%run_scoped3A : memref<!tpu.dma_semaphore, #tpu.memory_space<semaphore_mem>>)
      %dma_wait3A_922 = arith.constant 1536 : i32
      %dma_wait3A_923 = tpu.memref_slice %arg25[%dma_wait3A_922] : memref<2048xf32, #tpu.memory_space<vmem>> -> memref<512xf32, #tpu.memory_space<vmem>>
      %dma_wait3A_924 = tpu.memref_slice %arg9[%add3A_907] : memref<65536xf32, #tpu.memory_space<hbm>> -> memref<512xf32, #tpu.memory_space<hbm>>
      %dma_wait3A_925 = tpu.memref_slice %arg9[%add3A_907] : memref<65536xf32, #tpu.memory_space<hbm>> -> memref<512xf32, #tpu.memory_space<hbm>>
      %dma_wait3A_926 = arith.constant 1536 : i32
      %dma_wait3A_927 = tpu.memref_slice %arg25[%dma_wait3A_926] : memref<2048xf32, #tpu.memory_space<vmem>> -> memref<512xf32, #tpu.memory_space<vmem>>
      tpu.wait_dma2 semaphore(%run_scoped3A : memref<!tpu.dma_semaphore, #tpu.memory_space<semaphore_mem>>) src(%dma_wait3A_927 : memref<512xf32, #tpu.memory_space<vmem>>) dst(%dma_wait3A_925 : memref<512xf32, #tpu.memory_space<hbm>>)
      tpu.yield
    }) : () -> ()
    %add3A_908 = arith.constant 0 : i32
    %add3A_909 = arith.addi %add3A_908, %mul3A_2 : i32
    "tpu.region"() ({
      %run_scoped3A = tpu.sem_alloc : memref<!tpu.dma_semaphore, #tpu.memory_space<semaphore_mem>>
      %dma_start3A_916 = arith.constant 0 : i32
      %dma_start3A_917 = tpu.memref_slice %arg17[%dma_start3A_916] : memref<1536xf32, #tpu.memory_space<vmem>> -> memref<512xf32, #tpu.memory_space<vmem>>
      %dma_start3A_918 = tpu.memref_slice %arg10[%add3A_909] : memref<49152xf32, #tpu.memory_space<hbm>> -> memref<512xf32, #tpu.memory_space<hbm>>
      %dma_start3A_919 = tpu.memref_slice %arg10[%add3A_909] : memref<49152xf32, #tpu.memory_space<hbm>> -> memref<512xf32, #tpu.memory_space<hbm>>
      %dma_start3A_920 = arith.constant 0 : i32
      %dma_start3A_921 = tpu.memref_slice %arg17[%dma_start3A_920] : memref<1536xf32, #tpu.memory_space<vmem>> -> memref<512xf32, #tpu.memory_space<vmem>>
      tpu.enqueue_dma source(%dma_start3A_921 : memref<512xf32, #tpu.memory_space<vmem>>) target(%dma_start3A_919 : memref<512xf32, #tpu.memory_space<hbm>>) target_semaphore(%run_scoped3A : memref<!tpu.dma_semaphore, #tpu.memory_space<semaphore_mem>>)
      %dma_wait3A_922 = arith.constant 0 : i32
      %dma_wait3A_923 = tpu.memref_slice %arg17[%dma_wait3A_922] : memref<1536xf32, #tpu.memory_space<vmem>> -> memref<512xf32, #tpu.memory_space<vmem>>
      %dma_wait3A_924 = tpu.memref_slice %arg10[%add3A_909] : memref<49152xf32, #tpu.memory_space<hbm>> -> memref<512xf32, #tpu.memory_space<hbm>>
      %dma_wait3A_925 = tpu.memref_slice %arg10[%add3A_909] : memref<49152xf32, #tpu.memory_space<hbm>> -> memref<512xf32, #tpu.memory_space<hbm>>
      %dma_wait3A_926 = arith.constant 0 : i32
      %dma_wait3A_927 = tpu.memref_slice %arg17[%dma_wait3A_926] : memref<1536xf32, #tpu.memory_space<vmem>> -> memref<512xf32, #tpu.memory_space<vmem>>
      tpu.wait_dma2 semaphore(%run_scoped3A : memref<!tpu.dma_semaphore, #tpu.memory_space<semaphore_mem>>) src(%dma_wait3A_927 : memref<512xf32, #tpu.memory_space<vmem>>) dst(%dma_wait3A_925 : memref<512xf32, #tpu.memory_space<hbm>>)
      tpu.yield
    }) : () -> ()
    %add3A_910 = arith.constant 16384 : i32
    %add3A_911 = arith.addi %add3A_910, %mul3A_2 : i32
    "tpu.region"() ({
      %run_scoped3A = tpu.sem_alloc : memref<!tpu.dma_semaphore, #tpu.memory_space<semaphore_mem>>
      %dma_start3A_916 = arith.constant 512 : i32
      %dma_start3A_917 = tpu.memref_slice %arg17[%dma_start3A_916] : memref<1536xf32, #tpu.memory_space<vmem>> -> memref<512xf32, #tpu.memory_space<vmem>>
      %dma_start3A_918 = tpu.memref_slice %arg10[%add3A_911] : memref<49152xf32, #tpu.memory_space<hbm>> -> memref<512xf32, #tpu.memory_space<hbm>>
      %dma_start3A_919 = tpu.memref_slice %arg10[%add3A_911] : memref<49152xf32, #tpu.memory_space<hbm>> -> memref<512xf32, #tpu.memory_space<hbm>>
      %dma_start3A_920 = arith.constant 512 : i32
      %dma_start3A_921 = tpu.memref_slice %arg17[%dma_start3A_920] : memref<1536xf32, #tpu.memory_space<vmem>> -> memref<512xf32, #tpu.memory_space<vmem>>
      tpu.enqueue_dma source(%dma_start3A_921 : memref<512xf32, #tpu.memory_space<vmem>>) target(%dma_start3A_919 : memref<512xf32, #tpu.memory_space<hbm>>) target_semaphore(%run_scoped3A : memref<!tpu.dma_semaphore, #tpu.memory_space<semaphore_mem>>)
      %dma_wait3A_922 = arith.constant 512 : i32
      %dma_wait3A_923 = tpu.memref_slice %arg17[%dma_wait3A_922] : memref<1536xf32, #tpu.memory_space<vmem>> -> memref<512xf32, #tpu.memory_space<vmem>>
      %dma_wait3A_924 = tpu.memref_slice %arg10[%add3A_911] : memref<49152xf32, #tpu.memory_space<hbm>> -> memref<512xf32, #tpu.memory_space<hbm>>
      %dma_wait3A_925 = tpu.memref_slice %arg10[%add3A_911] : memref<49152xf32, #tpu.memory_space<hbm>> -> memref<512xf32, #tpu.memory_space<hbm>>
      %dma_wait3A_926 = arith.constant 512 : i32
      %dma_wait3A_927 = tpu.memref_slice %arg17[%dma_wait3A_926] : memref<1536xf32, #tpu.memory_space<vmem>> -> memref<512xf32, #tpu.memory_space<vmem>>
      tpu.wait_dma2 semaphore(%run_scoped3A : memref<!tpu.dma_semaphore, #tpu.memory_space<semaphore_mem>>) src(%dma_wait3A_927 : memref<512xf32, #tpu.memory_space<vmem>>) dst(%dma_wait3A_925 : memref<512xf32, #tpu.memory_space<hbm>>)
      tpu.yield
    }) : () -> ()
    %add3A_912 = arith.constant 32768 : i32
    %add3A_913 = arith.addi %add3A_912, %mul3A_2 : i32
    "tpu.region"() ({
      %run_scoped3A = tpu.sem_alloc : memref<!tpu.dma_semaphore, #tpu.memory_space<semaphore_mem>>
      %dma_start3A_916 = arith.constant 1024 : i32
      %dma_start3A_917 = tpu.memref_slice %arg17[%dma_start3A_916] : memref<1536xf32, #tpu.memory_space<vmem>> -> memref<512xf32, #tpu.memory_space<vmem>>
      %dma_start3A_918 = tpu.memref_slice %arg10[%add3A_913] : memref<49152xf32, #tpu.memory_space<hbm>> -> memref<512xf32, #tpu.memory_space<hbm>>
      %dma_start3A_919 = tpu.memref_slice %arg10[%add3A_913] : memref<49152xf32, #tpu.memory_space<hbm>> -> memref<512xf32, #tpu.memory_space<hbm>>
      %dma_start3A_920 = arith.constant 1024 : i32
      %dma_start3A_921 = tpu.memref_slice %arg17[%dma_start3A_920] : memref<1536xf32, #tpu.memory_space<vmem>> -> memref<512xf32, #tpu.memory_space<vmem>>
      tpu.enqueue_dma source(%dma_start3A_921 : memref<512xf32, #tpu.memory_space<vmem>>) target(%dma_start3A_919 : memref<512xf32, #tpu.memory_space<hbm>>) target_semaphore(%run_scoped3A : memref<!tpu.dma_semaphore, #tpu.memory_space<semaphore_mem>>)
      %dma_wait3A_922 = arith.constant 1024 : i32
      %dma_wait3A_923 = tpu.memref_slice %arg17[%dma_wait3A_922] : memref<1536xf32, #tpu.memory_space<vmem>> -> memref<512xf32, #tpu.memory_space<vmem>>
      %dma_wait3A_924 = tpu.memref_slice %arg10[%add3A_913] : memref<49152xf32, #tpu.memory_space<hbm>> -> memref<512xf32, #tpu.memory_space<hbm>>
      %dma_wait3A_925 = tpu.memref_slice %arg10[%add3A_913] : memref<49152xf32, #tpu.memory_space<hbm>> -> memref<512xf32, #tpu.memory_space<hbm>>
      %dma_wait3A_926 = arith.constant 1024 : i32
      %dma_wait3A_927 = tpu.memref_slice %arg17[%dma_wait3A_926] : memref<1536xf32, #tpu.memory_space<vmem>> -> memref<512xf32, #tpu.memory_space<vmem>>
      tpu.wait_dma2 semaphore(%run_scoped3A : memref<!tpu.dma_semaphore, #tpu.memory_space<semaphore_mem>>) src(%dma_wait3A_927 : memref<512xf32, #tpu.memory_space<vmem>>) dst(%dma_wait3A_925 : memref<512xf32, #tpu.memory_space<hbm>>)
      tpu.yield
    }) : () -> ()
    %mul3A_914 = arith.constant 16 : i32
    %mul3A_915 = arith.muli %add3A, %mul3A_914 : i32
    "tpu.region"() ({
      %run_scoped3A = tpu.sem_alloc : memref<!tpu.dma_semaphore, #tpu.memory_space<semaphore_mem>>
      %dma_start3A_916 = tpu.memref_slice %arg11[%mul3A_915] : memref<512xf32, #tpu.memory_space<hbm>> -> memref<16xf32, #tpu.memory_space<hbm>>
      %dma_start3A_917 = tpu.memref_slice %arg11[%mul3A_915] : memref<512xf32, #tpu.memory_space<hbm>> -> memref<16xf32, #tpu.memory_space<hbm>>
      tpu.enqueue_dma source(%arg26 : memref<16xf32, #tpu.memory_space<vmem>>) target(%dma_start3A_917 : memref<16xf32, #tpu.memory_space<hbm>>) target_semaphore(%run_scoped3A : memref<!tpu.dma_semaphore, #tpu.memory_space<semaphore_mem>>)
      %dma_wait3A_918 = tpu.memref_slice %arg11[%mul3A_915] : memref<512xf32, #tpu.memory_space<hbm>> -> memref<16xf32, #tpu.memory_space<hbm>>
      %dma_wait3A_919 = tpu.memref_slice %arg11[%mul3A_915] : memref<512xf32, #tpu.memory_space<hbm>> -> memref<16xf32, #tpu.memory_space<hbm>>
      tpu.wait_dma2 semaphore(%run_scoped3A : memref<!tpu.dma_semaphore, #tpu.memory_space<semaphore_mem>>) src(%arg26 : memref<16xf32, #tpu.memory_space<vmem>>) dst(%dma_wait3A_919 : memref<16xf32, #tpu.memory_space<hbm>>)
      tpu.yield
    }) : () -> ()
    return
  }
}

</mosaic_0001>

<sc_bundles>
// kernel: kernel.3.cloned.1.call-start
scs
__scs_entry_jumppad:
0x0: {  	(pc) =	sbr.rel $0x88, $3  }
0x1: {  	(tag) =	ssettag $0x0;
	lr =	simm.s32 $0x1  }
0x2: {  	[smem:$0x3F9A] =	sst lr;
	_ =	strace $0xD0000000  }
0x3: {  	_ = 	snop  }
0x4: {  	_ = 	snop  }
0x5: {  	_ = 	snop  }
0x6: {  	_ = 	snop  }
0x7: {  	_ = 	snop  }
__scs_overlays_trampoline_lowered:
0x8: {  	[smem:$0x3FA9] =	sst s0  }
0x9: {  	[smem:$0x3FAA] =	sst s1  }
0xa: {  	[smem:$0x3FAB] =	sst s2  }
0xb: {  	[smem:$0x3FAC] =	sst s3  }
0xc: {  	[smem:$0x3FAD] =	sst s4  }
0xd: {  	[smem:$0x3FAE] =	sst s5  }
0xe: {  	[smem:$0x3FAF] =	sst s6  }
0xf: {  	[smem:$0x3FB0] =	sst s7  }
0x10: {  	[smem:$0x3FB1] =	sst s8  }
0x11: {  	[smem:$0x3FB2] =	sst s9;
	s0 =	simm.s32 @!p0 $0x0  }
0x12: {  	s1 =	sld [smem:$0x3F98];
	s0 =	simm.s32 @p0 $0x1  }
0x13: {  	[smem:$0x3FB3] =	sst s0;
	s0 =	simm.s32 @!p1 $0x0  }
0x14: {  	s2 =	sld [smem:$0x3F97];
	s0 =	simm.s32 @p1 $0x1  }
0x15: {  	[smem:$0x3FB4] =	sst s0;
	s0 =	simm.s32 @!p2 $0x0  }
0x16: {  	s3 =	sld [smem:$0x3FDB];
	s0 =	simm.s32 @p2 $0x1  }
0x17: {  	s4 =	simm.s32 $0x1BF5;
	[smem:$0x3FB6] =	sst s0  }
0x18: {  	s0 =	sld [smem:$0x3F99];
	_ =	swait.ge [sflag:s4], $0x0  }
0x19: {  	s7 =	sld [smem:$0x3F9A]  }
0x1a: {  	s8 =	sadd.s32 $0xFFFFE003, lr  }
0x1b: {  	s9 =	sadd.s32 $0xFFFFFEF7, lr;
	s5 =	simm.s32 $0xFFFFFFFF;
	p2 =	slt.u32 s8, $0xFFFFF086  }
0x1c: {  	p1 =	slt.u32 s9, $0xF7A;
	s5 =	simm.s32 @!p2 $0x0  }
0x1d: {  	s5 =	simm.s32 @p1 $0x1;
	p0 =	seq.s32 s7, s2  }
0x1e: {  	s7 =	smul.u32 @!p0 $0xF7A, s2;
	p2 =	seq.s32 @!p0 s5, $0x0  }
0x1f: {  	s9 =	smul.u32 $0xF7A, s1;
	s8 =	simm.s32 @!p0 $0x1BF5;
	p2 =	por !p2, p0  }
0x20: {  	[sflag:s8] =	ssyncset.s32 @!p0 $0xFFFFF086;
	s6 =	sadd.s32 @!p0 s3, s7;
	s7 =	simm.s32 @!p0 $0x108  }
0x21: {  	s3 =	sadd.s32 s3, s9;
	s6 =	sadd.s32 @!p0 $0x88, s6;
	s7 =	simm.s32 @p2 $0x1082  }
0x22: {  	[simem:s7], [sflag:s8] =	dma.local @!p0 [hbm:s6], $0xF7A  }
0x23: {  	s9 =	sor.u32 $0xD0000000, s2;
	s6 =	simm.s32 $0x108;
	_ =	swait.ge @!p0 [sflag:s8], $0x0  }
0x24: {  	s3 =	sadd.s32 $0x88, s3;
	s6 =	simm.s32 @!p1 $0x1082;
	[sflag:s4] =	ssyncset.s32 $0xFFFFF086  }
0x25: {  	[simem:s6], [sflag:s4] =	dma.local [hbm:s3], $0xF7A  }
0x26: {  	[smem:$0x3F9A] =	sst s1;
	(tag) =	ssettag s2;
	_ =	strace s9  }
0x27: {  	s1 =	sld [smem:$0x3FAA]  }
0x28: {  	s2 =	sld [smem:$0x3FAB]  }
0x29: {  	s4 =	sld [smem:$0x3FAD]  }
0x2a: {  	p0 =	seq.s32 s5, $0x0;
	s5 =	sld [smem:$0x3FAE]  }
0x2b: {  	s6 =	sld [smem:$0x3FAF]  }
0x2c: {  	s7 =	sld [smem:$0x3FB0]  }
0x2d: {  	s3 =	simm.s32 $0x108;
	s8 =	sld [smem:$0x3FB1]  }
0x2e: {  	s3 =	simm.s32 @!p0 $0x1082;
	s9 =	sld [smem:$0x3FB2]  }
0x2f: {  	lr =	sadd.s32 s0, s3;
	s0 =	sld [smem:$0x3FA9]  }
0x30: {  	s3 =	sld [smem:$0x3FAC]  }
0x31: {  	[smem:$0x3FB5] =	sst s10  }
0x32: {  	s10 =	sld [smem:$0x3FB3];
	_ =	sdelay $0x3  }
0x33: {  	p0 =	seq.s32 s10, $0x1;
	s10 =	sld [smem:$0x3FB5];
	_ =	sdelay $0x3  }
0x34: {  	[smem:$0x3FB5] =	sst s10  }
0x35: {  	s10 =	sld [smem:$0x3FB4];
	_ =	sdelay $0x3  }
0x36: {  	p1 =	seq.s32 s10, $0x1;
	s10 =	sld [smem:$0x3FB5];
	_ =	sdelay $0x3  }
0x37: {  	[smem:$0x3FB5] =	sst s10  }
0x38: {  	s10 =	sld [smem:$0x3FB6]  }
0x39: {  	_ = 	snop;
	(pc) =	sbr.ind lr, $3  }
0x3a: {  	_ = 	snop  }
0x3b: {  	_ = 	snop  }
0x3c: {  	p2 =	seq.s32 s10, $0x1;
	s10 =	sld [smem:$0x3FB5]  }
0x3d: {  	_ =	shalt  }
0x3e: {  	_ =	shalt  }
0x3f: {  	_ =	shalt  }
0x40: {  	_ =	shalt  }
0x41: {  	_ =	shalt  }
0x42: {  	_ =	shalt  }
0x43: {  	_ =	shalt  }
0x44: {  	_ =	shalt  }
0x45: {  	_ =	shalt  }
0x46: {  	_ =	shalt  }
0x47: {  	_ =	shalt  }
0x48: {  	_ =	shalt  }
0x49: {  	_ =	shalt  }
0x4a: {  	_ =	shalt  }
0x4b: {  	_ =	shalt  }
0x4c: {  	_ =	shalt  }
0x4d: {  	_ =	shalt  }
0x4e: {  	_ =	shalt  }
0x4f: {  	_ =	shalt  }
0x50: {  	_ =	shalt  }
0x51: {  	_ =	shalt  }
0x52: {  	_ =	shalt  }
0x53: {  	_ =	shalt  }
0x54: {  	_ =	shalt  }
0x55: {  	_ =	shalt  }
0x56: {  	_ =	shalt  }
0x57: {  	_ =	shalt  }
0x58: {  	_ =	shalt  }
0x59: {  	_ =	shalt  }
0x5a: {  	_ =	shalt  }
0x5b: {  	_ =	shalt  }
0x5c: {  	_ =	shalt  }
0x5d: {  	_ =	shalt  }
0x5e: {  	_ =	shalt  }
0x5f: {  	_ =	shalt  }
0x60: {  	_ =	shalt  }
0x61: {  	_ =	shalt  }
0x62: {  	_ =	shalt  }
0x63: {  	_ =	shalt  }
0x64: {  	_ =	shalt  }
0x65: {  	_ =	shalt  }
0x66: {  	_ =	shalt  }
0x67: {  	_ =	shalt  }
0x68: {  	_ =	shalt  }
0x69: {  	_ =	shalt  }
0x6a: {  	_ =	shalt  }
0x6b: {  	_ =	shalt  }
0x6c: {  	_ =	shalt  }
0x6d: {  	_ =	shalt  }
0x6e: {  	_ =	shalt  }
0x6f: {  	_ =	shalt  }
0x70: {  	_ =	shalt  }
0x71: {  	_ =	shalt  }
0x72: {  	_ =	shalt  }
0x73: {  	_ =	shalt  }
0x74: {  	_ =	shalt  }
0x75: {  	_ =	shalt  }
0x76: {  	_ =	shalt  }
0x77: {  	_ =	shalt  }
0x78: {  	_ =	shalt  }
0x79: {  	_ =	shalt  }
0x7a: {  	_ =	shalt  }
0x7b: {  	_ =	shalt  }
0x7c: {  	_ =	shalt  }
0x7d: {  	_ =	shalt  }
0x7e: {  	_ =	shalt  }
0x7f: {  	_ =	shalt  }
0x80: {  	_ =	shalt  }
0x81: {  	_ =	shalt  }
0x82: {  	_ =	shalt  }
0x83: {  	_ =	shalt  }
0x84: {  	_ =	shalt  }
0x85: {  	_ =	shalt  }
0x86: {  	_ =	shalt  }
0x87: {  	_ =	shalt  }
.Lfunc_end0:
.L_simem_size_0:
called_computation_lowered:
.L_overlay_start_0:
0x88: {  	s2 =	sld [smem:$0x3FD9]  }
0x89: {  	s3 =	sld [smem:$0x3FFE];
	_ =	sdelay $0x1  }
0x8a: {  	s1 =	srdreg.scid  }
0x8b: {  	s0 =	sand.u32 $0x1, s1  }
0x8c: {  	s14 =	sshll.u32 s0, $0xA;
	s2 =	sadd.s32 s3, s2  }
0x8d: {  	s2 =	sadd.s32 s2, s14  }
0x8e: {  	[smem:$0x3FC1] =	sst s2  }
0x8f: {  	_ = 	snop  }
0x90: {  	s2 =	sld [smem:$0x3FD0];
	_ =	sdelay $0x2  }
0x91: {  	s4 =	simm.s32 $0xA;
	s5 =	simm.s32 $0x10;
	s15 =	sld [smem:$0x3FC9]  }
0x92: {  	[smem:s5], [sflag:s4] =	dma.local [hbm:s2], $0x1  }
0x93: {  	_ =	swait.eq [sflag:s4], $0x1  }
0x94: {  	[sflag:s4] =	ssyncset.done $0x0  }
0x95: {  	s16 =	sld [smem:$0x10];
	[sflag:s4] =	ssyncadd.s32 $0xFFFFFFFF  }
0x96: {  	s17 =	sld [smem:$0x11];
	(tm) =	ssettm $0x1  }
0x97: {  	s18 =	sld [smem:$0x3FFB];
	_ =	sdelay $0x3  }
0x98: {  	_ =	strace s18  }
0x99: {  	s5 =	sld [smem:$0x3FFC];
	_ =	sdelay $0x3  }
0x9a: {  	_ =	strace s5  }
0x9b: {  	s5 =	sld [smem:$0x3FFD];
	_ =	sdelay $0x3  }
0x9c: {  	_ =	strace s5  }
0x9d: {  	_ =	strace $0x8FFFFFFF  }
0x9e: {  	s19 =	sld [smem:$0x3FDB];
	_ =	sdelay $0x1  }
0x9f: {  	s6 =	simm.s32 $_scs_section_size  }
0xa0: {  	s7 =	simm.s32 $_size__tile_overlayer_lowered;
	s8 =	simm.s32 $_tile_overlayer_lowered  }
0xa1: {  	s22 =	simm.s32 $0x1BFF;
	s21 =	sshll.u32 s8, $0x1;
	s5 =	sadd.s32 s6, s19  }
0xa2: {  	s9 =	simm.s32 $0x0;
	s20 =	sshll.u32 s7, $0x1;
	s7 =	sadd.s32 s21, s5  }
0xa3: {  	[timem:s9], [sflag:s22] =	dma.local [hbm:s7], s20  }
0xa4: {  	_ =	swait.ge [sflag:s22], s20  }
0xa5: {  	s6 =	ssub.s32 $0x0, s20;
	[sflag:s22] =	ssyncset.done $0x0  }
0xa6: {  	[sflag:s22] =	ssyncadd.s32 s6;
	_ =	sdelay $0x1  }
0xa7: {  	s23 =	simm.s32 $0x1B8B  }
0xa8: {  	_ =	swait.ge [sflag:s23], $0x1  }
0xa9: {  	[sflag:s23] =	ssyncset.done $0x0  }
0xaa: {  	s25 =	simm.s32 $0x1B8E;
	s24 =	sld [smem:$0x3FFE];
	[sflag:s23] =	ssyncadd.s32 $0xFFFFFFFF  }
0xab: {  	s26 =	simm.s32 $execute0_lowered;
	[smem:$0x3FD2] =	sst s25  }
0xac: {  	s7 =	sshll.u32 s26, $0x1;
	_ =	strace $0x80000046;
	[dreg:$0x1] =	wrdreg $0xFFFFFFFF  }
0xad: {  	s28 =	simm.s32 $_size_execute0_lowered;
	s5 =	sadd.s32 s5, s7;
	[dreg:$0x0] =	wrdreg $0x0  }
0xae: {  	s7 =	sshll.u32 s28, $0x1;
	[dreg:$0x2] =	wrdreg s5  }
0xaf: {  	[dreg:$0x3] =	wrdreg s7  }
0xb0: {  	[dreg:$0x4] =	wrdreg $0xC0  }
0xb1: {  	_ =	task [dreg:s9], $0x5FFFF  }
0xb2: {  	[dreg:$0x1] =	wrdreg $0xFFFFFFFF  }
0xb3: {  	[dreg:$0x0] =	wrdreg $0x60  }
0xb4: {  	[dreg:$0x2] =	wrdreg s15  }
0xb5: {  	[dreg:$0x3] =	wrdreg s16  }
0xb6: {  	[dreg:$0x4] =	wrdreg s17  }
0xb7: {  	[dreg:$0x5] =	wrdreg s24  }
0xb8: {  	[dreg:$0x6] =	wrdreg $0x9  }
0xb9: {  	_ =	task.clear_ibuf [dreg:s9], $0x7FFFF;
	_ =	strace $0x90000046  }
0xba: {  	s29 =	simm.s32 $0x9;
	_ =	strace $0x80000048  }
0xbb: {  	_ =	swait.ge [sflag:s29], $0x1  }
0xbc: {  	[sflag:s29] =	ssyncadd.s32 $0xFFFFFFFF  }
0xbd: {  	_ =	strace $0x90000048  }
0xbe: {  	_ =	sfence  }
0xbf: {  	s30 =	sld [smem:$0x0];
	_ =	sdelay $0x2  }
0xc0: {  	s31 =	sshll.u32 s1, $0xD;
	s1 =	sshrl.u32 s1, $0x2  }
0xc1: {  	s3 =	sand.u32 $0x4000, s31;
	s1 =	sadd.s32 s1, s30  }
0xc2: {  	s0 =	sor.u32 s3, s0;
	s1 =	sshll.u32 s1, $0x11  }
0xc3: {  	s0 =	sor.u32 s1, s0  }
0xc4: {  	s0 =	sadd.s32 $0x8F2B, s0  }
0xc5: {  	[sflag:s0] =	ssyncadd.remote.s32 $0x1  }
0xc6: {  	_ =	sfence.sel $0xFFFF  }
0xc7: {  	[dreg:$0x0] =	wrdreg $0xFFFFFFFF;
	(pc) =	sbr.abs _section_cstart, $3  }
0xc8: {  	[dreg:$0x1] =	wrdreg $0xFFFFFFFF  }
0xc9: {  	_ =	task.clear_ibuf [dreg:s9], $0x2FFFF;
	_ =	strace $0x9FFFFFFF  }
0xca: {  	(tm) =	ssettm $0x7FFFFFFF  }
0xcb: {  	_ =	shalt  }
tec
execute0_lowered:
.L_overlay_start_1:
0x0: {  	(tag) =	ssettag $0x1  }
0x1: {  	s0 =	rddreg [dreg:$0x0]  }
0x2: {  	s2 =	rddreg [dreg:$0x1]  }
0x3: {  	s3 =	rddreg [dreg:$0x2]  }
0x4: {  	s4 =	rddreg [dreg:$0x3]  }
0x5: {  	s1 =	simm.s32 $0x0;
	s12 =	srdreg.scid;
	s8 =	stileid.u32  }
0x6: {  	[smem:$0x7FF] =	sst s1;
	s6 =	sadd.s32 $0xD7E00, s4;
	s8 =	sshll.u32 s8, $0x1  }
0x7: {  	_ =	strace $0x80000047;
	[dreg:$0x5] =	wrdreg s6;
	s6 =	sand.u32 $0x1, s12  }
0x8: {  	s8 =	sor.u32 s6, s8  }
0x9: {  	s10 =	sshll.u32 s8, $0x1;
	s8 =	sshll.u32 s8, $0x6  }
0xa: {  	s0 =	sadd.s32 s0, s8  }
0xb: {  	s5 =	sadd.s32 $0xA00, s4;
	s13 =	sadd.s32 s2, s8;
	[dreg:$0x6] =	wrdreg s0  }
0xc: {  	s14 =	sadd.s32 s5, s8;
	[dreg:$0x7] =	wrdreg s13  }
0xd: {  	s7 =	sadd.s32 $0xD8200, s4;
	s19 =	sadd.s32 s3, s8;
	[dreg:$0x8] =	wrdreg s14  }
0xe: {  	s9 =	sadd.s32 $0xDA200, s4;
	s23 =	sadd.s32 s7, s8;
	[dreg:$0xd] =	wrdreg s19  }
0xf: {  	s15 =	sor.u32 $0x800, s8;
	s26 =	sadd.s32 s9, s8;
	[dreg:$0x11] =	wrdreg s23  }
0x10: {  	s12 =	sadd.s32 s2, s15;
	[dreg:$0x15] =	wrdreg s26  }
0x11: {  	s16 =	sor.u32 $0x1000, s8;
	s17 =	sadd.s32 s5, s15;
	[dreg:$0x9] =	wrdreg s12  }
0x12: {  	s2 =	sadd.s32 s2, s16;
	[dreg:$0xa] =	wrdreg s17  }
0x13: {  	s18 =	sadd.s32 s5, s16;
	[dreg:$0xb] =	wrdreg s2  }
0x14: {  	s21 =	sadd.s32 s3, s15;
	[dreg:$0xc] =	wrdreg s18  }
0x15: {  	s20 =	sor.u32 $0x1800, s8;
	s22 =	sadd.s32 s3, s16;
	[dreg:$0xe] =	wrdreg s21  }
0x16: {  	s28 =	simm.s32 $0x80;
	s3 =	sadd.s32 s3, s20;
	[dreg:$0xf] =	wrdreg s22  }
0x17: {  	s6 =	ssub.s32 $0x2, s6;
	s24 =	sadd.s32 s7, s15;
	[dreg:$0x10] =	wrdreg s3  }
0x18: {  	v0 =	vimm.s32 $0x1;
	vm0 =	vcmask $0x704;
	s11 =	sshrl.u32 s6, $0x1;
	s25 =	sadd.s32 s7, s16;
	[dreg:$0x12] =	wrdreg s24  }
0x19: {  	v0 =	vsel vm0, $0xF4242, v0;
	vm0 =	vcmask $0xB08;
	s6 =	ssub.s32 s6, s11;
	s0 =	sadd.s32 s9, s15;
	[dreg:$0x14] =	wrdreg s25  }
0x1a: {  	v0 =	vsel vm0, $0x1E8483, v0;
	vm0 =	vcmask $0xF0C;
	s30 =	sadd.s32 s10, s4;
	s29 =	sadd.s32 s9, s16;
	[dreg:$0x16] =	wrdreg s0  }
0x1b: {  	vm1 =	vcmask $0x1310;
	v0 =	vsel vm0, $0xF423F, v0;
	s23 =	sadd.s32 $0x5DC00, s4;
	s31 =	smax.u32 s6, $0x1;
	[dreg:$0x17] =	wrdreg s29  }
0x1c: {  	v0 =	vsel vm1, $0x1E8480, v0;
	vm1 =	vcmask $0x1714;
	s26 =	simm.s32 $0x2;
	s2 =	sadd.s32 s7, s20;
	[dreg:$0x19] =	wrdreg s31  }
0x1d: {  	vm2 =	vcmask $0x3F0C;
	v0 =	vsel vm1, $0x2DC6C1, v0;
	s22 =	sadd.s32 $0x2200, s4;
	s0 =	sadd.s32 $0xD8000, s30;
	[dreg:$0x13] =	wrdreg s2  }
0x1e: {  	vm3 =	vcmask $0x3F08;
	vm4 =	vcmask $0x3F04;
	vm1 =	vmmov $0x3f;
	[tilespmem:$0x1FFF0] =	vst v0;
	s3 =	simm.s32 $0x1;
	[dreg:$0x18] =	wrdreg s0;
	s0 =	simm.s32 $0x0  }
.LBB2_1:
0x1f: {  	[dreg:$0x1a] =	wrdreg s0  }
0x20: {  	s4 =	rddreg [dreg:$0x6]  }
0x21: {  	[tilespmem:s1], [sflag:$0x2] =	stream.linear.gather [hbm4b:s4+s1], $0x200, $0x38;
	[tilespmem:$0x4A40] =	vst v63  }
0x22: {  	_ =	swait.ge [sflag:s26], $0x200  }
0x23: {  	[sflag:s26] =	ssyncset.done $0x0  }
0x24: {  	s4 =	simm.s32 $0x0;
	[sflag:s26] =	ssyncadd.s32 $0xFFFFFE00  }
0x25: {  	v5 =	vld [tilespmem:s4+$0x0];
	_ =	sdelay $0x4  }
0x26: {  	[tilespmem:s4+$0x200] =	vst v5;
	v3 =	vadd.s32 $0x2DC6C2, v5  }
0x27: {  	v6 =	vadd.s32 $0xFFFFFFFF, v5;
	v2 =	vadd.s32 $0xF4241, v5;
	v1 =	vadd.s32 $0x1E8482, v5;
	[tilespmem:s4+$0x1000] =	vst v3  }
0x28: {  	s5 =	simm.s32 $0x10;
	s21 =	simm.s32 $0x80;
	v4 =	vadd.s32 $0xF4240, v5;
	v3 =	vadd.s32 $0x1E8481, v5;
	[tilespmem:s4+$0xA00] =	vst v6;
	v5 =	vadd.s32 $0x2DC6C3, v5  }
.LBB2_2:
0x29: {  	p0 =	sne.s32 s21, $0x7C0;
	v6 =	vld [tilespmem:s5+$0x0];
	[tilespmem:s4+$0x400] =	vst v2  }
0x2a: {  	[tilespmem:s4+$0xC00] =	vst v4  }
0x2b: {  	[tilespmem:s4+$0x600] =	vst v1  }
.Ltmp0:
0x2c: {  	[tilespmem:s4+$0xE00] =	vst v3;
	(pc) =	sbr.rel @p0 .LBB2_2-.Ltmp0, $4  }
0x2d: {  	[tilespmem:s4+$0x800] =	vst v5;
	s4 =	smov.u32 s5  }
0x2e: {  	v5 =	vadd.s32 $0xFFFFFFFF, v6;
	[tilespmem:s4+$0x200] =	vst v6;
	v2 =	vadd.s32 $0xF4241, v6;
	v7 =	vadd.s32 $0x2DC6C2, v6  }
0x2f: {  	v4 =	vadd.s32 $0xF4240, v6;
	v1 =	vadd.s32 $0x1E8482, v6;
	v3 =	vadd.s32 $0x1E8481, v6;
	[tilespmem:s4+$0x1000] =	vst v7  }
0x30: {  	s5 =	sshra.s32 s21, $0x2;
	s21 =	sadd.s32 $0x40, s21;
	[tilespmem:s4+$0xA00] =	vst v5;
	v5 =	vadd.s32 $0x2DC6C3, v6  }
0x31: {  	v6 =	vld [tilespmem:s5+$0x0];
	[tilespmem:s4+$0x400] =	vst v2  }
0x32: {  	[tilespmem:s4+$0xC00] =	vst v4  }
0x33: {  	[tilespmem:s4+$0x600] =	vst v1  }
0x34: {  	[tilespmem:s4+$0xE00] =	vst v3  }
0x35: {  	[tilespmem:s4+$0x800] =	vst v5  }
0x36: {  	[tilespmem:s5+$0x200] =	vst v6;
	v46 =	vadd.s32 $0x2DC6C2, v6  }
0x37: {  	v47 =	vadd.s32 $0xFFFFFFFF, v6;
	[tilespmem:s5+$0x1000] =	vst v46  }
0x38: {  	v48 =	vadd.s32 $0xF4241, v6;
	[tilespmem:s5+$0xA00] =	vst v47  }
0x39: {  	v0 =	vld [tilespmem:$0x1FFF0];
	v49 =	vadd.s32 $0xF4240, v6;
	[tilespmem:s5+$0x400] =	vst v48  }
0x3a: {  	v50 =	vadd.s32 $0x1E8482, v6;
	[tilespmem:s5+$0xC00] =	vst v49  }
0x3b: {  	v51 =	vadd.s32 $0x1E8481, v6;
	[tilespmem:s5+$0x600] =	vst v50  }
0x3c: {  	v52 =	vadd.s32 $0x2DC6C3, v6;
	[tilespmem:s5+$0xE00] =	vst v51  }
0x3d: {  	[tilespmem:s5+$0x800] =	vst v52  }
0x3e: {  	s4 =	simm.s32 $0x200;
	s2 =	simm.s32 $0x1200;
	[tilespmem:$0x4210] =	vst v0  }
0x3f: {  	[tilespmem:s2], [sflag:$0x1] =	stream.indirect.gather [hbm4b:s23+s28], $0x1, s4, s28, $0xb8;
	[tilespmem:$0x4A40] =	vst v63  }
0x40: {  	s21 =	simm.s32 $0x1A00;
	s5 =	simm.s32 $0xA00  }
0x41: {  	[tilespmem:s21], [sflag:$0x1] =	stream.indirect.gather [hbm4b:s23+s28], $0x1, s5, s28, $0xb8;
	[tilespmem:$0x4A40] =	vst v63  }
0x42: {  	s24 =	simm.s32 $0x1280;
	s21 =	simm.s32 $0x280  }
0x43: {  	[tilespmem:s24], [sflag:$0x1] =	stream.indirect.gather [hbm4b:s23+s28], $0x1, s21, s28, $0xb8;
	[tilespmem:$0x4A40] =	vst v63  }
0x44: {  	s6 =	simm.s32 $0x1A80;
	s24 =	simm.s32 $0xA80  }
0x45: {  	[tilespmem:s6], [sflag:$0x1] =	stream.indirect.gather [hbm4b:s23+s28], $0x1, s24, s28, $0xb8;
	[tilespmem:$0x4A40] =	vst v63  }
0x46: {  	s25 =	simm.s32 $0x1300;
	s6 =	simm.s32 $0x300  }
0x47: {  	[tilespmem:s25], [sflag:$0x1] =	stream.indirect.gather [hbm4b:s23+s28], $0x1, s6, s28, $0xb8;
	[tilespmem:$0x4A40] =	vst v63  }
0x48: {  	s7 =	simm.s32 $0x1B00;
	s25 =	simm.s32 $0xB00  }
0x49: {  	[tilespmem:s7], [sflag:$0x1] =	stream.indirect.gather [hbm4b:s23+s28], $0x1, s25, s28, $0xb8;
	[tilespmem:$0x4A40] =	vst v63  }
0x4a: {  	s8 =	simm.s32 $0x1380;
	s7 =	simm.s32 $0x380  }
0x4b: {  	[tilespmem:s8], [sflag:$0x1] =	stream.indirect.gather [hbm4b:s23+s28], $0x1, s7, s28, $0xb8;
	[tilespmem:$0x4A40] =	vst v63  }
0x4c: {  	s9 =	simm.s32 $0x1B80;
	s8 =	simm.s32 $0xB80  }
0x4d: {  	[tilespmem:s9], [sflag:$0x1] =	stream.indirect.gather [hbm4b:s23+s28], $0x1, s8, s28, $0xb8;
	[tilespmem:$0x4A40] =	vst v63  }
0x4e: {  	s10 =	simm.s32 $0x1400;
	s9 =	simm.s32 $0x400  }
0x4f: {  	[tilespmem:s10], [sflag:$0x1] =	stream.indirect.gather [hbm4b:s23+s28], $0x1, s9, s28, $0xb8;
	[tilespmem:$0x4A40] =	vst v63  }
0x50: {  	s29 =	simm.s32 $0x1C00;
	s10 =	simm.s32 $0xC00  }
0x51: {  	[tilespmem:s29], [sflag:$0x1] =	stream.indirect.gather [hbm4b:s23+s28], $0x1, s10, s28, $0xb8;
	[tilespmem:$0x4A40] =	vst v63  }
0x52: {  	s11 =	simm.s32 $0x1480;
	s29 =	simm.s32 $0x480  }
0x53: {  	[tilespmem:s11], [sflag:$0x1] =	stream.indirect.gather [hbm4b:s23+s28], $0x1, s29, s28, $0xb8;
	[tilespmem:$0x4A40] =	vst v63  }
0x54: {  	s31 =	simm.s32 $0x1C80;
	s11 =	simm.s32 $0xC80  }
0x55: {  	[tilespmem:s31], [sflag:$0x1] =	stream.indirect.gather [hbm4b:s23+s28], $0x1, s11, s28, $0xb8;
	[tilespmem:$0x4A40] =	vst v63  }
0x56: {  	s12 =	simm.s32 $0x1500;
	s31 =	simm.s32 $0x500  }
0x57: {  	[tilespmem:s12], [sflag:$0x1] =	stream.indirect.gather [hbm4b:s23+s28], $0x1, s31, s28, $0xb8;
	[tilespmem:$0x4A40] =	vst v63  }
0x58: {  	s13 =	simm.s32 $0x1D00;
	s12 =	simm.s32 $0xD00  }
0x59: {  	[tilespmem:s13], [sflag:$0x1] =	stream.indirect.gather [hbm4b:s23+s28], $0x1, s12, s28, $0xb8;
	[tilespmem:$0x4A40] =	vst v63  }
0x5a: {  	s2 =	simm.s32 $0x1580;
	s13 =	simm.s32 $0x580  }
0x5b: {  	[tilespmem:s2], [sflag:$0x1] =	stream.indirect.gather [hbm4b:s23+s28], $0x1, s13, s28, $0xb8;
	[tilespmem:$0x4A40] =	vst v63  }
0x5c: {  	s14 =	simm.s32 $0x1D80;
	s2 =	simm.s32 $0xD80  }
0x5d: {  	[tilespmem:s14], [sflag:$0x1] =	stream.indirect.gather [hbm4b:s23+s28], $0x1, s2, s28, $0xb8;
	[tilespmem:$0x4A40] =	vst v63  }
0x5e: {  	s15 =	simm.s32 $0x1600;
	s14 =	simm.s32 $0x600  }
0x5f: {  	[tilespmem:s15], [sflag:$0x1] =	stream.indirect.gather [hbm4b:s23+s28], $0x1, s14, s28, $0xb8;
	[tilespmem:$0x4A40] =	vst v63  }
0x60: {  	s0 =	simm.s32 $0x1E00;
	s15 =	simm.s32 $0xE00  }
0x61: {  	[tilespmem:s0], [sflag:$0x1] =	stream.indirect.gather [hbm4b:s23+s28], $0x1, s15, s28, $0xb8;
	[tilespmem:$0x4A40] =	vst v63  }
0x62: {  	s16 =	simm.s32 $0x1680;
	s0 =	simm.s32 $0x680  }
0x63: {  	[tilespmem:s16], [sflag:$0x1] =	stream.indirect.gather [hbm4b:s23+s28], $0x1, s0, s28, $0xb8;
	[tilespmem:$0x4A40] =	vst v63  }
0x64: {  	s17 =	simm.s32 $0x1E80;
	s16 =	simm.s32 $0xE80  }
0x65: {  	[tilespmem:s17], [sflag:$0x1] =	stream.indirect.gather [hbm4b:s23+s28], $0x1, s16, s28, $0xb8;
	[tilespmem:$0x4A40] =	vst v63  }
0x66: {  	s30 =	simm.s32 $0x1700;
	s17 =	simm.s32 $0x700  }
0x67: {  	[tilespmem:s30], [sflag:$0x1] =	stream.indirect.gather [hbm4b:s23+s28], $0x1, s17, s28, $0xb8;
	[tilespmem:$0x4A40] =	vst v63  }
0x68: {  	s18 =	simm.s32 $0x1F00;
	s30 =	simm.s32 $0xF00  }
0x69: {  	[tilespmem:s18], [sflag:$0x1] =	stream.indirect.gather [hbm4b:s23+s28], $0x1, s30, s28, $0xb8;
	[tilespmem:$0x4A40] =	vst v63  }
0x6a: {  	s19 =	simm.s32 $0x1780;
	s18 =	simm.s32 $0x780  }
0x6b: {  	[tilespmem:s19], [sflag:$0x1] =	stream.indirect.gather [hbm4b:s23+s28], $0x1, s18, s28, $0xb8;
	[tilespmem:$0x4A40] =	vst v63  }
0x6c: {  	s1 =	simm.s32 $0x1F80;
	s19 =	simm.s32 $0xF80  }
0x6d: {  	[tilespmem:s1], [sflag:$0x1] =	stream.indirect.gather [hbm4b:s23+s28], $0x1, s19, s28, $0xb8;
	[tilespmem:$0x4A40] =	vst v63  }
0x6e: {  	s20 =	simm.s32 $0x1800;
	s1 =	simm.s32 $0x800  }
0x6f: {  	[tilespmem:s20], [sflag:$0x1] =	stream.indirect.gather [hbm4b:s23+s28], $0x1, s1, s28, $0xb8;
	[tilespmem:$0x4A40] =	vst v63  }
0x70: {  	s1 =	simm.s32 $0x1000;
	s20 =	simm.s32 $0x2000  }
0x71: {  	[tilespmem:s20], [sflag:$0x1] =	stream.indirect.gather [hbm4b:s23+s28], $0x1, s1, s28, $0xb8;
	[tilespmem:$0x4A40] =	vst v63  }
0x72: {  	s1 =	simm.s32 $0x880;
	s20 =	simm.s32 $0x1880  }
0x73: {  	[tilespmem:s20], [sflag:$0x1] =	stream.indirect.gather [hbm4b:s23+s28], $0x1, s1, s28, $0xb8;
	[tilespmem:$0x4A40] =	vst v63  }
0x74: {  	s1 =	simm.s32 $0x1080;
	s20 =	simm.s32 $0x2080  }
0x75: {  	[tilespmem:s20], [sflag:$0x1] =	stream.indirect.gather [hbm4b:s23+s28], $0x1, s1, s28, $0xb8;
	[tilespmem:$0x4A40] =	vst v63  }
0x76: {  	s1 =	simm.s32 $0x900;
	s20 =	simm.s32 $0x1900  }
0x77: {  	[tilespmem:s20], [sflag:$0x1] =	stream.indirect.gather [hbm4b:s23+s28], $0x1, s1, s28, $0xb8;
	[tilespmem:$0x4A40] =	vst v63  }
0x78: {  	s1 =	simm.s32 $0x1100;
	s20 =	simm.s32 $0x2100  }
0x79: {  	[tilespmem:s20], [sflag:$0x1] =	stream.indirect.gather [hbm4b:s23+s28], $0x1, s1, s28, $0xb8;
	[tilespmem:$0x4A40] =	vst v63  }
0x7a: {  	s1 =	simm.s32 $0x980;
	s20 =	simm.s32 $0x1980  }
0x7b: {  	[tilespmem:s20], [sflag:$0x1] =	stream.indirect.gather [hbm4b:s23+s28], $0x1, s1, s28, $0xb8;
	[tilespmem:$0x4A40] =	vst v63  }
0x7c: {  	s1 =	simm.s32 $0x1180;
	s20 =	simm.s32 $0x2180  }
0x7d: {  	[tilespmem:s20], [sflag:$0x1] =	stream.indirect.gather [hbm4b:s23+s28], $0x1, s1, s28, $0xb8;
	[tilespmem:$0x4A40] =	vst v63  }
0x7e: {  	s20 =	simm.s32 $0x2200  }
0x7f: {  	[tilespmem:s20], [sflag:$0x1] =	stream.indirect.gather [hbm4b:s22+s28], $0x1, s4, s28, $0xb8;
	[tilespmem:$0x4A40] =	vst v63  }
0x80: {  	s4 =	simm.s32 $0x2800  }
0x81: {  	[tilespmem:s4], [sflag:$0x1] =	stream.indirect.gather [hbm4b:s22+s28], $0x1, s5, s28, $0xb8;
	[tilespmem:$0x4A40] =	vst v63  }
0x82: {  	s5 =	simm.s32 $0x2280  }
0x83: {  	[tilespmem:s5], [sflag:$0x1] =	stream.indirect.gather [hbm4b:s22+s28], $0x1, s21, s28, $0xb8;
	[tilespmem:$0x4A40] =	vst v63  }
0x84: {  	s4 =	simm.s32 $0x2880  }
0x85: {  	[tilespmem:s4], [sflag:$0x1] =	stream.indirect.gather [hbm4b:s22+s28], $0x1, s24, s28, $0xb8;
	[tilespmem:$0x4A40] =	vst v63  }
0x86: {  	s5 =	simm.s32 $0x2300  }
0x87: {  	[tilespmem:s5], [sflag:$0x1] =	stream.indirect.gather [hbm4b:s22+s28], $0x1, s6, s28, $0xb8;
	[tilespmem:$0x4A40] =	vst v63  }
0x88: {  	s21 =	simm.s32 $0x2900  }
0x89: {  	[tilespmem:s21], [sflag:$0x1] =	stream.indirect.gather [hbm4b:s22+s28], $0x1, s25, s28, $0xb8;
	[tilespmem:$0x4A40] =	vst v63  }
0x8a: {  	s24 =	simm.s32 $0x2380  }
0x8b: {  	[tilespmem:s24], [sflag:$0x1] =	stream.indirect.gather [hbm4b:s22+s28], $0x1, s7, s28, $0xb8;
	[tilespmem:$0x4A40] =	vst v63  }
0x8c: {  	s25 =	simm.s32 $0x2980  }
0x8d: {  	[tilespmem:s25], [sflag:$0x1] =	stream.indirect.gather [hbm4b:s22+s28], $0x1, s8, s28, $0xb8;
	[tilespmem:$0x4A40] =	vst v63  }
0x8e: {  	s6 =	simm.s32 $0x2400  }
0x8f: {  	[tilespmem:s6], [sflag:$0x1] =	stream.indirect.gather [hbm4b:s22+s28], $0x1, s9, s28, $0xb8;
	[tilespmem:$0x4A40] =	vst v63  }
0x90: {  	s4 =	simm.s32 $0x2A00  }
0x91: {  	[tilespmem:s4], [sflag:$0x1] =	stream.indirect.gather [hbm4b:s22+s28], $0x1, s10, s28, $0xb8;
	[tilespmem:$0x4A40] =	vst v63  }
0x92: {  	s5 =	simm.s32 $0x2480  }
0x93: {  	[tilespmem:s5], [sflag:$0x1] =	stream.indirect.gather [hbm4b:s22+s28], $0x1, s29, s28, $0xb8;
	[tilespmem:$0x4A40] =	vst v63  }
0x94: {  	s7 =	simm.s32 $0x2A80  }
0x95: {  	[tilespmem:s7], [sflag:$0x1] =	stream.indirect.gather [hbm4b:s22+s28], $0x1, s11, s28, $0xb8;
	[tilespmem:$0x4A40] =	vst v63  }
0x96: {  	s8 =	simm.s32 $0x2500  }
0x97: {  	[tilespmem:s8], [sflag:$0x1] =	stream.indirect.gather [hbm4b:s22+s28], $0x1, s31, s28, $0xb8;
	[tilespmem:$0x4A40] =	vst v63  }
0x98: {  	s9 =	simm.s32 $0x2B00  }
0x99: {  	[tilespmem:s9], [sflag:$0x1] =	stream.indirect.gather [hbm4b:s22+s28], $0x1, s12, s28, $0xb8;
	[tilespmem:$0x4A40] =	vst v63  }
0x9a: {  	s10 =	simm.s32 $0x2580  }
0x9b: {  	[tilespmem:s10], [sflag:$0x1] =	stream.indirect.gather [hbm4b:s22+s28], $0x1, s13, s28, $0xb8;
	[tilespmem:$0x4A40] =	vst v63  }
0x9c: {  	s11 =	simm.s32 $0x2B80  }
0x9d: {  	[tilespmem:s11], [sflag:$0x1] =	stream.indirect.gather [hbm4b:s22+s28], $0x1, s2, s28, $0xb8;
	[tilespmem:$0x4A40] =	vst v63  }
0x9e: {  	s2 =	simm.s32 $0x2600  }
0x9f: {  	[tilespmem:s2], [sflag:$0x1] =	stream.indirect.gather [hbm4b:s22+s28], $0x1, s14, s28, $0xb8;
	[tilespmem:$0x4A40] =	vst v63  }
0xa0: {  	s12 =	simm.s32 $0x2C00  }
0xa1: {  	[tilespmem:s12], [sflag:$0x1] =	stream.indirect.gather [hbm4b:s22+s28], $0x1, s15, s28, $0xb8;
	[tilespmem:$0x4A40] =	vst v63  }
0xa2: {  	s13 =	simm.s32 $0x2680  }
0xa3: {  	[tilespmem:s13], [sflag:$0x1] =	stream.indirect.gather [hbm4b:s22+s28], $0x1, s0, s28, $0xb8;
	[tilespmem:$0x4A40] =	vst v63  }
0xa4: {  	s14 =	simm.s32 $0x2C80  }
0xa5: {  	[tilespmem:s14], [sflag:$0x1] =	stream.indirect.gather [hbm4b:s22+s28], $0x1, s16, s28, $0xb8;
	[tilespmem:$0x4A40] =	vst v63  }
0xa6: {  	s15 =	simm.s32 $0x2700  }
0xa7: {  	[tilespmem:s15], [sflag:$0x1] =	stream.indirect.gather [hbm4b:s22+s28], $0x1, s17, s28, $0xb8;
	[tilespmem:$0x4A40] =	vst v63  }
0xa8: {  	s16 =	simm.s32 $0x2D00  }
0xa9: {  	[tilespmem:s16], [sflag:$0x1] =	stream.indirect.gather [hbm4b:s22+s28], $0x1, s30, s28, $0xb8;
	[tilespmem:$0x4A40] =	vst v63  }
0xaa: {  	s17 =	simm.s32 $0x2780  }
0xab: {  	[tilespmem:s17], [sflag:$0x1] =	stream.indirect.gather [hbm4b:s22+s28], $0x1, s18, s28, $0xb8;
	[tilespmem:$0x4A40] =	vst v63  }
0xac: {  	s21 =	simm.s32 $0x2D80  }
0xad: {  	[tilespmem:s21], [sflag:$0x1] =	stream.indirect.gather [hbm4b:s22+s28], $0x1, s19, s28, $0xb8;
	[tilespmem:$0x4A40] =	vst v63  }
0xae: {  	s24 =	simm.s32 $0x10;
	s25 =	simm.s32 $0x4210;
	s29 =	simm.s32 $0x4220  }
0xaf: {  	[tilespmem:s29], [sflag:$0x1] =	stream.indirect.gather [hbm4b:s22+s24], $0x1, s25, s24, $0xb8;
	[tilespmem:$0x4A40] =	vst v63  }
0xb0: {  	s4 =	simm.s32 $0x0;
	s31 =	simm.s32 $0x2E00;
	s30 =	rddreg [dreg:$0x7]  }
0xb1: {  	[tilespmem:s31], [sflag:$0x1] =	stream.linear.gather [hbm4b:s30+s4], $0x200, $0x38;
	[tilespmem:$0x4A40] =	vst v63  }
0xb2: {  	s1 =	simm.s32 $0x3C00;
	s0 =	rddreg [dreg:$0x8]  }
0xb3: {  	[tilespmem:s1], [sflag:$0x1] =	stream.linear.gather [hbm4b:s0+s4], $0x200, $0x38;
	[tilespmem:$0x4A40] =	vst v63  }
0xb4: {  	s7 =	rddreg [dreg:$0x9];
	s8 =	simm.s32 $0x3000  }
0xb5: {  	[tilespmem:s8], [sflag:$0x1] =	stream.linear.gather [hbm4b:s7+s4], $0x200, $0x38;
	[tilespmem:$0x4A40] =	vst v63  }
0xb6: {  	s9 =	rddreg [dreg:$0xa];
	s10 =	simm.s32 $0x3E00  }
0xb7: {  	[tilespmem:s10], [sflag:$0x1] =	stream.linear.gather [hbm4b:s9+s4], $0x200, $0x38;
	[tilespmem:$0x4A40] =	vst v63  }
0xb8: {  	s11 =	rddreg [dreg:$0xb];
	s12 =	simm.s32 $0x3200  }
0xb9: {  	[tilespmem:s12], [sflag:$0x1] =	stream.linear.gather [hbm4b:s11+s4], $0x200, $0x38;
	[tilespmem:$0x4A40] =	vst v63  }
0xba: {  	s13 =	rddreg [dreg:$0xc];
	s14 =	simm.s32 $0x4000  }
0xbb: {  	[tilespmem:s14], [sflag:$0x1] =	stream.linear.gather [hbm4b:s13+s4], $0x200, $0x38;
	[tilespmem:$0x4A40] =	vst v63  }
0xbc: {  	s15 =	rddreg [dreg:$0xd];
	s16 =	simm.s32 $0x3400  }
0xbd: {  	[tilespmem:s16], [sflag:$0x1] =	stream.linear.gather [hbm4b:s15+s4], $0x200, $0x38;
	[tilespmem:$0x4A40] =	vst v63  }
0xbe: {  	s17 =	rddreg [dreg:$0xe];
	s18 =	simm.s32 $0x3600  }
0xbf: {  	[tilespmem:s18], [sflag:$0x1] =	stream.linear.gather [hbm4b:s17+s4], $0x200, $0x38;
	[tilespmem:$0x4A40] =	vst v63  }
0xc0: {  	s19 =	rddreg [dreg:$0xf];
	s21 =	simm.s32 $0x3800  }
0xc1: {  	[tilespmem:s21], [sflag:$0x1] =	stream.linear.gather [hbm4b:s19+s4], $0x200, $0x38;
	[tilespmem:$0x4A40] =	vst v63  }
0xc2: {  	s24 =	rddreg [dreg:$0x10];
	s25 =	simm.s32 $0x3A00  }
0xc3: {  	[tilespmem:s25], [sflag:$0x1] =	stream.linear.gather [hbm4b:s24+s4], $0x200, $0x38;
	[tilespmem:$0x4A40] =	vst v63  }
0xc4: {  	s29 =	rddreg [dreg:$0x5];
	s30 =	simm.s32 $0x4200  }
0xc5: {  	[tilespmem:s30], [sflag:$0x1] =	stream.linear.gather [hbm4b:s29+s4], $0x10, $0x38;
	[tilespmem:$0x4A40] =	vst v63  }
0xc6: {  	_ =	swait.ge [sflag:s3], $0x80  }
0xc7: {  	[sflag:s3] =	ssyncset.done $0x0  }
0xc8: {  	[sflag:s3] =	ssyncadd.s32 $0xFFFFFF80  }
0xc9: {  	_ =	swait.ge [sflag:s3], $0x80  }
0xca: {  	[sflag:s3] =	ssyncset.done $0x0  }
0xcb: {  	[sflag:s3] =	ssyncadd.s32 $0xFFFFFF80  }
0xcc: {  	_ =	swait.ge [sflag:s3], $0x80  }
0xcd: {  	[sflag:s3] =	ssyncset.done $0x0  }
0xce: {  	[sflag:s3] =	ssyncadd.s32 $0xFFFFFF80  }
0xcf: {  	_ =	swait.ge [sflag:s3], $0x80  }
0xd0: {  	[sflag:s3] =	ssyncset.done $0x0  }
0xd1: {  	[sflag:s3] =	ssyncadd.s32 $0xFFFFFF80  }
0xd2: {  	_ =	swait.ge [sflag:s3], $0x80  }
0xd3: {  	[sflag:s3] =	ssyncset.done $0x0  }
0xd4: {  	[sflag:s3] =	ssyncadd.s32 $0xFFFFFF80  }
0xd5: {  	_ =	swait.ge [sflag:s3], $0x80  }
0xd6: {  	[sflag:s3] =	ssyncset.done $0x0  }
0xd7: {  	[sflag:s3] =	ssyncadd.s32 $0xFFFFFF80  }
0xd8: {  	_ =	swait.ge [sflag:s3], $0x80  }
0xd9: {  	[sflag:s3] =	ssyncset.done $0x0  }
0xda: {  	[sflag:s3] =	ssyncadd.s32 $0xFFFFFF80  }
0xdb: {  	_ =	swait.ge [sflag:s3], $0x80  }
0xdc: {  	[sflag:s3] =	ssyncset.done $0x0  }
0xdd: {  	[sflag:s3] =	ssyncadd.s32 $0xFFFFFF80  }
0xde: {  	_ =	swait.ge [sflag:s3], $0x80  }
0xdf: {  	[sflag:s3] =	ssyncset.done $0x0  }
0xe0: {  	[sflag:s3] =	ssyncadd.s32 $0xFFFFFF80  }
0xe1: {  	_ =	swait.ge [sflag:s3], $0x80  }
0xe2: {  	[sflag:s3] =	ssyncset.done $0x0  }
0xe3: {  	[sflag:s3] =	ssyncadd.s32 $0xFFFFFF80  }
0xe4: {  	_ =	swait.ge [sflag:s3], $0x80  }
0xe5: {  	[sflag:s3] =	ssyncset.done $0x0  }
0xe6: {  	[sflag:s3] =	ssyncadd.s32 $0xFFFFFF80  }
0xe7: {  	_ =	swait.ge [sflag:s3], $0x80  }
0xe8: {  	[sflag:s3] =	ssyncset.done $0x0  }
0xe9: {  	[sflag:s3] =	ssyncadd.s32 $0xFFFFFF80  }
0xea: {  	_ =	swait.ge [sflag:s3], $0x80  }
0xeb: {  	[sflag:s3] =	ssyncset.done $0x0  }
0xec: {  	[sflag:s3] =	ssyncadd.s32 $0xFFFFFF80  }
0xed: {  	_ =	swait.ge [sflag:s3], $0x80  }
0xee: {  	[sflag:s3] =	ssyncset.done $0x0  }
0xef: {  	[sflag:s3] =	ssyncadd.s32 $0xFFFFFF80  }
0xf0: {  	_ =	swait.ge [sflag:s3], $0x80  }
0xf1: {  	[sflag:s3] =	ssyncset.done $0x0  }
0xf2: {  	[sflag:s3] =	ssyncadd.s32 $0xFFFFFF80  }
0xf3: {  	_ =	swait.ge [sflag:s3], $0x80  }
0xf4: {  	[sflag:s3] =	ssyncset.done $0x0  }
0xf5: {  	[sflag:s3] =	ssyncadd.s32 $0xFFFFFF80  }
0xf6: {  	_ =	swait.ge [sflag:s3], $0x80  }
0xf7: {  	[sflag:s3] =	ssyncset.done $0x0  }
0xf8: {  	[sflag:s3] =	ssyncadd.s32 $0xFFFFFF80  }
0xf9: {  	_ =	swait.ge [sflag:s3], $0x80  }
0xfa: {  	[sflag:s3] =	ssyncset.done $0x0  }
0xfb: {  	[sflag:s3] =	ssyncadd.s32 $0xFFFFFF80  }
0xfc: {  	_ =	swait.ge [sflag:s3], $0x80  }
0xfd: {  	[sflag:s3] =	ssyncset.done $0x0  }
0xfe: {  	[sflag:s3] =	ssyncadd.s32 $0xFFFFFF80  }
0xff: {  	_ =	swait.ge [sflag:s3], $0x80  }
0x100: {  	[sflag:s3] =	ssyncset.done $0x0  }
0x101: {  	[sflag:s3] =	ssyncadd.s32 $0xFFFFFF80  }
0x102: {  	_ =	swait.ge [sflag:s3], $0x80  }
0x103: {  	[sflag:s3] =	ssyncset.done $0x0  }
0x104: {  	[sflag:s3] =	ssyncadd.s32 $0xFFFFFF80  }
0x105: {  	_ =	swait.ge [sflag:s3], $0x80  }
0x106: {  	[sflag:s3] =	ssyncset.done $0x0  }
0x107: {  	[sflag:s3] =	ssyncadd.s32 $0xFFFFFF80  }
0x108: {  	_ =	swait.ge [sflag:s3], $0x80  }
0x109: {  	[sflag:s3] =	ssyncset.done $0x0  }
0x10a: {  	[sflag:s3] =	ssyncadd.s32 $0xFFFFFF80  }
0x10b: {  	_ =	swait.ge [sflag:s3], $0x80  }
0x10c: {  	[sflag:s3] =	ssyncset.done $0x0  }
0x10d: {  	[sflag:s3] =	ssyncadd.s32 $0xFFFFFF80  }
0x10e: {  	_ =	swait.ge [sflag:s3], $0x80  }
0x10f: {  	[sflag:s3] =	ssyncset.done $0x0  }
0x110: {  	[sflag:s3] =	ssyncadd.s32 $0xFFFFFF80  }
0x111: {  	_ =	swait.ge [sflag:s3], $0x80  }
0x112: {  	[sflag:s3] =	ssyncset.done $0x0  }
0x113: {  	[sflag:s3] =	ssyncadd.s32 $0xFFFFFF80  }
0x114: {  	_ =	swait.ge [sflag:s3], $0x80  }
0x115: {  	[sflag:s3] =	ssyncset.done $0x0  }
0x116: {  	[sflag:s3] =	ssyncadd.s32 $0xFFFFFF80  }
0x117: {  	_ =	swait.ge [sflag:s3], $0x80  }
0x118: {  	[sflag:s3] =	ssyncset.done $0x0  }
0x119: {  	[sflag:s3] =	ssyncadd.s32 $0xFFFFFF80  }
0x11a: {  	_ =	swait.ge [sflag:s3], $0x80  }
0x11b: {  	[sflag:s3] =	ssyncset.done $0x0  }
0x11c: {  	[sflag:s3] =	ssyncadd.s32 $0xFFFFFF80  }
0x11d: {  	_ =	swait.ge [sflag:s3], $0x80  }
0x11e: {  	[sflag:s3] =	ssyncset.done $0x0  }
0x11f: {  	[sflag:s3] =	ssyncadd.s32 $0xFFFFFF80  }
0x120: {  	_ =	swait.ge [sflag:s3], $0x80  }
0x121: {  	[sflag:s3] =	ssyncset.done $0x0  }
0x122: {  	[sflag:s3] =	ssyncadd.s32 $0xFFFFFF80  }
0x123: {  	_ =	swait.ge [sflag:s3], $0x80  }
0x124: {  	[sflag:s3] =	ssyncset.done $0x0  }
0x125: {  	[sflag:s3] =	ssyncadd.s32 $0xFFFFFF80  }
0x126: {  	_ =	swait.ge [sflag:s3], $0x80  }
0x127: {  	[sflag:s3] =	ssyncset.done $0x0  }
0x128: {  	[sflag:s3] =	ssyncadd.s32 $0xFFFFFF80  }
0x129: {  	_ =	swait.ge [sflag:s3], $0x80  }
0x12a: {  	[sflag:s3] =	ssyncset.done $0x0  }
0x12b: {  	[sflag:s3] =	ssyncadd.s32 $0xFFFFFF80  }
0x12c: {  	_ =	swait.ge [sflag:s3], $0x80  }
0x12d: {  	[sflag:s3] =	ssyncset.done $0x0  }
0x12e: {  	[sflag:s3] =	ssyncadd.s32 $0xFFFFFF80  }
0x12f: {  	_ =	swait.ge [sflag:s3], $0x80  }
0x130: {  	[sflag:s3] =	ssyncset.done $0x0  }
0x131: {  	[sflag:s3] =	ssyncadd.s32 $0xFFFFFF80  }
0x132: {  	_ =	swait.ge [sflag:s3], $0x80  }
0x133: {  	[sflag:s3] =	ssyncset.done $0x0  }
0x134: {  	[sflag:s3] =	ssyncadd.s32 $0xFFFFFF80  }
0x135: {  	_ =	swait.ge [sflag:s3], $0x80  }
0x136: {  	[sflag:s3] =	ssyncset.done $0x0  }
0x137: {  	[sflag:s3] =	ssyncadd.s32 $0xFFFFFF80  }
0x138: {  	_ =	swait.ge [sflag:s3], $0x80  }
0x139: {  	[sflag:s3] =	ssyncset.done $0x0  }
0x13a: {  	[sflag:s3] =	ssyncadd.s32 $0xFFFFFF80  }
0x13b: {  	_ =	swait.ge [sflag:s3], $0x80  }
0x13c: {  	[sflag:s3] =	ssyncset.done $0x0  }
0x13d: {  	[sflag:s3] =	ssyncadd.s32 $0xFFFFFF80  }
0x13e: {  	_ =	swait.ge [sflag:s3], $0x80  }
0x13f: {  	[sflag:s3] =	ssyncset.done $0x0  }
0x140: {  	[sflag:s3] =	ssyncadd.s32 $0xFFFFFF80  }
0x141: {  	_ =	swait.ge [sflag:s3], $0x80  }
0x142: {  	[sflag:s3] =	ssyncset.done $0x0  }
0x143: {  	[sflag:s3] =	ssyncadd.s32 $0xFFFFFF80  }
0x144: {  	_ =	swait.ge [sflag:s3], $0x80  }
0x145: {  	[sflag:s3] =	ssyncset.done $0x0  }
0x146: {  	[sflag:s3] =	ssyncadd.s32 $0xFFFFFF80  }
0x147: {  	_ =	swait.ge [sflag:s3], $0x80  }
0x148: {  	[sflag:s3] =	ssyncset.done $0x0  }
0x149: {  	[sflag:s3] =	ssyncadd.s32 $0xFFFFFF80  }
0x14a: {  	_ =	swait.ge [sflag:s3], $0x80  }
0x14b: {  	[sflag:s3] =	ssyncset.done $0x0  }
0x14c: {  	[sflag:s3] =	ssyncadd.s32 $0xFFFFFF80  }
0x14d: {  	_ =	swait.ge [sflag:s3], $0x80  }
0x14e: {  	[sflag:s3] =	ssyncset.done $0x0  }
0x14f: {  	[sflag:s3] =	ssyncadd.s32 $0xFFFFFF80  }
0x150: {  	_ =	swait.ge [sflag:s3], $0x80  }
0x151: {  	[sflag:s3] =	ssyncset.done $0x0  }
0x152: {  	[sflag:s3] =	ssyncadd.s32 $0xFFFFFF80  }
0x153: {  	_ =	swait.ge [sflag:s3], $0x80  }
0x154: {  	[sflag:s3] =	ssyncset.done $0x0  }
0x155: {  	[sflag:s3] =	ssyncadd.s32 $0xFFFFFF80  }
0x156: {  	_ =	swait.ge [sflag:s3], $0x80  }
0x157: {  	[sflag:s3] =	ssyncset.done $0x0  }
0x158: {  	[sflag:s3] =	ssyncadd.s32 $0xFFFFFF80  }
0x159: {  	_ =	swait.ge [sflag:s3], $0x80  }
0x15a: {  	[sflag:s3] =	ssyncset.done $0x0  }
0x15b: {  	[sflag:s3] =	ssyncadd.s32 $0xFFFFFF80  }
0x15c: {  	_ =	swait.ge [sflag:s3], $0x80  }
0x15d: {  	[sflag:s3] =	ssyncset.done $0x0  }
0x15e: {  	[sflag:s3] =	ssyncadd.s32 $0xFFFFFF80  }
0x15f: {  	_ =	swait.ge [sflag:s3], $0x80  }
0x160: {  	[sflag:s3] =	ssyncset.done $0x0  }
0x161: {  	[sflag:s3] =	ssyncadd.s32 $0xFFFFFF80  }
0x162: {  	_ =	swait.ge [sflag:s3], $0x80  }
0x163: {  	[sflag:s3] =	ssyncset.done $0x0  }
0x164: {  	[sflag:s3] =	ssyncadd.s32 $0xFFFFFF80  }
0x165: {  	_ =	swait.ge [sflag:s3], $0x80  }
0x166: {  	[sflag:s3] =	ssyncset.done $0x0  }
0x167: {  	[sflag:s3] =	ssyncadd.s32 $0xFFFFFF80  }
0x168: {  	_ =	swait.ge [sflag:s3], $0x80  }
0x169: {  	[sflag:s3] =	ssyncset.done $0x0  }
0x16a: {  	[sflag:s3] =	ssyncadd.s32 $0xFFFFFF80  }
0x16b: {  	_ =	swait.ge [sflag:s3], $0x80  }
0x16c: {  	[sflag:s3] =	ssyncset.done $0x0  }
0x16d: {  	[sflag:s3] =	ssyncadd.s32 $0xFFFFFF80  }
0x16e: {  	_ =	swait.ge [sflag:s3], $0x10  }
0x16f: {  	[sflag:s3] =	ssyncset.done $0x0  }
0x170: {  	[sflag:s3] =	ssyncadd.s32 $0xFFFFFFF0  }
0x171: {  	_ =	swait.ge [sflag:s3], $0x200  }
0x172: {  	[sflag:s3] =	ssyncset.done $0x0  }
0x173: {  	[sflag:s3] =	ssyncadd.s32 $0xFFFFFE00  }
0x174: {  	_ =	swait.ge [sflag:s3], $0x200  }
0x175: {  	[sflag:s3] =	ssyncset.done $0x0  }
0x176: {  	[sflag:s3] =	ssyncadd.s32 $0xFFFFFE00  }
0x177: {  	_ =	swait.ge [sflag:s3], $0x200  }
0x178: {  	[sflag:s3] =	ssyncset.done $0x0  }
0x179: {  	[sflag:s3] =	ssyncadd.s32 $0xFFFFFE00  }
0x17a: {  	_ =	swait.ge [sflag:s3], $0x200  }
0x17b: {  	[sflag:s3] =	ssyncset.done $0x0  }
0x17c: {  	[sflag:s3] =	ssyncadd.s32 $0xFFFFFE00  }
0x17d: {  	_ =	swait.ge [sflag:s3], $0x200  }
0x17e: {  	[sflag:s3] =	ssyncset.done $0x0  }
0x17f: {  	[sflag:s3] =	ssyncadd.s32 $0xFFFFFE00  }
0x180: {  	_ =	swait.ge [sflag:s3], $0x200  }
0x181: {  	[sflag:s3] =	ssyncset.done $0x0  }
0x182: {  	[sflag:s3] =	ssyncadd.s32 $0xFFFFFE00  }
0x183: {  	_ =	swait.ge [sflag:s3], $0x200  }
0x184: {  	[sflag:s3] =	ssyncset.done $0x0  }
0x185: {  	[sflag:s3] =	ssyncadd.s32 $0xFFFFFE00  }
0x186: {  	_ =	swait.ge [sflag:s3], $0x200  }
0x187: {  	[sflag:s3] =	ssyncset.done $0x0  }
0x188: {  	[sflag:s3] =	ssyncadd.s32 $0xFFFFFE00  }
0x189: {  	_ =	swait.ge [sflag:s3], $0x200  }
0x18a: {  	[sflag:s3] =	ssyncset.done $0x0  }
0x18b: {  	[sflag:s3] =	ssyncadd.s32 $0xFFFFFE00  }
0x18c: {  	_ =	swait.ge [sflag:s3], $0x200  }
0x18d: {  	[sflag:s3] =	ssyncset.done $0x0  }
0x18e: {  	[sflag:s3] =	ssyncadd.s32 $0xFFFFFE00  }
0x18f: {  	_ =	swait.ge [sflag:s3], $0x10  }
0x190: {  	[sflag:s3] =	ssyncset.done $0x0  }
0x191: {  	s31 =	simm.s32 $0x0;
	[sflag:s3] =	ssyncadd.s32 $0xFFFFFFF0  }
0x192: {  	v9 =	vld [tilespmem:s31+$0x1A00]  }
0x193: {  	v53 =	vld [tilespmem:s31+$0x1400]  }
0x194: {  	v54 =	vld [tilespmem:s31+$0x1200]  }
0x195: {  	v55 =	vld [tilespmem:s31+$0x1600]  }
0x196: {  	v56 =	vld [tilespmem:s31+$0x1C00]  }
0x197: {  	v7 =	vld [tilespmem:s31+$0x1800]  }
0x198: {  	v57 =	vld [tilespmem:s31+$0x1E00]  }
0x199: {  	v58 =	vmul.f32 v53, v53;
	v8 =	vmul.f32 v54, v54  }
0x19a: {  	v22 =	vld [tilespmem:s31+$0x2000];
	v10 =	vmul.f32 v9, v9  }
0x19b: {  	v11 =	vmul.f32 v56, v56;
	v12 =	vmul.f32 v55, v55;
	v1 =	vadd.f32 v58, v8  }
0x19c: {  	v13 =	vmul.f32 v7, v7  }
0x19d: {  	v8 =	vmul.f32 v57, v57;
	v10 =	vadd.f32 v11, v10;
	v1 =	vadd.f32 v12, v1;
	_ =	sdelay $0x1  }
0x19e: {  	v11 =	vmul.f32 v22, v22;
	v8 =	vadd.f32 v8, v10;
	v1 =	vadd.f32 v13, v1;
	_ =	sdelay $0x1  }
0x19f: {  	v8 =	vadd.f32 v11, v8;
	v10 =	vshra.s32 v1, $0x1;
	v1 =	vmul.f32 $5.000000000e-01, v1  }
0x1a0: {  	v12 =	vsub.s32 $0x5F3759DF, v10  }
0x1a1: {  	v13 =	vmul.f32 $5.000000000e-01, v8;
	v10 =	vshra.s32 v8, $0x1;
	v8 =	vmul.f32 v12, v1  }
0x1a2: {  	v11 =	vld [tilespmem:s31+$0x3E00];
	v14 =	vsub.s32 $0x5F3759DF, v10  }
0x1a3: {  	v10 =	vld [tilespmem:s31+$0x3C00];
	v15 =	vmul.f32 v14, v13;
	v16 =	vmul.f32 v12, v8;
	_ =	sdelay $0x1  }
0x1a4: {  	v8 =	vld [tilespmem:s31+$0x4000];
	v15 =	vmul.f32 v14, v15;
	v16 =	vsub.f32 $1.500000000e+00, v16;
	_ =	sdelay $0x1  }
0x1a5: {  	v15 =	vsub.f32 $1.500000000e+00, v15;
	v12 =	vmul.f32 v12, v16  }
0x1a6: {  	v17 =	vmul.f32 v11, v11;
	v16 =	vmul.f32 v10, v10  }
0x1a7: {  	v14 =	vmul.f32 v14, v15;
	v15 =	vmul.f32 v12, v1  }
0x1a8: {  	v18 =	vmul.f32 v8, v8;
	v16 =	vadd.f32 v17, v16  }
0x1a9: {  	v17 =	vmul.f32 v14, v13;
	v15 =	vmul.f32 v15, v12  }
0x1aa: {  	v16 =	vadd.f32 v18, v16  }
0x1ab: {  	v17 =	vmul.f32 v17, v14;
	v15 =	vsub.f32 $1.500000000e+00, v15  }
0x1ac: {  	v18 =	vshra.s32 v16, $0x1;
	v16 =	vmul.f32 $5.000000000e-01, v16  }
0x1ad: {  	v18 =	vsub.s32 $0x5F3759DF, v18;
	v17 =	vsub.f32 $1.500000000e+00, v17;
	v12 =	vmul.f32 v15, v12  }
0x1ae: {  	v15 =	vmul.f32 v18, v16  }
0x1af: {  	v14 =	vmul.f32 v17, v14;
	v1 =	vmul.f32 v12, v1  }
0x1b0: {  	v15 =	vmul.f32 v18, v15  }
0x1b1: {  	v13 =	vmul.f32 v14, v13;
	v17 =	vmul.f32 v1, v12  }
0x1b2: {  	v15 =	vsub.f32 $1.500000000e+00, v15  }
0x1b3: {  	v59 =	vld [tilespmem:$0x4200];
	v13 =	vmul.f32 v13, v14;
	v17 =	vsub.f32 $1.500000000e+00, v17  }
0x1b4: {  	v23 =	vld [tilespmem:s31+$0x3400];
	v15 =	vmul.f32 v18, v15  }
0x1b5: {  	v60 =	vld [tilespmem:s31+$0x2200];
	v13 =	vsub.f32 $1.500000000e+00, v13;
	v17 =	vmul.f32 v17, v12  }
0x1b6: {  	v18 =	vld [tilespmem:s31+$0x2800];
	v12 =	vmul.f32 v15, v16  }
0x1b7: {  	v33 =	vld [tilespmem:s31+$0x3A00];
	v24 =	vmul.f32 v13, v14;
	v20 =	vmul.f32 v17, v53  }
0x1b8: {  	v37 =	vld [tilespmem:s31+$0x3800];
	v13 =	vmul.f32 v12, v15;
	v14 =	vmul.f32 v17, v54  }
0x1b9: {  	v35 =	vld [tilespmem:s31+$0x3600];
	v29 =	vmul.f32 v17, v55;
	v17 =	vmul.f32 v17, v7  }
0x1ba: {  	v19 =	vld [tilespmem:s31+$0x2A00];
	v26 =	vmul.f32 v24, v56;
	v43 =	vmul.f32 v24, v57  }
0x1bb: {  	v21 =	vld [tilespmem:s31+$0x2400];
	v56 =	vsub.f32 v60, v18;
	v9 =	vmul.f32 v24, v9;
	v22 =	vmul.f32 v24, v22;
	[tilespmem:s31+$0x4430] =	vst v20  }
0x1bc: {  	v34 =	vadd.f32 v20, v20;
	[tilespmem:s31+$0x4230] =	vst v14;
	v36 =	vmul.f32 v26, v23;
	v45 =	vmul.f32 v43, v33  }
0x1bd: {  	v3 =	vadd.f32 v14, v14;
	[tilespmem:s31+$0x4630] =	vst v29;
	v48 =	vmul.f32 v43, v37;
	v52 =	vmul.f32 v43, v23  }
0x1be: {  	s21 =	simm.s32 $0x10;
	v61 =	vsub.f32 $1.500000000e+00, v13;
	[tilespmem:s31+$0x4830] =	vst v17;
	v13 =	vld [tilespmem:s31+$0x2E00];
	v55 =	vmul.f32 v9, v37;
	v2 =	vmul.f32 v26, v35  }
0x1bf: {  	v38 =	vadd.f32 v29, v29;
	v1 =	vld [tilespmem:s21+$0x2000];
	[tilespmem:$0x1FFB0] =	vst v56;
	v56 =	vmul.f32 v22, v33;
	v62 =	vmul.f32 v34, v20  }
0x1c0: {  	v21 =	vsub.f32 v21, v19;
	v19 =	vld [tilespmem:s21+$0x1E00];
	v31 =	vmul.f32 v3, v17;
	v63 =	vmul.f32 v3, v14  }
0x1c1: {  	v7 =	vld [tilespmem:s21+$0x1A00];
	v4 =	vmul.f32 v61, v15;
	v32 =	vmul.f32 v38, v20  }
0x1c2: {  	v27 =	vld [tilespmem:s21+$0x1C00];
	v39 =	vmul.f32 v34, v14;
	v44 =	vmul.f32 v38, v17  }
0x1c3: {  	v30 =	vld [tilespmem:s21+$0x1400];
	v40 =	vmul.f32 v38, v29;
	v38 =	vmul.f32 v38, v14  }
0x1c4: {  	v58 =	vld [tilespmem:s21+$0x3C00];
	v25 =	vmul.f32 v4, v16;
	v18 =	vadd.f32 v31, v32;
	v0 =	vadd.f32 v44, v39  }
0x1c5: {  	v60 =	vld [tilespmem:s21+$0x3E00];
	v49 =	vsub.f32 v32, v31;
	v32 =	vsub.f32 v39, v44;
	v39 =	vmul.f32 v43, v35  }
0x1c6: {  	v15 =	vld [tilespmem:s21+$0x1800];
	v41 =	vsub.f32 $1.000000000e+00, v63;
	v57 =	vmul.f32 v25, v4;
	v50 =	vmul.f32 v19, v19  }
0x1c7: {  	[tilespmem:$0x1FFA0] =	vst v59;
	v12 =	vld [tilespmem:s31+$0x3000];
	v42 =	vsub.f32 $1.000000000e+00, v62;
	v51 =	vmul.f32 v0, v13;
	v59 =	vmul.f32 v7, v7  }
0x1c8: {  	v31 =	vld [tilespmem:s21+$0x1200];
	v16 =	vsub.f32 v41, v40;
	v53 =	vmul.f32 v27, v27;
	v61 =	vmul.f32 v30, v30  }
0x1c9: {  	v25 =	vld [tilespmem:s21+$0x1600];
	v41 =	vsub.f32 v41, v62;
	v3 =	vmul.f32 v1, v1;
	v5 =	vmul.f32 v58, v58  }
0x1ca: {  	v40 =	vsub.f32 v42, v40;
	[tilespmem:$0x1FFC0] =	vst v7;
	v62 =	vld [tilespmem:s21+$0x4000];
	v54 =	vmul.f32 v60, v60;
	v7 =	vmul.f32 v22, v23  }
0x1cb: {  	v23 =	vmul.f32 v9, v23;
	v24 =	vmul.f32 v15, v15;
	v47 =	vsub.f32 $1.500000000e+00, v57  }
0x1cc: {  	v46 =	vmul.f32 v16, v12;
	v42 =	vadd.f32 v53, v59;
	v53 =	vmul.f32 v18, v12  }
0x1cd: {  	v23 =	vsub.f32 v56, v23;
	v63 =	vmul.f32 v31, v31;
	v47 =	vmul.f32 v47, v4  }
0x1ce: {  	v43 =	vadd.f32 v46, v51;
	v42 =	vadd.f32 v50, v42;
	v51 =	vmul.f32 v34, v17  }
0x1cf: {  	v50 =	vadd.f32 v54, v5;
	v4 =	vmul.f32 v25, v25;
	v6 =	vmul.f32 v62, v62  }
0x1d0: {  	v44 =	vadd.f32 v61, v63;
	v61 =	vmul.f32 v9, v35;
	v35 =	vmul.f32 v22, v35  }
0x1d1: {  	v22 =	vmul.f32 v22, v37;
	v37 =	vmul.f32 v26, v37;
	v42 =	vadd.f32 v3, v42  }
0x1d2: {  	v26 =	vmul.f32 v26, v33;
	v44 =	vadd.f32 v4, v44;
	v46 =	vadd.f32 v6, v50  }
0x1d3: {  	v11 =	vmul.f32 v47, v11;
	v22 =	vadd.f32 v61, v22;
	v61 =	vsub.f32 v23, v2  }
0x1d4: {  	v23 =	vsub.f32 v35, v55;
	v63 =	vshra.s32 v42, $0x1;
	v42 =	vmul.f32 $5.000000000e-01, v42  }
0x1d5: {  	[tilespmem:$0x1FFD0] =	vst v1;
	v55 =	vmul.f32 v40, v13;
	v24 =	vadd.f32 v24, v44;
	v1 =	vsub.s32 $0x5F3759DF, v63  }
0x1d6: {  	v22 =	vsub.f32 v22, v36;
	v23 =	vadd.f32 v23, v26;
	v54 =	vmul.f32 v1, v42  }
0x1d7: {  	[tilespmem:$0x1FFE0] =	vst v58;
	v57 =	vshra.s32 v24, $0x1;
	v58 =	vmul.f32 $5.000000000e-01, v24;
	v24 =	vmul.f32 v9, v33  }
0x1d8: {  	v22 =	vadd.f32 v22, v45;
	v57 =	vsub.s32 $0x5F3759DF, v57;
	v54 =	vmul.f32 v1, v54  }
0x1d9: {  	v9 =	vld [tilespmem:s31+$0x3200];
	v23 =	vadd.f32 v23, v52;
	v52 =	vmul.f32 v47, v10;
	v3 =	vmul.f32 v57, v58  }
0x1da: {  	v16 =	vmul.f32 v11, v16;
	v24 =	vadd.f32 v24, v7;
	v54 =	vsub.f32 $1.500000000e+00, v54  }
0x1db: {  	v22 =	vsub.f32 v22, v29;
	v36 =	vmul.f32 v52, v40;
	v4 =	vmul.f32 v57, v3  }
0x1dc: {  	v0 =	vmul.f32 v52, v0;
	v5 =	vadd.f32 v24, v37;
	v44 =	vmul.f32 v1, v54  }
0x1dd: {  	v45 =	vld [tilespmem:s31+$0x2C00];
	v24 =	vmul.f32 $5.000000000e-01, v46;
	v1 =	vshra.s32 v46, $0x1;
	v33 =	vsub.f32 $1.500000000e+00, v4  }
0x1de: {  	v54 =	vmul.f32 v41, v9;
	v46 =	vld [tilespmem:s31+$0x2600];
	v35 =	vsub.s32 $0x5F3759DF, v1;
	v26 =	vmul.f32 v44, v42  }
0x1df: {  	v34 =	vsub.f32 v5, v39;
	v3 =	vmul.f32 v35, v24;
	v33 =	vmul.f32 v57, v33  }
0x1e0: {  	v20 =	vsub.f32 v23, v20;
	v57 =	vmul.f32 v47, v8;
	v26 =	vmul.f32 v26, v44  }
0x1e1: {  	v63 =	vmul.f32 v49, v9;
	v14 =	vsub.f32 v34, v14;
	v2 =	vmul.f32 v33, v58  }
0x1e2: {  	v29 =	vmul.f32 v35, v3;
	v23 =	vmul.f32 v57, v49;
	v8 =	vsub.f32 $1.500000000e+00, v26  }
0x1e3: {  	v14 =	vmul.f32 v14, v14;
	v37 =	vsub.f32 v46, v45;
	v10 =	vmul.f32 v2, v33  }
0x1e4: {  	v46 =	vmul.f32 v11, v18;
	v4 =	vmul.f32 v8, v44;
	v8 =	vsub.f32 $1.500000000e+00, v29  }
0x1e5: {  	v29 =	vmul.f32 v22, v22;
	v44 =	vmul.f32 v20, v20;
	v26 =	vsub.f32 $1.500000000e+00, v10  }
0x1e6: {  	v22 =	vsub.f32 v61, v48;
	v48 =	vmul.f32 v57, v41;
	v20 =	vmul.f32 v4, v42  }
0x1e7: {  	v5 =	vld [tilespmem:s21+$0x2400];
	v45 =	vadd.f32 v51, v38;
	v49 =	vmul.f32 v35, v8;
	v33 =	vmul.f32 v26, v33  }
0x1e8: {  	v17 =	vsub.f32 v22, v17;
	v22 =	vadd.f32 v43, v63;
	v63 =	vmul.f32 v32, v12;
	v26 =	vld [tilespmem:s21+$0x2A00]  }
0x1e9: {  	v10 =	vimm.f32 $0.0e+00;
	v20 =	vmul.f32 v20, v4;
	v8 =	vmul.f32 v33, v58  }
0x1ea: {  	v32 =	vmul.f32 v11, v32;
	v43 =	vmul.f32 v49, v24;
	v39 =	vadd.f32 v55, v63  }
0x1eb: {  	v55 =	vmul.f32 v57, v45;
	v20 =	vsub.f32 $1.500000000e+00, v20;
	v8 =	vmul.f32 v8, v33  }
0x1ec: {  	v21 =	vsub.f32 v22, v21;
	v58 =	vmul.f32 v43, v49;
	v43 =	vmul.f32 v17, v17  }
0x1ed: {  	v61 =	vsub.f32 v5, v26;
	v34 =	vmul.f32 v20, v4;
	v59 =	vsub.f32 $1.500000000e+00, v8  }
0x1ee: {  	v26 =	vmul.f32 v21, v21;
	v40 =	vsub.f32 $1.500000000e+00, v58;
	v4 =	vadd.f32 v14, v10  }
0x1ef: {  	v22 =	vld [tilespmem:s21+$0x3400];
	v20 =	vmul.f32 v34, v27;
	v27 =	vsub.f32 v38, v51;
	v33 =	vmul.f32 v59, v33  }
0x1f0: {  	v56 =	vadd.f32 v4, v44;
	v49 =	vmul.f32 v40, v49;
	v44 =	vmul.f32 v34, v19  }
0x1f1: {  	v14 =	vmul.f32 v33, v30;
	v12 =	vmul.f32 v33, v31  }
0x1f2: {  	v50 =	vadd.f32 v16, v0;
	v13 =	vmul.f32 v27, v13;
	v30 =	vld [tilespmem:s21+$0x2800];
	v17 =	vmul.f32 v33, v25  }
0x1f3: {  	v31 =	vld [tilespmem:s21+$0x2200];
	v15 =	vmul.f32 v33, v15;
	v25 =	vadd.f32 v14, v14;
	v5 =	vadd.f32 v12, v12  }
0x1f4: {  	v19 =	vimm.f32 $0.0e+00;
	v21 =	vmul.f32 v20, v22;
	v13 =	vadd.f32 v53, v13  }
0x1f5: {  	v7 =	vadd.f32 v17, v17;
	v35 =	vmul.f32 v25, v14;
	v6 =	vmul.f32 v5, v15  }
0x1f6: {  	v16 =	vld [tilespmem:s21+$0x3000];
	v47 =	vadd.f32 v54, v13;
	v59 =	vmul.f32 v5, v12;
	v11 =	vmul.f32 v25, v15  }
0x1f7: {  	v40 =	vld [tilespmem:s21+$0x3800];
	[tilespmem:s21+$0x4430] =	vst v14;
	v54 =	vadd.f32 v32, v36;
	v63 =	vmul.f32 v7, v14;
	v51 =	vmul.f32 v25, v12  }
0x1f8: {  	v38 =	vld [tilespmem:s21+$0x3200];
	[tilespmem:s21+$0x4230] =	vst v12;
	v32 =	vmul.f32 v7, v17;
	v18 =	vmul.f32 v7, v12;
	v42 =	vsub.f32 v31, v30  }
0x1f9: {  	v33 =	vld [tilespmem:s21+$0x3A00];
	[tilespmem:s21+$0x4630] =	vst v17;
	v57 =	vmul.f32 v7, v15;
	v41 =	vsub.f32 $1.000000000e+00, v35;
	v13 =	vadd.f32 v6, v63  }
0x1fa: {  	s4 =	simm.s32 $0x80;
	[tilespmem:s21+$0x4830] =	vst v15;
	v36 =	vld [tilespmem:s21+$0x3600];
	v31 =	vmul.f32 v52, v27;
	v27 =	vsub.f32 v63, v6;
	v53 =	vsub.f32 $1.000000000e+00, v59  }
.LBB2_4:
0x1fb: {  	v30 =	vld [tilespmem:s21+$0x2E00]  }
0x1fc: {  	v7 =	vld [tilespmem:$0x1FFA0]  }
0x1fd: {  	v2 =	vld [tilespmem:$0x1FFB0];
	v46 =	vadd.f32 v46, v31;
	v31 =	vsub.f32 v53, v32  }
0x1fe: {  	s5 =	sshra.s32 s4, $0x2;
	v4 =	vld [tilespmem:$0x1FFC0];
	v24 =	vmul.f32 v49, v24;
	v29 =	vadd.f32 v56, v29;
	v23 =	vadd.f32 v50, v23  }
0x1ff: {  	[tilespmem:$0x1FF80] =	vst v60;
	v59 =	vld [tilespmem:s5+$0x2000];
	v54 =	vadd.f32 v54, v55;
	v60 =	vadd.f32 v46, v48;
	v48 =	vmul.f32 v45, v9  }
0x200: {  	v25 =	vld [tilespmem:s5+$0x1E00];
	v24 =	vmul.f32 v24, v49;
	v45 =	vadd.f32 v57, v51;
	v23 =	vmul.f32 v23, v23  }
0x201: {  	v3 =	vmovc v62;
	v62 =	vld [tilespmem:s5+$0x1A00];
	v43 =	vadd.f32 v29, v43;
	v0 =	vmul.f32 v13, v16;
	v52 =	vmul.f32 v44, v33  }
0x202: {  	v5 =	vmovc v61;
	v50 =	vld [tilespmem:s5+$0x1200];
	v54 =	vadd.f32 $-1.000000000e+00, v54;
	v61 =	vmul.f32 v31, v16;
	v56 =	vmul.f32 v44, v40  }
0x203: {  	v46 =	vld [tilespmem:s5+$0x1C00];
	v9 =	vmovc v38;
	v28 =	vmul.f32 v44, v36;
	v58 =	vadd.f32 v47, v7;
	v47 =	vsub.f32 v53, v35  }
0x204: {  	v35 =	vld [tilespmem:s5+$0x1800];
	v53 =	vsub.f32 v41, v32;
	v63 =	vadd.f32 v39, v48;
	v48 =	vmul.f32 v27, v9  }
0x205: {  	v39 =	vsub.f32 v51, v57;
	v1 =	vmul.f32 v45, v30;
	v51 =	vmovc v42;
	v42 =	vld [tilespmem:s5+$0x3E00];
	v4 =	vmul.f32 v34, v4  }
0x206: {  	v24 =	vsub.f32 $1.500000000e+00, v24;
	v54 =	vmul.f32 v54, v54;
	[tilespmem:$0x1FF90] =	vst v0;
	v29 =	vmul.f32 v62, v62;
	v6 =	vmovc v62;
	v62 =	vld [tilespmem:$0x1FFD0]  }
0x207: {  	v57 =	vld [tilespmem:s5+$0x4000];
	v0 =	vmul.f32 v25, v25;
	v63 =	vsub.f32 v63, v2;
	v2 =	vmul.f32 v44, v22;
	v44 =	vmovc v59  }
0x208: {  	v32 =	vmul.f32 v47, v38;
	v37 =	vsub.f32 v58, v37;
	v58 =	vmul.f32 v59, v44;
	v59 =	vld [tilespmem:$0x1FFE0]  }
0x209: {  	[tilespmem:$0x1FFB0] =	vst v51;
	v51 =	vld [tilespmem:s5+$0x1400];
	v38 =	vmul.f32 v53, v30;
	v49 =	vmul.f32 v24, v49  }
0x20a: {  	v24 =	vld [tilespmem:s5+$0x3C00];
	v19 =	vadd.f32 v54, v19;
	v54 =	vmul.f32 v39, v16;
	v55 =	vmul.f32 v46, v46  }
0x20b: {  	v41 =	vld [tilespmem:s5+$0x1600];
	v7 =	vmul.f32 v42, v42;
	v62 =	vmul.f32 v34, v62  }
0x20c: {  	v34 =	vadd.f32 v61, v1;
	v1 =	vmul.f32 v63, v63;
	v61 =	vmul.f32 v35, v35  }
0x20d: {  	[tilespmem:$0x1FFD0] =	vst v44;
	v63 =	vmul.f32 v57, v57;
	v44 =	vmul.f32 v49, v59  }
0x20e: {  	v1 =	vadd.f32 v1, v10;
	v10 =	vadd.f32 v55, v29;
	v29 =	vmul.f32 v60, v60  }
0x20f: {  	[tilespmem:$0x1FFC0] =	vst v6;
	v6 =	vmov v24;
	v55 =	vmul.f32 v51, v51;
	v60 =	vmul.f32 v50, v50  }
0x210: {  	v59 =	vmul.f32 v41, v41;
	v24 =	vmul.f32 v24, v6  }
0x211: {  	v1 =	vadd.f32 v1, v26;
	v26 =	vmul.f32 v37, v37;
	v55 =	vadd.f32 v55, v60  }
0x212: {  	[tilespmem:$0x1FFE0] =	vst v6;
	v60 =	vmul.f32 v4, v40;
	v6 =	vadd.f32 v7, v24;
	v24 =	vmul.f32 v62, v22  }
0x213: {  	v0 =	vadd.f32 v0, v10;
	v37 =	vmul.f32 v4, v36;
	v22 =	vmul.f32 v4, v22  }
0x214: {  	v4 =	vmul.f32 v4, v33;
	v16 =	vmul.f32 v44, v45;
	v10 =	vadd.f32 v1, v26  }
0x215: {  	v0 =	vadd.f32 v58, v0;
	v26 =	vadd.f32 v59, v55;
	v58 =	vmul.f32 v20, v36  }
0x216: {  	v1 =	vadd.f32 v63, v6;
	v59 =	vmul.f32 v20, v40;
	v63 =	vmul.f32 v62, v33  }
0x217: {  	v36 =	vmul.f32 v62, v36;
	v4 =	vadd.f32 v4, v24;
	v26 =	vadd.f32 v61, v26  }
0x218: {  	v62 =	vmul.f32 v62, v40;
	v7 =	vshra.s32 v0, $0x1;
	v0 =	vmul.f32 $5.000000000e-01, v0  }
0x219: {  	v55 =	vsub.s32 $0x5F3759DF, v7;
	v6 =	vshra.s32 v26, $0x1;
	v26 =	vmul.f32 $5.000000000e-01, v26  }
0x21a: {  	v20 =	vmul.f32 v20, v33;
	v7 =	vmul.f32 v55, v0;
	v6 =	vsub.s32 $0x5F3759DF, v6  }
0x21b: {  	v61 =	vshra.s32 v1, $0x1;
	v22 =	vsub.f32 v63, v22;
	v8 =	vmul.f32 v6, v26  }
0x21c: {  	v63 =	vadd.f32 v19, v23;
	v23 =	vadd.f32 v37, v62;
	v7 =	vmul.f32 v55, v7  }
0x21d: {  	v4 =	vadd.f32 v4, v59;
	v22 =	vsub.f32 v22, v58;
	v8 =	vmul.f32 v6, v8  }
0x21e: {  	v24 =	vmul.f32 $5.000000000e-01, v1;
	v21 =	vsub.f32 v23, v21;
	v7 =	vsub.f32 $1.500000000e+00, v7  }
0x21f: {  	v61 =	vsub.s32 $0x5F3759DF, v61;
	v4 =	vsub.f32 v4, v28;
	v8 =	vsub.f32 $1.500000000e+00, v8  }
0x220: {  	v19 =	vadd.f32 v63, v29;
	v21 =	vadd.f32 v21, v52;
	v7 =	vmul.f32 v55, v7  }
0x221: {  	v4 =	vsub.f32 v4, v12;
	v6 =	vmul.f32 v6, v8;
	v8 =	vsub.f32 v36, v60  }
0x222: {  	v29 =	vmul.f32 v61, v24;
	v17 =	vsub.f32 v21, v17;
	v40 =	vmul.f32 v7, v0  }
0x223: {  	v4 =	vmul.f32 v4, v4;
	v23 =	vmul.f32 v6, v26;
	v8 =	vadd.f32 v8, v20  }
0x224: {  	v20 =	vsub.f32 v22, v56;
	v1 =	vmul.f32 v40, v7;
	v22 =	vmul.f32 v61, v29  }
0x225: {  	v12 =	vadd.f32 v34, v48;
	v40 =	vmul.f32 v49, v3;
	v29 =	vmul.f32 v17, v17  }
0x226: {  	v23 =	vmul.f32 v23, v6;
	v2 =	vadd.f32 v8, v2;
	v1 =	vsub.f32 $1.500000000e+00, v1  }
0x227: {  	v28 =	vld [tilespmem:s21+$0x2600];
	v8 =	vmul.f32 v44, v53;
	v53 =	vsub.f32 $1.500000000e+00, v22;
	v15 =	vsub.f32 v20, v15  }
0x228: {  	v55 =	vld [tilespmem:$0x1FF80];
	v48 =	vmul.f32 v40, v47;
	v21 =	vsub.f32 $1.500000000e+00, v23;
	v23 =	vmul.f32 v40, v27  }
0x229: {  	v4 =	vadd.f32 v4, v43;
	v1 =	vmul.f32 v1, v7;
	v7 =	vmul.f32 v61, v53;
	v27 =	vld [tilespmem:s21+$0x2C00]  }
0x22a: {  	v2 =	vsub.f32 v2, v14;
	v43 =	vmul.f32 v15, v15;
	v6 =	vmul.f32 v21, v6  }
0x22b: {  	v17 =	vld [tilespmem:s5+$0x2400];
	v0 =	vmul.f32 v1, v0;
	v21 =	vmul.f32 v7, v24  }
0x22c: {  	v45 =	vadd.f32 v11, v18;
	v14 =	vld [tilespmem:s5+$0x2A00];
	v2 =	vmul.f32 v2, v2;
	v20 =	vmul.f32 v6, v26  }
0x22d: {  	v12 =	vsub.f32 v12, v5;
	v0 =	vmul.f32 v0, v1;
	v21 =	vmul.f32 v21, v7  }
0x22e: {  	v63 =	vld [tilespmem:$0x1FF90];
	s21 =	smov.u32 s5;
	v37 =	vsub.f32 v28, v27;
	v27 =	vmul.f32 v49, v55;
	v20 =	vmul.f32 v20, v6  }
0x22f: {  	v56 =	vld [tilespmem:s21+$0x2800];
	v26 =	vmul.f32 v12, v12;
	v28 =	vsub.f32 v18, v11;
	v0 =	vsub.f32 $1.500000000e+00, v0  }
0x230: {  	v18 =	vld [tilespmem:s21+$0x2200];
	v55 =	vmul.f32 v40, v45;
	v49 =	vmul.f32 v27, v39;
	v20 =	vsub.f32 $1.500000000e+00, v20  }
0x231: {  	v61 =	vsub.f32 v17, v14;
	v59 =	vmul.f32 v28, v30;
	v34 =	vmul.f32 v0, v1  }
0x232: {  	v39 =	vadd.f32 v38, v54;
	v0 =	vsub.f32 $1.500000000e+00, v21;
	v6 =	vmul.f32 v20, v6  }
0x233: {  	v22 =	vld [tilespmem:s21+$0x3400];
	v1 =	vadd.f32 v63, v59;
	v20 =	vmul.f32 v34, v46;
	v46 =	vmul.f32 v27, v13  }
0x234: {  	v54 =	vadd.f32 v49, v8;
	v13 =	vmul.f32 v27, v31;
	v14 =	vmul.f32 v6, v51  }
0x235: {  	v60 =	vmovc v42;
	v42 =	vsub.f32 v18, v56;
	v31 =	vmul.f32 v44, v28;
	v12 =	vmul.f32 v6, v50  }
0x236: {  	v62 =	vmovc v57;
	v49 =	vmul.f32 v0, v7;
	v17 =	vmul.f32 v6, v41;
	v57 =	vadd.f32 v14, v14  }
0x237: {  	v44 =	vmul.f32 v34, v25;
	v15 =	vmul.f32 v6, v35;
	v58 =	vadd.f32 v12, v12  }
0x238: {  	p0 =	sne.s32 s4, $0x7C0;
	v21 =	vmul.f32 v20, v22;
	v30 =	vadd.f32 v17, v17;
	v35 =	vmul.f32 v57, v14  }
.Ltmp1:
0x239: {  	v33 =	vld [tilespmem:s21+$0x3A00];
	v56 =	vadd.f32 v4, v2;
	v38 =	vmul.f32 v58, v15;
	v6 =	vmul.f32 v58, v12;
	(pc) =	sbr.rel @p0 .LBB2_4-.Ltmp1, $4  }
0x23a: {  	v36 =	vld [tilespmem:s21+$0x3600];
	v47 =	vadd.f32 v32, v1;
	[tilespmem:s21+$0x4430] =	vst v14;
	v11 =	vmul.f32 v57, v15;
	v27 =	vmul.f32 v30, v14  }
0x23b: {  	v40 =	vld [tilespmem:s21+$0x3800];
	v50 =	vadd.f32 v13, v16;
	[tilespmem:s21+$0x4230] =	vst v12;
	v51 =	vmul.f32 v57, v12;
	v32 =	vmul.f32 v30, v17  }
0x23c: {  	v16 =	vld [tilespmem:s21+$0x3000];
	[tilespmem:s21+$0x4630] =	vst v17;
	v18 =	vmul.f32 v30, v12;
	v41 =	vsub.f32 $1.000000000e+00, v35;
	v13 =	vadd.f32 v38, v27  }
0x23d: {  	s4 =	sadd.s32 $0x40, s4;
	[tilespmem:s21+$0x4830] =	vst v15;
	v57 =	vmul.f32 v30, v15;
	v27 =	vsub.f32 v27, v38;
	v38 =	vld [tilespmem:s21+$0x3200];
	v53 =	vsub.f32 $1.000000000e+00, v6  }
0x23e: {  	v1 =	vadd.f32 v46, v31;
	v6 =	vmul.f32 v49, v24;
	v25 =	vsub.f32 v41, v32  }
0x23f: {  	v8 =	vmul.f32 v44, v33;
	v29 =	vadd.f32 v56, v29;
	v23 =	vadd.f32 v50, v23  }
0x240: {  	v9 =	vmul.f32 v45, v9;
	v58 =	vadd.f32 v54, v55;
	v7 =	vsub.f32 v53, v32  }
0x241: {  	v52 =	vld [tilespmem:$0x1FFA0];
	v46 =	vmul.f32 v44, v22;
	v24 =	vsub.f32 v53, v35;
	v30 =	vadd.f32 v57, v51  }
0x242: {  	v4 =	vld [tilespmem:s21+$0x2E00];
	v32 =	vsub.f32 v51, v57;
	v50 =	vmul.f32 v20, v36;
	v6 =	vmul.f32 v6, v49  }
0x243: {  	v3 =	vld [tilespmem:$0x1FFB0];
	v9 =	vadd.f32 v39, v9;
	v39 =	vmul.f32 v44, v40;
	v23 =	vmul.f32 v23, v23  }
0x244: {  	v53 =	vld [tilespmem:$0x1FFC0];
	v1 =	vadd.f32 v1, v48;
	v55 =	vmul.f32 v20, v40;
	v0 =	vmul.f32 v13, v16  }
0x245: {  	v57 =	vld [tilespmem:$0x1FFD0];
	v29 =	vadd.f32 v29, v43;
	v28 =	vmul.f32 v7, v16;
	v43 =	vmul.f32 v32, v16  }
0x246: {  	v45 =	vsub.f32 v18, v11;
	v31 =	vmul.f32 v24, v38;
	v35 =	vmul.f32 v27, v38  }
0x247: {  	v6 =	vsub.f32 $1.500000000e+00, v6;
	v1 =	vmul.f32 v1, v1;
	v41 =	vmul.f32 v25, v4  }
0x248: {  	v2 =	vadd.f32 v47, v52;
	v51 =	vmul.f32 v30, v4;
	v4 =	vmul.f32 v45, v4  }
0x249: {  	v9 =	vsub.f32 v9, v3;
	v6 =	vmul.f32 v6, v49;
	v56 =	vmul.f32 v34, v53  }
0x24a: {  	v3 =	vmul.f32 v34, v57;
	v34 =	vadd.f32 $-1.000000000e+00, v58;
	v57 =	vmul.f32 v20, v33  }
0x24b: {  	v5 =	vld [tilespmem:$0x1FFE0];
	v9 =	vmul.f32 v9, v9;
	v2 =	vsub.f32 v2, v37;
	v59 =	vmul.f32 v56, v40  }
0x24c: {  	v28 =	vadd.f32 v28, v51;
	v63 =	vmul.f32 v3, v22;
	v48 =	vmul.f32 v56, v36  }
0x24d: {  	v16 =	vadd.f32 v41, v43;
	v49 =	vmul.f32 v56, v22;
	v51 =	vmul.f32 v3, v33  }
0x24e: {  	v0 =	vadd.f32 v0, v4;
	v34 =	vmul.f32 v34, v34;
	v53 =	vmul.f32 v56, v33  }
0x24f: {  	v54 =	vmul.f32 v3, v40;
	v3 =	vmul.f32 v3, v36;
	v9 =	vadd.f32 v9, v10  }
0x250: {  	v5 =	vmul.f32 v6, v5;
	v35 =	vadd.f32 v28, v35;
	v0 =	vadd.f32 v31, v0  }
0x251: {  	v2 =	vmul.f32 v2, v2;
	v22 =	vsub.f32 v51, v49;
	v19 =	vadd.f32 v34, v19  }
0x252: {  	v56 =	vadd.f32 v48, v54;
	v3 =	vsub.f32 v3, v59;
	v59 =	vmul.f32 v44, v36  }
0x253: {  	v33 =	vmul.f32 v5, v25;
	v44 =	vmul.f32 v5, v30;
	v9 =	vadd.f32 v9, v26  }
0x254: {  	v26 =	vmul.f32 v6, v62;
	v0 =	vadd.f32 v0, v52;
	v19 =	vadd.f32 v19, v23  }
0x255: {  	v6 =	vmul.f32 v6, v60;
	v58 =	vsub.f32 v56, v21;
	v22 =	vsub.f32 v22, v50  }
0x256: {  	v5 =	vmul.f32 v5, v45;
	v3 =	vadd.f32 v3, v57;
	v2 =	vadd.f32 v9, v2  }
0x257: {  	v9 =	vadd.f32 v53, v63;
	v40 =	vmul.f32 v6, v32;
	v1 =	vadd.f32 v19, v1  }
0x258: {  	v7 =	vmul.f32 v6, v7;
	v8 =	vadd.f32 v58, v8;
	v63 =	vsub.f32 v22, v39  }
0x259: {  	v6 =	vmul.f32 v6, v13;
	v3 =	vadd.f32 v3, v46;
	v39 =	vadd.f32 v11, v18  }
0x25a: {  	v9 =	vadd.f32 v9, v55;
	v46 =	vadd.f32 v40, v33  }
0x25b: {  	v7 =	vadd.f32 v7, v44;
	v5 =	vadd.f32 v6, v5  }
0x25c: {  	v8 =	vsub.f32 v8, v17;
	v3 =	vsub.f32 v3, v14;
	v47 =	vmul.f32 v26, v39  }
0x25d: {  	v37 =	vld [tilespmem:s21+$0x2600];
	v34 =	vmul.f32 v26, v27;
	v10 =	vsub.f32 v63, v15;
	v9 =	vsub.f32 v9, v59  }
0x25e: {  	v36 =	vld [tilespmem:s21+$0x2C00];
	v14 =	vsub.f32 v35, v61;
	v21 =	vmul.f32 v39, v38;
	v48 =	vadd.f32 v46, v47  }
0x25f: {  	v51 =	vmul.f32 v26, v24;
	v54 =	vadd.f32 v7, v34;
	v9 =	vsub.f32 v9, v12  }
0x260: {  	v53 =	vld [tilespmem:$0x4220];
	v49 =	vadd.f32 v16, v21;
	v50 =	vadd.f32 $-1.000000000e+00, v48  }
0x261: {  	v5 =	vadd.f32 v5, v51;
	v8 =	vmul.f32 v8, v8;
	v9 =	vmul.f32 v9, v9  }
0x262: {  	v3 =	vmul.f32 v3, v3;
	v4 =	vsub.f32 v49, v42;
	v55 =	vmul.f32 v50, v50  }
0x263: {  	v56 =	vmul.f32 v14, v14;
	v12 =	vsub.f32 v37, v36;
	v9 =	vadd.f32 v9, v29  }
0x264: {  	v6 =	vmul.f32 v54, v54;
	v4 =	vmul.f32 v4, v4;
	v1 =	vadd.f32 v55, v1  }
0x265: {  	v58 =	vmul.f32 v53, v53;
	v0 =	vsub.f32 v0, v12;
	v3 =	vadd.f32 v9, v3  }
0x266: {  	v57 =	vmul.f32 v5, v5;
	v2 =	vadd.f32 v4, v2;
	v1 =	vadd.f32 v1, v6  }
0x267: {  	v59 =	vmul.f32 v10, v10;
	v60 =	vnsel vm1, $0x0, v58;
	v3 =	vadd.f32 v3, v8  }
0x268: {  	v0 =	vmul.f32 v0, v0;
	v2 =	vadd.f32 v2, v56;
	v1 =	vadd.f32 v1, v57  }
0x269: {  	(xrf2) =	vadd.scan.msk.f32 $0xffff, v60;
	v3 =	vadd.f32 v3, v59  }
0x26a: {  	v0 =	vadd.f32 v2, v0;
	(xrf2) =	vadd.scan.msk.f32 $0xffff, v1  }
0x26b: {  	(xrf2) =	vadd.scan.msk.f32 $0xffff, v3  }
0x26c: {  	(xrf2) =	vadd.scan.msk.f32 $0xffff, v0;
	_ =	sdelay $0x6  }
0x26d: {  	v61, _, _ =	vpop (xrf2)  }
0x26e: {  	v1, _, _ =	vpop (xrf2)  }
0x26f: {  	v62, _, _ =	vpop (xrf2)  }
0x270: {  	v0 =	vbroadcast v61, $0xF;
	v63, _, _ =	vpop (xrf2)  }
0x271: {  	v3 =	vbroadcast v63, $0xF  }
0x272: {  	v0 =	vnsel vm0, $0x0, v0;
	v2 =	vbroadcast v62, $0xF  }
0x273: {  	v1 =	vbroadcast v1, $0xF;
	v0 =	vsel vm2, v0, v3  }
0x274: {  	v0 =	vsel vm3, v0, v2  }
0x275: {  	v0 =	vsel vm4, v0, v1  }
0x276: {  	s4 =	rddreg [dreg:$0x11];
	s1 =	simm.s32 $0x0;
	s0 =	simm.s32 $0x4230;
	[tilespmem:$0x4A30] =	vst v0  }
0x277: {  	[hbm4b:s4+s1] =	stream.linear.scatter [tilespmem:s0], [sflag:$0x2], $0x200, $0x38;
	[tilespmem:$0x4A40] =	vst v63  }
0x278: {  	_ =	swait.ge [sflag:s26], $0x200  }
0x279: {  	[sflag:s26] =	ssyncset.done $0x0  }
0x27a: {  	s14 =	simm.s32 $0x4430;
	s13 =	rddreg [dreg:$0x12];
	[sflag:s26] =	ssyncadd.s32 $0xFFFFFE00  }
0x27b: {  	[hbm4b:s13+s1] =	stream.linear.scatter [tilespmem:s14], [sflag:$0x2], $0x200, $0x38;
	[tilespmem:$0x4A40] =	vst v63  }
0x27c: {  	_ =	swait.ge [sflag:s26], $0x200  }
0x27d: {  	[sflag:s26] =	ssyncset.done $0x0  }
0x27e: {  	s16 =	simm.s32 $0x4630;
	s15 =	rddreg [dreg:$0x14];
	[sflag:s26] =	ssyncadd.s32 $0xFFFFFE00  }
0x27f: {  	[hbm4b:s15+s1] =	stream.linear.scatter [tilespmem:s16], [sflag:$0x2], $0x200, $0x38;
	[tilespmem:$0x4A40] =	vst v63  }
0x280: {  	_ =	swait.ge [sflag:s26], $0x200  }
0x281: {  	[sflag:s26] =	ssyncset.done $0x0  }
0x282: {  	s18 =	simm.s32 $0x4830;
	s17 =	rddreg [dreg:$0x13];
	[sflag:s26] =	ssyncadd.s32 $0xFFFFFE00  }
0x283: {  	[hbm4b:s17+s1] =	stream.linear.scatter [tilespmem:s18], [sflag:$0x2], $0x200, $0x38;
	[tilespmem:$0x4A40] =	vst v63  }
0x284: {  	_ =	swait.ge [sflag:s26], $0x200  }
0x285: {  	[sflag:s26] =	ssyncset.done $0x0  }
0x286: {  	s19 =	rddreg [dreg:$0x15];
	[sflag:s26] =	ssyncadd.s32 $0xFFFFFE00  }
0x287: {  	[hbm4b:s19+s1] =	stream.linear.scatter [tilespmem:s20], [sflag:$0x2], $0x200, $0x38;
	[tilespmem:$0x4A40] =	vst v63  }
0x288: {  	_ =	swait.ge [sflag:s26], $0x200  }
0x289: {  	[sflag:s26] =	ssyncset.done $0x0  }
0x28a: {  	s21 =	rddreg [dreg:$0x16];
	[sflag:s26] =	ssyncadd.s32 $0xFFFFFE00  }
0x28b: {  	[hbm4b:s21+s1] =	stream.linear.scatter [tilespmem:s6], [sflag:$0x2], $0x200, $0x38;
	[tilespmem:$0x4A40] =	vst v63  }
0x28c: {  	_ =	swait.ge [sflag:s26], $0x200  }
0x28d: {  	[sflag:s26] =	ssyncset.done $0x0  }
0x28e: {  	s24 =	rddreg [dreg:$0x17];
	[sflag:s26] =	ssyncadd.s32 $0xFFFFFE00  }
0x28f: {  	[hbm4b:s24+s1] =	stream.linear.scatter [tilespmem:s2], [sflag:$0x2], $0x200, $0x38;
	[tilespmem:$0x4A40] =	vst v63  }
0x290: {  	_ =	swait.ge [sflag:s26], $0x200  }
0x291: {  	[sflag:s26] =	ssyncset.done $0x0  }
0x292: {  	s29 =	simm.s32 $0x4A30;
	s25 =	rddreg [dreg:$0x18];
	[sflag:s26] =	ssyncadd.s32 $0xFFFFFE00  }
0x293: {  	[hbm4b:s25+s1] =	stream.linear.scatter [tilespmem:s29], [sflag:$0x2], $0x10, $0x38;
	[tilespmem:$0x4A40] =	vst v63  }
0x294: {  	_ =	swait.ge [sflag:s26], $0x10  }
0x295: {  	s30 =	rddreg [dreg:$0x1a]  }
0x296: {  	s31 =	rddreg [dreg:$0x19];
	s0 =	sadd.s32 $0x1, s30  }
0x297: {  	p0 =	sne.s32 s0, s31  }
.Ltmp2:
0x298: {  	_ = 	snop;
	(pc) =	sbr.rel @p0 .LBB2_1-.Ltmp2, $3  }
0x299: {  	_ =	sdelay $0x1  }
0x29a: {  	[sflag:s26] =	ssyncset.done $0x0  }
0x29b: {  	[sflag:s26] =	ssyncadd.s32 $0xFFFFFFF0  }
0x29c: {  	_ =	sfence.sel $0x180000  }
0x29d: {  	[bflag:$0x0] =	sbarrier.arrive $0xFFFF  }
0x29e: {  	_ =	strace $0x90000047  }
0x29f: {  	s0 =	stileid.u32;
	[bflag:$0x2] =	sbarrier.arrive $0xFFFF  }
0x2a0: {  	p0 =	sne.s32 s0, $0x0;
	s0 =	rddreg [dreg:$0x4]  }
0x2a1: {  	s0 =	sadd.s32 @!p0 $0x100000, s0  }
0x2a2: {  	[sflag:s0] =	ssyncadd.tile.s32 @!p0 $0x1;
	_ =	shalt  }
.Lfunc_end2:
_tile_overlayer_lowered:
.L_overlay_start_2:
0x2a3: {  	(tag) =	ssettag $0x2  }
0x2a4: {  	s0 =	rddreg [dreg:$0x0];
	s2 =	stileid.u32  }
0x2a5: {  	s1 =	rddreg [dreg:$0x1];
	p0 =	sne.s32 s2, $0x0  }
0x2a6: {  	s3 =	rddreg [dreg:$0x2];
	[bflag:$0x3] =	sbarrier.arrive $0xFFFF;
	s2 =	simm.s32 @!p0 $0x1C02  }
0x2a7: {  	[timem:s3], [sflag:s2] =	dma.local @!p0 [hbm:s0], s1  }
0x2a8: {  	s0 =	simm.s32 @!p0 $0x2  }
0x2a9: {  	_ =	swait.ge @!p0 [sflag:s0], s1  }
0x2aa: {  	s1 =	ssub.s32 @!p0 $0x0, s1;
	[sflag:s0] =	ssyncset.done @!p0 $0x0  }
0x2ab: {  	[sflag:s0] =	ssyncadd.s32 @!p0 s1  }
0x2ac: {  	[bflag:$0x3] =	sbarrier.arrive $0xFFFF  }
0x2ad: {  	_ =	shalt  }

</sc_bundles>
